<compile_context>
chip_gen: v7x
topology: tpu7x:2x2x1
jax: 0.10.2.dev20260603
libtpu: 0.0.44.dev20260713+nightly
codegen_flags: <defaults>
</compile_context>

<pallas_src>
import functools

import jax
import jax.numpy as jnp
from jax import lax
from jax.experimental import pallas as pl
from jax.experimental.pallas import tpu as pltpu
from jax.experimental.pallas import tpu_sc as plsc

_B, _S, _D, _E, _K = 4, 2048, 4096, 64, 8
_N = _B * _S
_LOAD_BALANCE_SCALE = 0.01
_NOISY_STD = 1.0

_RT = 512
_SC_WORKERS = 32
_RPW = _N // _SC_WORKERS
_NB = 4
_RPB = _RPW // _NB


def _gate_body(x_ref, w_ref, nw_ref, nz_ref, out_ref, loss_ref, acc_ref):
    i = pl.program_id(0)
    logits = lax.dot_general(
        x_ref[...], w_ref[...], (((1,), (1,)), ((), ())),
        preferred_element_type=jnp.float32)

    m = jnp.max(logits, axis=1, keepdims=True)
    e = jnp.exp(logits - m)
    gw = e / jnp.sum(e, axis=1, keepdims=True)

    @pl.when(i == 0)
    def _():
        acc_ref[...] = jnp.zeros_like(acc_ref)

    acc_ref[...] += jnp.sum(gw, axis=0, keepdims=True)
    out_ref[...] = logits + nz_ref[...] * nw_ref[...]

    @pl.when(i == pl.num_programs(0) - 1)
    def _():
        usage = acc_ref[...] / _N
        dev = usage - (1.0 / _E)
        loss_ref[...] = (jnp.sum(dev * dev) / _E * _LOAD_BALANCE_SCALE).reshape(1, 1)


def _gate_logits(x2d, W_g, nw_row, nz2d):
    return pl.pallas_call(
        _gate_body,
        grid=(_N // _RT,),
        in_specs=[
            pl.BlockSpec((_RT, _D), lambda i: (i, 0)),
            pl.BlockSpec((_E, _D), lambda i: (0, 0)),
            pl.BlockSpec((1, _E), lambda i: (0, 0)),
            pl.BlockSpec((_RT, _E), lambda i: (i, 0)),
        ],
        out_specs=[
            pl.BlockSpec((_RT, _E), lambda i: (i, 0)),
            pl.BlockSpec((1, 1), lambda i: (0, 0)),
        ],
        out_shape=[
            jax.ShapeDtypeStruct((_N, _E), jnp.float32),
            jax.ShapeDtypeStruct((1, 1), jnp.float32),
        ],
        scratch_shapes=[pltpu.VMEM((1, _E), jnp.float32)],
    )(x2d, W_g, nw_row, nz2d)


def _topk_sc(logits):
    mesh = plsc.VectorSubcoreMesh(core_axis_name="c", subcore_axis_name="s")

    @functools.partial(
        pl.kernel,
        out_type=[
            jax.ShapeDtypeStruct((_N, _E), jnp.float32),
            jax.ShapeDtypeStruct((_N * _K,), jnp.int32),
        ],
        mesh=mesh,
        scratch_types=[
            pltpu.VMEM((_RPW, _E), jnp.float32),
            pltpu.VMEM((_RPW, _E), jnp.float32),
            pltpu.VMEM((_RPW * _K,), jnp.int32),
            pltpu.SemaphoreType.DMA,
            pltpu.SemaphoreType.DMA,
        ],
        compiler_params=pltpu.CompilerParams(needs_layout_passes=False),
    )
    def k(logits_hbm, w_hbm, idx_hbm, vals_v, w_v, idx_v, sem_in, sem_out):
        wid = lax.axis_index("s") * 2 + lax.axis_index("c")
        base = wid * _RPW

        in_d = [
            pltpu.async_copy(
                logits_hbm.at[pl.ds(base + b * _RPB, _RPB), :],
                vals_v.at[pl.ds(b * _RPB, _RPB), :], sem_in)
            for b in range(_NB)
        ]

        lanes = lax.iota(jnp.int32, 16)
        lt8 = lanes < 8

        def merge(av, ai, bv, bi):
            mv = jnp.where(lt8, av, lax.rev(bv, (0,)))
            mi = jnp.where(lt8, ai, lax.rev(bi, (0,)))
            return plsc.sort_key_val(mv, mi, descending=True)

        out_d = []
        for b in range(_NB):
            in_d[b].wait()

            @plsc.parallel_loop(b * _RPB, (b + 1) * _RPB, unroll=2)
            def row_body(r):
                vs = [vals_v[r, pl.ds(j * 16, 16)] for j in range(4)]
                svs, sis = [], []
                for j in range(4):
                    sv, si = plsc.sort_key_val(vs[j], lanes + j * 16, descending=True)
                    svs.append(sv)
                    sis.append(si)
                d01v, d01i = merge(svs[0], sis[0], svs[1], sis[1])
                d23v, d23i = merge(svs[2], sis[2], svs[3], sis[3])
                fv, fi = merge(d01v, d01i, d23v, d23i)

                m = jnp.max(fv)
                t8 = jnp.min(jnp.where(lt8, fv, jnp.inf))
                ex = jnp.exp(fv - m)
                denom = jnp.broadcast_to(jnp.sum(jnp.where(lt8, ex, 0.0)), (16,))
                inv = jnp.ones((16,), jnp.float32) / denom
                for j in range(4):
                    wj = jnp.where(vs[j] >= t8, jnp.exp(vs[j] - m) * inv, 0.0)
                    w_v[r, pl.ds(j * 16, 16)] = wj
                plsc.store_scatter(idx_v, [r * _K + lanes], fi, mask=lt8)

            out_d.append(pltpu.async_copy(
                w_v.at[pl.ds(b * _RPB, _RPB), :],
                w_hbm.at[pl.ds(base + b * _RPB, _RPB), :], sem_out))
            out_d.append(pltpu.async_copy(
                idx_v.at[pl.ds(b * _RPB * _K, _RPB * _K)],
                idx_hbm.at[pl.ds((base + b * _RPB) * _K, _RPB * _K)], sem_out))
        for d in out_d:
            d.wait()

    return k(logits)


def kernel(x, W_g, noise_weight, noise_raw):
    x2d = x.reshape(_N, _D)
    nz2d = noise_raw.reshape(_N, _E)
    nw_row = (noise_weight * _NOISY_STD).reshape(1, _E)
    logits_noisy, loss = _gate_logits(x2d, W_g, nw_row, nz2d)
    w_flat, idx_flat = _topk_sc(logits_noisy)
    return (
        w_flat.reshape(_B, _S, _E),
        idx_flat.reshape(_B, _S, _K),
        loss.reshape(()),
    )

# --- scband reference (transcript-rebuilt; emitter-appended) ---
"""Pipeline reference for scband-top-kmo-egate-parallel-7499012899150 (READ-ONLY COPY).

The authoritative reference and input builder live on the scoring server;
editing this copy changes nothing except your own understanding.
"""

import jax, jax.numpy as jnp
import numpy as np

B, S, D, E, K = 4, 2048, 4096, 64, 8
LOAD_BALANCE_SCALE = 0.01
NOISY_STD = 1.0


def setup_inputs(seed: int = 0) -> dict:
    key = jax.random.key(seed)
    k1, k2, k3 = jax.random.split(key, 3)
    x = jax.random.normal(k1, (B, S, D), dtype=jnp.float32)
    # nn.Linear(n_embd, num_experts, bias=False) weight: [E, D]
    W_g = jax.random.normal(k2, (E, D), dtype=jnp.float32) * (1.0 / np.sqrt(D))
    # noise_weight initialized to zeros in the torch module
    noise_weight = jnp.zeros((E,), dtype=jnp.float32)
    # torch uses torch.randn_like(logits) inside forward; materialize with a fixed key
    noise_raw = jax.random.normal(k3, (B, S, E), dtype=jnp.float32)
    return {"x": x, "W_g": W_g, "noise_weight": noise_weight, "noise_raw": noise_raw}


def reference(x, W_g, noise_weight, noise_raw):
    # gate linear: x @ W_g.T
    logits = jnp.einsum('bsd,ed->bse', x, W_g)
    gate_weights = jax.nn.softmax(logits, axis=-1)
    gate_weights_flat = gate_weights.reshape(-1, E)
    expert_usage = gate_weights_flat.mean(axis=0)
    uniform_usage = jnp.ones_like(expert_usage) / E
    load_balance_loss = jnp.mean((expert_usage - uniform_usage) ** 2) * LOAD_BALANCE_SCALE
    # noisy logits
    noise = noise_raw * NOISY_STD * noise_weight
    logits_noisy = logits + noise
    # top-k over experts
    top_k_logits_noisy, top_k_indices_global = jax.lax.top_k(logits_noisy, K)
    # scatter top-k values into -inf tensor along last axis
    bi = jnp.arange(B)[:, None, None]
    si = jnp.arange(S)[None, :, None]
    sparse_logits_noisy = jnp.full_like(logits_noisy, -jnp.inf).at[bi, si, top_k_indices_global].set(top_k_logits_noisy)
    top_k_gated_weights = jax.nn.softmax(sparse_logits_noisy, axis=-1)
    return (top_k_gated_weights, top_k_indices_global, load_balance_loss)

if __name__ == "__main__":
    import jax
    _d = setup_inputs()
    print(jax.jit(kernel)(*tuple(_d.values())))

</pallas_src>

<mosaic_0001>
#map = affine_map<(d0, d1) -> (0, 0)>
#map1 = affine_map<(d0, d1) -> (0)>
module attributes {stable_mosaic.version = 14 : i64} {
  func.func @k(%arg0: i32, %arg1: i32, %arg2: memref<8192x64xf32, #tpu.memory_space<hbm>>, %arg3: memref<8192x64xf32, #tpu.memory_space<hbm>>, %arg4: memref<65536xi32, #tpu.memory_space<hbm>>, %arg5: memref<256x64xf32, #tpu.memory_space<vmem>>, %arg6: memref<256x64xf32, #tpu.memory_space<vmem>>, %arg7: memref<2048xi32, #tpu.memory_space<vmem>>, %arg8: memref<!tpu.dma_semaphore, #tpu.memory_space<semaphore_mem>>, %arg9: memref<!tpu.dma_semaphore, #tpu.memory_space<semaphore_mem>>) attributes {dimension_semantics = [#tpu.dimension_semantics<core_parallel>, #tpu.dimension_semantics<subcore_parallel>], iteration_bounds = array<i64: 2, 16>, scalar_prefetch = 0 : i64, scratch_operands = 5 : i64, tpu.core_type = #tpu.core_type<sc_vector_subcore>, window_params = [{transform_indices = #map}, {transform_indices = #map}, {transform_indices = #map1}]} {
    %mul3A = arith.constant 2 : i32
    %mul3A_0 = arith.muli %arg1, %mul3A : i32
    %add3A = arith.addi %mul3A_0, %arg0 : i32
    %mul3A_1 = arith.constant 256 : i32
    %mul3A_2 = arith.muli %add3A, %mul3A_1 : i32
    %add3A_3 = arith.constant 0 : i32
    %add3A_4 = arith.addi %mul3A_2, %add3A_3 : i32
    %dma_start3A = arith.constant 0 : i32
    %dma_start3A_5 = arith.constant 0 : i32
    %dma_start3A_6 = tpu.memref_slice %arg5[%dma_start3A, %dma_start3A_5] : memref<256x64xf32, #tpu.memory_space<vmem>> -> memref<64x64xf32, #tpu.memory_space<vmem>>
    %dma_start3A_7 = arith.constant 0 : i32
    %dma_start3A_8 = tpu.memref_slice %arg2[%add3A_4, %dma_start3A_7] : memref<8192x64xf32, #tpu.memory_space<hbm>> -> memref<64x64xf32, #tpu.memory_space<hbm>>
    %dma_start3A_9 = arith.constant 0 : i32
    %dma_start3A_10 = arith.constant 0 : i32
    %dma_start3A_11 = tpu.memref_slice %arg5[%dma_start3A_9, %dma_start3A_10] : memref<256x64xf32, #tpu.memory_space<vmem>> -> memref<64x64xf32, #tpu.memory_space<vmem>>
    %dma_start3A_12 = arith.constant 0 : i32
    %dma_start3A_13 = tpu.memref_slice %arg2[%add3A_4, %dma_start3A_12] : memref<8192x64xf32, #tpu.memory_space<hbm>> -> memref<64x64xf32, #tpu.memory_space<hbm>>
    tpu.enqueue_dma source(%dma_start3A_13 : memref<64x64xf32, #tpu.memory_space<hbm>>) target(%dma_start3A_11 : memref<64x64xf32, #tpu.memory_space<vmem>>) target_semaphore(%arg8 : memref<!tpu.dma_semaphore, #tpu.memory_space<semaphore_mem>>)
    %add3A_14 = arith.constant 64 : i32
    %add3A_15 = arith.addi %mul3A_2, %add3A_14 : i32
    %dma_start3A_16 = arith.constant 64 : i32
    %dma_start3A_17 = arith.constant 0 : i32
    %dma_start3A_18 = tpu.memref_slice %arg5[%dma_start3A_16, %dma_start3A_17] : memref<256x64xf32, #tpu.memory_space<vmem>> -> memref<64x64xf32, #tpu.memory_space<vmem>>
    %dma_start3A_19 = arith.constant 0 : i32
    %dma_start3A_20 = tpu.memref_slice %arg2[%add3A_15, %dma_start3A_19] : memref<8192x64xf32, #tpu.memory_space<hbm>> -> memref<64x64xf32, #tpu.memory_space<hbm>>
    %dma_start3A_21 = arith.constant 64 : i32
    %dma_start3A_22 = arith.constant 0 : i32
    %dma_start3A_23 = tpu.memref_slice %arg5[%dma_start3A_21, %dma_start3A_22] : memref<256x64xf32, #tpu.memory_space<vmem>> -> memref<64x64xf32, #tpu.memory_space<vmem>>
    %dma_start3A_24 = arith.constant 0 : i32
    %dma_start3A_25 = tpu.memref_slice %arg2[%add3A_15, %dma_start3A_24] : memref<8192x64xf32, #tpu.memory_space<hbm>> -> memref<64x64xf32, #tpu.memory_space<hbm>>
    tpu.enqueue_dma source(%dma_start3A_25 : memref<64x64xf32, #tpu.memory_space<hbm>>) target(%dma_start3A_23 : memref<64x64xf32, #tpu.memory_space<vmem>>) target_semaphore(%arg8 : memref<!tpu.dma_semaphore, #tpu.memory_space<semaphore_mem>>)
    %add3A_26 = arith.constant 128 : i32
    %add3A_27 = arith.addi %mul3A_2, %add3A_26 : i32
    %dma_start3A_28 = arith.constant 128 : i32
    %dma_start3A_29 = arith.constant 0 : i32
    %dma_start3A_30 = tpu.memref_slice %arg5[%dma_start3A_28, %dma_start3A_29] : memref<256x64xf32, #tpu.memory_space<vmem>> -> memref<64x64xf32, #tpu.memory_space<vmem>>
    %dma_start3A_31 = arith.constant 0 : i32
    %dma_start3A_32 = tpu.memref_slice %arg2[%add3A_27, %dma_start3A_31] : memref<8192x64xf32, #tpu.memory_space<hbm>> -> memref<64x64xf32, #tpu.memory_space<hbm>>
    %dma_start3A_33 = arith.constant 128 : i32
    %dma_start3A_34 = arith.constant 0 : i32
    %dma_start3A_35 = tpu.memref_slice %arg5[%dma_start3A_33, %dma_start3A_34] : memref<256x64xf32, #tpu.memory_space<vmem>> -> memref<64x64xf32, #tpu.memory_space<vmem>>
    %dma_start3A_36 = arith.constant 0 : i32
    %dma_start3A_37 = tpu.memref_slice %arg2[%add3A_27, %dma_start3A_36] : memref<8192x64xf32, #tpu.memory_space<hbm>> -> memref<64x64xf32, #tpu.memory_space<hbm>>
    tpu.enqueue_dma source(%dma_start3A_37 : memref<64x64xf32, #tpu.memory_space<hbm>>) target(%dma_start3A_35 : memref<64x64xf32, #tpu.memory_space<vmem>>) target_semaphore(%arg8 : memref<!tpu.dma_semaphore, #tpu.memory_space<semaphore_mem>>)
    %add3A_38 = arith.constant 192 : i32
    %add3A_39 = arith.addi %mul3A_2, %add3A_38 : i32
    %dma_start3A_40 = arith.constant 192 : i32
    %dma_start3A_41 = arith.constant 0 : i32
    %dma_start3A_42 = tpu.memref_slice %arg5[%dma_start3A_40, %dma_start3A_41] : memref<256x64xf32, #tpu.memory_space<vmem>> -> memref<64x64xf32, #tpu.memory_space<vmem>>
    %dma_start3A_43 = arith.constant 0 : i32
    %dma_start3A_44 = tpu.memref_slice %arg2[%add3A_39, %dma_start3A_43] : memref<8192x64xf32, #tpu.memory_space<hbm>> -> memref<64x64xf32, #tpu.memory_space<hbm>>
    %dma_start3A_45 = arith.constant 192 : i32
    %dma_start3A_46 = arith.constant 0 : i32
    %dma_start3A_47 = tpu.memref_slice %arg5[%dma_start3A_45, %dma_start3A_46] : memref<256x64xf32, #tpu.memory_space<vmem>> -> memref<64x64xf32, #tpu.memory_space<vmem>>
    %dma_start3A_48 = arith.constant 0 : i32
    %dma_start3A_49 = tpu.memref_slice %arg2[%add3A_39, %dma_start3A_48] : memref<8192x64xf32, #tpu.memory_space<hbm>> -> memref<64x64xf32, #tpu.memory_space<hbm>>
    tpu.enqueue_dma source(%dma_start3A_49 : memref<64x64xf32, #tpu.memory_space<hbm>>) target(%dma_start3A_47 : memref<64x64xf32, #tpu.memory_space<vmem>>) target_semaphore(%arg8 : memref<!tpu.dma_semaphore, #tpu.memory_space<semaphore_mem>>)
    %iota3A = tpu.iota {dimensions = array<i32: 0>} : vector<16xi32>
    %lt3A = arith.constant 8 : i32
    %lt3A_50 = vector.broadcast %lt3A : i32 to vector<16xi32>
    %lt3A_51 = arith.cmpi slt, %iota3A, %lt3A_50 : vector<16xi32>
    %dma_wait3A = arith.constant 0 : i32
    %dma_wait3A_52 = arith.constant 0 : i32
    %dma_wait3A_53 = tpu.memref_slice %arg5[%dma_wait3A, %dma_wait3A_52] : memref<256x64xf32, #tpu.memory_space<vmem>> -> memref<64x64xf32, #tpu.memory_space<vmem>>
    %dma_wait3A_54 = arith.constant 0 : i32
    %dma_wait3A_55 = tpu.memref_slice %arg2[%add3A_4, %dma_wait3A_54] : memref<8192x64xf32, #tpu.memory_space<hbm>> -> memref<64x64xf32, #tpu.memory_space<hbm>>
    %dma_wait3A_56 = arith.constant 0 : i32
    %dma_wait3A_57 = arith.constant 0 : i32
    %dma_wait3A_58 = tpu.memref_slice %arg5[%dma_wait3A_56, %dma_wait3A_57] : memref<256x64xf32, #tpu.memory_space<vmem>> -> memref<64x64xf32, #tpu.memory_space<vmem>>
    %dma_wait3A_59 = arith.constant 0 : i32
    %dma_wait3A_60 = tpu.memref_slice %arg2[%add3A_4, %dma_wait3A_59] : memref<8192x64xf32, #tpu.memory_space<hbm>> -> memref<64x64xf32, #tpu.memory_space<hbm>>
    tpu.wait_dma2 semaphore(%arg8 : memref<!tpu.dma_semaphore, #tpu.memory_space<semaphore_mem>>) src(%dma_wait3A_60 : memref<64x64xf32, #tpu.memory_space<hbm>>) dst(%dma_wait3A_58 : memref<64x64xf32, #tpu.memory_space<vmem>>)
    %parallel_loop3A = arith.constant 0 : i32
    %parallel_loop3A_61 = arith.constant 64 : i32
    %parallel_loop3A_62 = arith.constant 1 : i32
    scf.for %parallel_loop3A_254 = %parallel_loop3A to %parallel_loop3A_61 step %parallel_loop3A_62  : i32 {
      %parallel_loop3A_255 = arith.index_cast %parallel_loop3A_254 : i32 to index
      %parallel_loop3A_256 = arith.constant 0 : index
      %parallel_loop3A_257 = tpu.vector_load %arg5[%parallel_loop3A_255, %parallel_loop3A_256] {strides = array<i32>} : memref<256x64xf32, #tpu.memory_space<vmem>>, vector<16xf32>,
      %parallel_loop3A_258 = arith.index_cast %parallel_loop3A_254 : i32 to index
      %parallel_loop3A_259 = arith.constant 16 : index
      %parallel_loop3A_260 = tpu.vector_load %arg5[%parallel_loop3A_258, %parallel_loop3A_259] {strides = array<i32>} : memref<256x64xf32, #tpu.memory_space<vmem>>, vector<16xf32>,
      %parallel_loop3A_261 = arith.index_cast %parallel_loop3A_254 : i32 to index
      %parallel_loop3A_262 = arith.constant 32 : index
      %parallel_loop3A_263 = tpu.vector_load %arg5[%parallel_loop3A_261, %parallel_loop3A_262] {strides = array<i32>} : memref<256x64xf32, #tpu.memory_space<vmem>>, vector<16xf32>,
      %parallel_loop3A_264 = arith.index_cast %parallel_loop3A_254 : i32 to index
      %parallel_loop3A_265 = arith.constant 48 : index
      %parallel_loop3A_266 = tpu.vector_load %arg5[%parallel_loop3A_264, %parallel_loop3A_265] {strides = array<i32>} : memref<256x64xf32, #tpu.memory_space<vmem>>, vector<16xf32>,
      %parallel_loop3A_267 = arith.constant 0 : i32
      %parallel_loop3A_268 = vector.broadcast %parallel_loop3A_267 : i32 to vector<16xi32>
      %parallel_loop3A_269 = arith.addi %iota3A, %parallel_loop3A_268 : vector<16xi32>
      %parallel_loop3A_270 = arith.constant dense<true> : vector<16xi1>
      %parallel_loop3A_271, %parallel_loop3A_272, %parallel_loop3A_273 = tpu.sort %parallel_loop3A_257, %parallel_loop3A_269 masked %parallel_loop3A_270 {descending = true} : (vector<16xf32>, vector<16xi32>, vector<16xi1>) -> (vector<16xi1>, vector<16xf32>, vector<16xi32>)
      %parallel_loop3A_274 = arith.constant 16 : i32
      %parallel_loop3A_275 = vector.broadcast %parallel_loop3A_274 : i32 to vector<16xi32>
      %parallel_loop3A_276 = arith.addi %iota3A, %parallel_loop3A_275 : vector<16xi32>
      %parallel_loop3A_277 = arith.constant dense<true> : vector<16xi1>
      %parallel_loop3A_278, %parallel_loop3A_279, %parallel_loop3A_280 = tpu.sort %parallel_loop3A_260, %parallel_loop3A_276 masked %parallel_loop3A_277 {descending = true} : (vector<16xf32>, vector<16xi32>, vector<16xi1>) -> (vector<16xi1>, vector<16xf32>, vector<16xi32>)
      %parallel_loop3A_281 = arith.constant 32 : i32
      %parallel_loop3A_282 = vector.broadcast %parallel_loop3A_281 : i32 to vector<16xi32>
      %parallel_loop3A_283 = arith.addi %iota3A, %parallel_loop3A_282 : vector<16xi32>
      %parallel_loop3A_284 = arith.constant dense<true> : vector<16xi1>
      %parallel_loop3A_285, %parallel_loop3A_286, %parallel_loop3A_287 = tpu.sort %parallel_loop3A_263, %parallel_loop3A_283 masked %parallel_loop3A_284 {descending = true} : (vector<16xf32>, vector<16xi32>, vector<16xi1>) -> (vector<16xi1>, vector<16xf32>, vector<16xi32>)
      %parallel_loop3A_288 = arith.constant 48 : i32
      %parallel_loop3A_289 = vector.broadcast %parallel_loop3A_288 : i32 to vector<16xi32>
      %parallel_loop3A_290 = arith.addi %iota3A, %parallel_loop3A_289 : vector<16xi32>
      %parallel_loop3A_291 = arith.constant dense<true> : vector<16xi1>
      %parallel_loop3A_292, %parallel_loop3A_293, %parallel_loop3A_294 = tpu.sort %parallel_loop3A_266, %parallel_loop3A_290 masked %parallel_loop3A_291 {descending = true} : (vector<16xf32>, vector<16xi32>, vector<16xi1>) -> (vector<16xi1>, vector<16xf32>, vector<16xi32>)
      %parallel_loop3A_295 = arith.constant 15 : i32
      %parallel_loop3A_296 = vector.broadcast %parallel_loop3A_295 : i32 to vector<16xi32>
      %parallel_loop3A_297 = tpu.iota {dimensions = array<i32: 0>} : vector<16xi32>
      %parallel_loop3A_298 = arith.subi %parallel_loop3A_296, %parallel_loop3A_297 : vector<16xi32>
      %parallel_loop3A_299 = tpu.dynamic_gather %parallel_loop3A_279[%parallel_loop3A_298] in [0] : vector<16xf32>, vector<16xi32> -> vector<16xf32>
      %parallel_loop3A_300 = arith.select %lt3A_51, %parallel_loop3A_272, %parallel_loop3A_299 : vector<16xi1>, vector<16xf32>
      %parallel_loop3A_301 = arith.constant 15 : i32
      %parallel_loop3A_302 = vector.broadcast %parallel_loop3A_301 : i32 to vector<16xi32>
      %parallel_loop3A_303 = tpu.iota {dimensions = array<i32: 0>} : vector<16xi32>
      %parallel_loop3A_304 = arith.subi %parallel_loop3A_302, %parallel_loop3A_303 : vector<16xi32>
      %parallel_loop3A_305 = tpu.dynamic_gather %parallel_loop3A_280[%parallel_loop3A_304] in [0] : vector<16xi32>, vector<16xi32> -> vector<16xi32>
      %parallel_loop3A_306 = arith.select %lt3A_51, %parallel_loop3A_273, %parallel_loop3A_305 : vector<16xi1>, vector<16xi32>
      %parallel_loop3A_307 = arith.constant dense<true> : vector<16xi1>
      %parallel_loop3A_308, %parallel_loop3A_309, %parallel_loop3A_310 = tpu.sort %parallel_loop3A_300, %parallel_loop3A_306 masked %parallel_loop3A_307 {descending = true} : (vector<16xf32>, vector<16xi32>, vector<16xi1>) -> (vector<16xi1>, vector<16xf32>, vector<16xi32>)
      %parallel_loop3A_311 = arith.constant 15 : i32
      %parallel_loop3A_312 = vector.broadcast %parallel_loop3A_311 : i32 to vector<16xi32>
      %parallel_loop3A_313 = tpu.iota {dimensions = array<i32: 0>} : vector<16xi32>
      %parallel_loop3A_314 = arith.subi %parallel_loop3A_312, %parallel_loop3A_313 : vector<16xi32>
      %parallel_loop3A_315 = tpu.dynamic_gather %parallel_loop3A_293[%parallel_loop3A_314] in [0] : vector<16xf32>, vector<16xi32> -> vector<16xf32>
      %parallel_loop3A_316 = arith.select %lt3A_51, %parallel_loop3A_286, %parallel_loop3A_315 : vector<16xi1>, vector<16xf32>
      %parallel_loop3A_317 = arith.constant 15 : i32
      %parallel_loop3A_318 = vector.broadcast %parallel_loop3A_317 : i32 to vector<16xi32>
      %parallel_loop3A_319 = tpu.iota {dimensions = array<i32: 0>} : vector<16xi32>
      %parallel_loop3A_320 = arith.subi %parallel_loop3A_318, %parallel_loop3A_319 : vector<16xi32>
      %parallel_loop3A_321 = tpu.dynamic_gather %parallel_loop3A_294[%parallel_loop3A_320] in [0] : vector<16xi32>, vector<16xi32> -> vector<16xi32>
      %parallel_loop3A_322 = arith.select %lt3A_51, %parallel_loop3A_287, %parallel_loop3A_321 : vector<16xi1>, vector<16xi32>
      %parallel_loop3A_323 = arith.constant dense<true> : vector<16xi1>
      %parallel_loop3A_324, %parallel_loop3A_325, %parallel_loop3A_326 = tpu.sort %parallel_loop3A_316, %parallel_loop3A_322 masked %parallel_loop3A_323 {descending = true} : (vector<16xf32>, vector<16xi32>, vector<16xi1>) -> (vector<16xi1>, vector<16xf32>, vector<16xi32>)
      %parallel_loop3A_327 = arith.constant 15 : i32
      %parallel_loop3A_328 = vector.broadcast %parallel_loop3A_327 : i32 to vector<16xi32>
      %parallel_loop3A_329 = tpu.iota {dimensions = array<i32: 0>} : vector<16xi32>
      %parallel_loop3A_330 = arith.subi %parallel_loop3A_328, %parallel_loop3A_329 : vector<16xi32>
      %parallel_loop3A_331 = tpu.dynamic_gather %parallel_loop3A_325[%parallel_loop3A_330] in [0] : vector<16xf32>, vector<16xi32> -> vector<16xf32>
      %parallel_loop3A_332 = arith.select %lt3A_51, %parallel_loop3A_309, %parallel_loop3A_331 : vector<16xi1>, vector<16xf32>
      %parallel_loop3A_333 = arith.constant 15 : i32
      %parallel_loop3A_334 = vector.broadcast %parallel_loop3A_333 : i32 to vector<16xi32>
      %parallel_loop3A_335 = tpu.iota {dimensions = array<i32: 0>} : vector<16xi32>
      %parallel_loop3A_336 = arith.subi %parallel_loop3A_334, %parallel_loop3A_335 : vector<16xi32>
      %parallel_loop3A_337 = tpu.dynamic_gather %parallel_loop3A_326[%parallel_loop3A_336] in [0] : vector<16xi32>, vector<16xi32> -> vector<16xi32>
      %parallel_loop3A_338 = arith.select %lt3A_51, %parallel_loop3A_310, %parallel_loop3A_337 : vector<16xi1>, vector<16xi32>
      %parallel_loop3A_339 = arith.constant dense<true> : vector<16xi1>
      %parallel_loop3A_340, %parallel_loop3A_341, %parallel_loop3A_342 = tpu.sort %parallel_loop3A_332, %parallel_loop3A_338 masked %parallel_loop3A_339 {descending = true} : (vector<16xf32>, vector<16xi32>, vector<16xi1>) -> (vector<16xi1>, vector<16xf32>, vector<16xi32>)
      %parallel_loop3A_343 = arith.constant true
      %parallel_loop3A_344 = vector.broadcast %parallel_loop3A_343 : i1 to vector<16xi1>
      %parallel_loop3A_345 = tpu.scan <max>, %parallel_loop3A_341 masked %parallel_loop3A_344 : vector<16xf32>, vector<16xi1> -> vector<16xf32>
      %parallel_loop3A_346 = vector.extract %parallel_loop3A_345[15] : f32 from vector<16xf32>
      %parallel_loop3A_347 = arith.constant 0x7F800000 : f32
      %parallel_loop3A_348 = vector.broadcast %parallel_loop3A_347 : f32 to vector<16xf32>
      %parallel_loop3A_349 = arith.select %lt3A_51, %parallel_loop3A_341, %parallel_loop3A_348 : vector<16xi1>, vector<16xf32>
      %parallel_loop3A_350 = arith.constant true
      %parallel_loop3A_351 = vector.broadcast %parallel_loop3A_350 : i1 to vector<16xi1>
      %parallel_loop3A_352 = tpu.scan <min>, %parallel_loop3A_349 masked %parallel_loop3A_351 : vector<16xf32>, vector<16xi1> -> vector<16xf32>
      %parallel_loop3A_353 = vector.extract %parallel_loop3A_352[15] : f32 from vector<16xf32>
      %parallel_loop3A_354 = vector.broadcast %parallel_loop3A_346 : f32 to vector<16xf32>
      %parallel_loop3A_355 = arith.subf %parallel_loop3A_341, %parallel_loop3A_354 : vector<16xf32>
      %parallel_loop3A_356 = math.exp %parallel_loop3A_355 : vector<16xf32>
      %parallel_loop3A_357 = arith.constant 0.000000e+00 : f32
      %parallel_loop3A_358 = vector.broadcast %parallel_loop3A_357 : f32 to vector<16xf32>
      %parallel_loop3A_359 = arith.select %lt3A_51, %parallel_loop3A_356, %parallel_loop3A_358 : vector<16xi1>, vector<16xf32>
      %parallel_loop3A_360 = arith.constant true
      %parallel_loop3A_361 = vector.broadcast %parallel_loop3A_360 : i1 to vector<16xi1>
      %parallel_loop3A_362 = tpu.scan <sum>, %parallel_loop3A_359 masked %parallel_loop3A_361 : vector<16xf32>, vector<16xi1> -> vector<16xf32>
      %parallel_loop3A_363 = vector.extract %parallel_loop3A_362[15] : f32 from vector<16xf32>
      %parallel_loop3A_364 = vector.broadcast %parallel_loop3A_363 : f32 to vector<16xf32>
      %parallel_loop3A_365 = arith.constant 1.000000e+00 : f32
      %parallel_loop3A_366 = vector.broadcast %parallel_loop3A_365 : f32 to vector<16xf32>
      %parallel_loop3A_367 = arith.divf %parallel_loop3A_366, %parallel_loop3A_364 : vector<16xf32>
      %parallel_loop3A_368 = vector.broadcast %parallel_loop3A_353 : f32 to vector<16xf32>
      %parallel_loop3A_369 = arith.cmpf oge, %parallel_loop3A_257, %parallel_loop3A_368 : vector<16xf32>
      %parallel_loop3A_370 = vector.broadcast %parallel_loop3A_346 : f32 to vector<16xf32>
      %parallel_loop3A_371 = arith.subf %parallel_loop3A_257, %parallel_loop3A_370 : vector<16xf32>
      %parallel_loop3A_372 = math.exp %parallel_loop3A_371 : vector<16xf32>
      %parallel_loop3A_373 = arith.mulf %parallel_loop3A_372, %parallel_loop3A_367 : vector<16xf32>
      %parallel_loop3A_374 = arith.constant 0.000000e+00 : f32
      %parallel_loop3A_375 = vector.broadcast %parallel_loop3A_374 : f32 to vector<16xf32>
      %parallel_loop3A_376 = arith.select %parallel_loop3A_369, %parallel_loop3A_373, %parallel_loop3A_375 : vector<16xi1>, vector<16xf32>
      %parallel_loop3A_377 = arith.index_cast %parallel_loop3A_254 : i32 to index
      %parallel_loop3A_378 = arith.constant 0 : index
      %parallel_loop3A_379 = tpu.vector_load %arg6[%parallel_loop3A_377, %parallel_loop3A_378] {strides = array<i32>} : memref<256x64xf32, #tpu.memory_space<vmem>>, vector<16xf32>,
      tpu.vector_store %arg6[%parallel_loop3A_377, %parallel_loop3A_378], %parallel_loop3A_376 {strides = array<i32>} : memref<256x64xf32, #tpu.memory_space<vmem>>, vector<16xf32>,
      %parallel_loop3A_380 = vector.broadcast %parallel_loop3A_353 : f32 to vector<16xf32>
      %parallel_loop3A_381 = arith.cmpf oge, %parallel_loop3A_260, %parallel_loop3A_380 : vector<16xf32>
      %parallel_loop3A_382 = vector.broadcast %parallel_loop3A_346 : f32 to vector<16xf32>
      %parallel_loop3A_383 = arith.subf %parallel_loop3A_260, %parallel_loop3A_382 : vector<16xf32>
      %parallel_loop3A_384 = math.exp %parallel_loop3A_383 : vector<16xf32>
      %parallel_loop3A_385 = arith.mulf %parallel_loop3A_384, %parallel_loop3A_367 : vector<16xf32>
      %parallel_loop3A_386 = arith.constant 0.000000e+00 : f32
      %parallel_loop3A_387 = vector.broadcast %parallel_loop3A_386 : f32 to vector<16xf32>
      %parallel_loop3A_388 = arith.select %parallel_loop3A_381, %parallel_loop3A_385, %parallel_loop3A_387 : vector<16xi1>, vector<16xf32>
      %parallel_loop3A_389 = arith.index_cast %parallel_loop3A_254 : i32 to index
      %parallel_loop3A_390 = arith.constant 16 : index
      %parallel_loop3A_391 = tpu.vector_load %arg6[%parallel_loop3A_389, %parallel_loop3A_390] {strides = array<i32>} : memref<256x64xf32, #tpu.memory_space<vmem>>, vector<16xf32>,
      tpu.vector_store %arg6[%parallel_loop3A_389, %parallel_loop3A_390], %parallel_loop3A_388 {strides = array<i32>} : memref<256x64xf32, #tpu.memory_space<vmem>>, vector<16xf32>,
      %parallel_loop3A_392 = vector.broadcast %parallel_loop3A_353 : f32 to vector<16xf32>
      %parallel_loop3A_393 = arith.cmpf oge, %parallel_loop3A_263, %parallel_loop3A_392 : vector<16xf32>
      %parallel_loop3A_394 = vector.broadcast %parallel_loop3A_346 : f32 to vector<16xf32>
      %parallel_loop3A_395 = arith.subf %parallel_loop3A_263, %parallel_loop3A_394 : vector<16xf32>
      %parallel_loop3A_396 = math.exp %parallel_loop3A_395 : vector<16xf32>
      %parallel_loop3A_397 = arith.mulf %parallel_loop3A_396, %parallel_loop3A_367 : vector<16xf32>
      %parallel_loop3A_398 = arith.constant 0.000000e+00 : f32
      %parallel_loop3A_399 = vector.broadcast %parallel_loop3A_398 : f32 to vector<16xf32>
      %parallel_loop3A_400 = arith.select %parallel_loop3A_393, %parallel_loop3A_397, %parallel_loop3A_399 : vector<16xi1>, vector<16xf32>
      %parallel_loop3A_401 = arith.index_cast %parallel_loop3A_254 : i32 to index
      %parallel_loop3A_402 = arith.constant 32 : index
      %parallel_loop3A_403 = tpu.vector_load %arg6[%parallel_loop3A_401, %parallel_loop3A_402] {strides = array<i32>} : memref<256x64xf32, #tpu.memory_space<vmem>>, vector<16xf32>,
      tpu.vector_store %arg6[%parallel_loop3A_401, %parallel_loop3A_402], %parallel_loop3A_400 {strides = array<i32>} : memref<256x64xf32, #tpu.memory_space<vmem>>, vector<16xf32>,
      %parallel_loop3A_404 = vector.broadcast %parallel_loop3A_353 : f32 to vector<16xf32>
      %parallel_loop3A_405 = arith.cmpf oge, %parallel_loop3A_266, %parallel_loop3A_404 : vector<16xf32>
      %parallel_loop3A_406 = vector.broadcast %parallel_loop3A_346 : f32 to vector<16xf32>
      %parallel_loop3A_407 = arith.subf %parallel_loop3A_266, %parallel_loop3A_406 : vector<16xf32>
      %parallel_loop3A_408 = math.exp %parallel_loop3A_407 : vector<16xf32>
      %parallel_loop3A_409 = arith.mulf %parallel_loop3A_408, %parallel_loop3A_367 : vector<16xf32>
      %parallel_loop3A_410 = arith.constant 0.000000e+00 : f32
      %parallel_loop3A_411 = vector.broadcast %parallel_loop3A_410 : f32 to vector<16xf32>
      %parallel_loop3A_412 = arith.select %parallel_loop3A_405, %parallel_loop3A_409, %parallel_loop3A_411 : vector<16xi1>, vector<16xf32>
      %parallel_loop3A_413 = arith.index_cast %parallel_loop3A_254 : i32 to index
      %parallel_loop3A_414 = arith.constant 48 : index
      %parallel_loop3A_415 = tpu.vector_load %arg6[%parallel_loop3A_413, %parallel_loop3A_414] {strides = array<i32>} : memref<256x64xf32, #tpu.memory_space<vmem>>, vector<16xf32>,
      tpu.vector_store %arg6[%parallel_loop3A_413, %parallel_loop3A_414], %parallel_loop3A_412 {strides = array<i32>} : memref<256x64xf32, #tpu.memory_space<vmem>>, vector<16xf32>,
      %parallel_loop3A_416 = arith.constant 8 : i32
      %parallel_loop3A_417 = arith.muli %parallel_loop3A_254, %parallel_loop3A_416 : i32
      %parallel_loop3A_418 = vector.broadcast %parallel_loop3A_417 : i32 to vector<16xi32>
      %parallel_loop3A_419 = arith.addi %parallel_loop3A_418, %iota3A : vector<16xi32>
      tpu.vector_store_idx %arg7[%parallel_loop3A_419], %parallel_loop3A_342 masked %lt3A_51 : memref<2048xi32, #tpu.memory_space<vmem>>[vector<16xi32>], vector<16xi32>, vector<16xi1>
    } {sc.loop_unroll_factor = 2 : i64, sc.parallel_access}
    %add3A_63 = arith.constant 0 : i32
    %add3A_64 = arith.addi %mul3A_2, %add3A_63 : i32
    %dma_start3A_65 = arith.constant 0 : i32
    %dma_start3A_66 = arith.constant 0 : i32
    %dma_start3A_67 = tpu.memref_slice %arg6[%dma_start3A_65, %dma_start3A_66] : memref<256x64xf32, #tpu.memory_space<vmem>> -> memref<64x64xf32, #tpu.memory_space<vmem>>
    %dma_start3A_68 = arith.constant 0 : i32
    %dma_start3A_69 = tpu.memref_slice %arg3[%add3A_64, %dma_start3A_68] : memref<8192x64xf32, #tpu.memory_space<hbm>> -> memref<64x64xf32, #tpu.memory_space<hbm>>
    %dma_start3A_70 = arith.constant 0 : i32
    %dma_start3A_71 = tpu.memref_slice %arg3[%add3A_64, %dma_start3A_70] : memref<8192x64xf32, #tpu.memory_space<hbm>> -> memref<64x64xf32, #tpu.memory_space<hbm>>
    %dma_start3A_72 = arith.constant 0 : i32
    %dma_start3A_73 = arith.constant 0 : i32
    %dma_start3A_74 = tpu.memref_slice %arg6[%dma_start3A_72, %dma_start3A_73] : memref<256x64xf32, #tpu.memory_space<vmem>> -> memref<64x64xf32, #tpu.memory_space<vmem>>
    tpu.enqueue_dma source(%dma_start3A_74 : memref<64x64xf32, #tpu.memory_space<vmem>>) target(%dma_start3A_71 : memref<64x64xf32, #tpu.memory_space<hbm>>) target_semaphore(%arg9 : memref<!tpu.dma_semaphore, #tpu.memory_space<semaphore_mem>>)
    %add3A_75 = arith.constant 0 : i32
    %add3A_76 = arith.addi %mul3A_2, %add3A_75 : i32
    %mul3A_77 = arith.constant 8 : i32
    %mul3A_78 = arith.muli %add3A_76, %mul3A_77 : i32
    %dma_start3A_79 = arith.constant 0 : i32
    %dma_start3A_80 = tpu.memref_slice %arg7[%dma_start3A_79] : memref<2048xi32, #tpu.memory_space<vmem>> -> memref<512xi32, #tpu.memory_space<vmem>>
    %dma_start3A_81 = tpu.memref_slice %arg4[%mul3A_78] : memref<65536xi32, #tpu.memory_space<hbm>> -> memref<512xi32, #tpu.memory_space<hbm>>
    %dma_start3A_82 = tpu.memref_slice %arg4[%mul3A_78] : memref<65536xi32, #tpu.memory_space<hbm>> -> memref<512xi32, #tpu.memory_space<hbm>>
    %dma_start3A_83 = arith.constant 0 : i32
    %dma_start3A_84 = tpu.memref_slice %arg7[%dma_start3A_83] : memref<2048xi32, #tpu.memory_space<vmem>> -> memref<512xi32, #tpu.memory_space<vmem>>
    tpu.enqueue_dma source(%dma_start3A_84 : memref<512xi32, #tpu.memory_space<vmem>>) target(%dma_start3A_82 : memref<512xi32, #tpu.memory_space<hbm>>) target_semaphore(%arg9 : memref<!tpu.dma_semaphore, #tpu.memory_space<semaphore_mem>>)
    %dma_wait3A_85 = arith.constant 64 : i32
    %dma_wait3A_86 = arith.constant 0 : i32
    %dma_wait3A_87 = tpu.memref_slice %arg5[%dma_wait3A_85, %dma_wait3A_86] : memref<256x64xf32, #tpu.memory_space<vmem>> -> memref<64x64xf32, #tpu.memory_space<vmem>>
    %dma_wait3A_88 = arith.constant 0 : i32
    %dma_wait3A_89 = tpu.memref_slice %arg2[%add3A_15, %dma_wait3A_88] : memref<8192x64xf32, #tpu.memory_space<hbm>> -> memref<64x64xf32, #tpu.memory_space<hbm>>
    %dma_wait3A_90 = arith.constant 64 : i32
    %dma_wait3A_91 = arith.constant 0 : i32
    %dma_wait3A_92 = tpu.memref_slice %arg5[%dma_wait3A_90, %dma_wait3A_91] : memref<256x64xf32, #tpu.memory_space<vmem>> -> memref<64x64xf32, #tpu.memory_space<vmem>>
    %dma_wait3A_93 = arith.constant 0 : i32
    %dma_wait3A_94 = tpu.memref_slice %arg2[%add3A_15, %dma_wait3A_93] : memref<8192x64xf32, #tpu.memory_space<hbm>> -> memref<64x64xf32, #tpu.memory_space<hbm>>
    tpu.wait_dma2 semaphore(%arg8 : memref<!tpu.dma_semaphore, #tpu.memory_space<semaphore_mem>>) src(%dma_wait3A_94 : memref<64x64xf32, #tpu.memory_space<hbm>>) dst(%dma_wait3A_92 : memref<64x64xf32, #tpu.memory_space<vmem>>)
    %parallel_loop3A_95 = arith.constant 64 : i32
    %parallel_loop3A_96 = arith.constant 128 : i32
    %parallel_loop3A_97 = arith.constant 1 : i32
    scf.for %parallel_loop3A_254 = %parallel_loop3A_95 to %parallel_loop3A_96 step %parallel_loop3A_97  : i32 {
      %parallel_loop3A_255 = arith.index_cast %parallel_loop3A_254 : i32 to index
      %parallel_loop3A_256 = arith.constant 0 : index
      %parallel_loop3A_257 = tpu.vector_load %arg5[%parallel_loop3A_255, %parallel_loop3A_256] {strides = array<i32>} : memref<256x64xf32, #tpu.memory_space<vmem>>, vector<16xf32>,
      %parallel_loop3A_258 = arith.index_cast %parallel_loop3A_254 : i32 to index
      %parallel_loop3A_259 = arith.constant 16 : index
      %parallel_loop3A_260 = tpu.vector_load %arg5[%parallel_loop3A_258, %parallel_loop3A_259] {strides = array<i32>} : memref<256x64xf32, #tpu.memory_space<vmem>>, vector<16xf32>,
      %parallel_loop3A_261 = arith.index_cast %parallel_loop3A_254 : i32 to index
      %parallel_loop3A_262 = arith.constant 32 : index
      %parallel_loop3A_263 = tpu.vector_load %arg5[%parallel_loop3A_261, %parallel_loop3A_262] {strides = array<i32>} : memref<256x64xf32, #tpu.memory_space<vmem>>, vector<16xf32>,
      %parallel_loop3A_264 = arith.index_cast %parallel_loop3A_254 : i32 to index
      %parallel_loop3A_265 = arith.constant 48 : index
      %parallel_loop3A_266 = tpu.vector_load %arg5[%parallel_loop3A_264, %parallel_loop3A_265] {strides = array<i32>} : memref<256x64xf32, #tpu.memory_space<vmem>>, vector<16xf32>,
      %parallel_loop3A_267 = arith.constant 0 : i32
      %parallel_loop3A_268 = vector.broadcast %parallel_loop3A_267 : i32 to vector<16xi32>
      %parallel_loop3A_269 = arith.addi %iota3A, %parallel_loop3A_268 : vector<16xi32>
      %parallel_loop3A_270 = arith.constant dense<true> : vector<16xi1>
      %parallel_loop3A_271, %parallel_loop3A_272, %parallel_loop3A_273 = tpu.sort %parallel_loop3A_257, %parallel_loop3A_269 masked %parallel_loop3A_270 {descending = true} : (vector<16xf32>, vector<16xi32>, vector<16xi1>) -> (vector<16xi1>, vector<16xf32>, vector<16xi32>)
      %parallel_loop3A_274 = arith.constant 16 : i32
      %parallel_loop3A_275 = vector.broadcast %parallel_loop3A_274 : i32 to vector<16xi32>
      %parallel_loop3A_276 = arith.addi %iota3A, %parallel_loop3A_275 : vector<16xi32>
      %parallel_loop3A_277 = arith.constant dense<true> : vector<16xi1>
      %parallel_loop3A_278, %parallel_loop3A_279, %parallel_loop3A_280 = tpu.sort %parallel_loop3A_260, %parallel_loop3A_276 masked %parallel_loop3A_277 {descending = true} : (vector<16xf32>, vector<16xi32>, vector<16xi1>) -> (vector<16xi1>, vector<16xf32>, vector<16xi32>)
      %parallel_loop3A_281 = arith.constant 32 : i32
      %parallel_loop3A_282 = vector.broadcast %parallel_loop3A_281 : i32 to vector<16xi32>
      %parallel_loop3A_283 = arith.addi %iota3A, %parallel_loop3A_282 : vector<16xi32>
      %parallel_loop3A_284 = arith.constant dense<true> : vector<16xi1>
      %parallel_loop3A_285, %parallel_loop3A_286, %parallel_loop3A_287 = tpu.sort %parallel_loop3A_263, %parallel_loop3A_283 masked %parallel_loop3A_284 {descending = true} : (vector<16xf32>, vector<16xi32>, vector<16xi1>) -> (vector<16xi1>, vector<16xf32>, vector<16xi32>)
      %parallel_loop3A_288 = arith.constant 48 : i32
      %parallel_loop3A_289 = vector.broadcast %parallel_loop3A_288 : i32 to vector<16xi32>
      %parallel_loop3A_290 = arith.addi %iota3A, %parallel_loop3A_289 : vector<16xi32>
      %parallel_loop3A_291 = arith.constant dense<true> : vector<16xi1>
      %parallel_loop3A_292, %parallel_loop3A_293, %parallel_loop3A_294 = tpu.sort %parallel_loop3A_266, %parallel_loop3A_290 masked %parallel_loop3A_291 {descending = true} : (vector<16xf32>, vector<16xi32>, vector<16xi1>) -> (vector<16xi1>, vector<16xf32>, vector<16xi32>)
      %parallel_loop3A_295 = arith.constant 15 : i32
      %parallel_loop3A_296 = vector.broadcast %parallel_loop3A_295 : i32 to vector<16xi32>
      %parallel_loop3A_297 = tpu.iota {dimensions = array<i32: 0>} : vector<16xi32>
      %parallel_loop3A_298 = arith.subi %parallel_loop3A_296, %parallel_loop3A_297 : vector<16xi32>
      %parallel_loop3A_299 = tpu.dynamic_gather %parallel_loop3A_279[%parallel_loop3A_298] in [0] : vector<16xf32>, vector<16xi32> -> vector<16xf32>
      %parallel_loop3A_300 = arith.select %lt3A_51, %parallel_loop3A_272, %parallel_loop3A_299 : vector<16xi1>, vector<16xf32>
      %parallel_loop3A_301 = arith.constant 15 : i32
      %parallel_loop3A_302 = vector.broadcast %parallel_loop3A_301 : i32 to vector<16xi32>
      %parallel_loop3A_303 = tpu.iota {dimensions = array<i32: 0>} : vector<16xi32>
      %parallel_loop3A_304 = arith.subi %parallel_loop3A_302, %parallel_loop3A_303 : vector<16xi32>
      %parallel_loop3A_305 = tpu.dynamic_gather %parallel_loop3A_280[%parallel_loop3A_304] in [0] : vector<16xi32>, vector<16xi32> -> vector<16xi32>
      %parallel_loop3A_306 = arith.select %lt3A_51, %parallel_loop3A_273, %parallel_loop3A_305 : vector<16xi1>, vector<16xi32>
      %parallel_loop3A_307 = arith.constant dense<true> : vector<16xi1>
      %parallel_loop3A_308, %parallel_loop3A_309, %parallel_loop3A_310 = tpu.sort %parallel_loop3A_300, %parallel_loop3A_306 masked %parallel_loop3A_307 {descending = true} : (vector<16xf32>, vector<16xi32>, vector<16xi1>) -> (vector<16xi1>, vector<16xf32>, vector<16xi32>)
      %parallel_loop3A_311 = arith.constant 15 : i32
      %parallel_loop3A_312 = vector.broadcast %parallel_loop3A_311 : i32 to vector<16xi32>
      %parallel_loop3A_313 = tpu.iota {dimensions = array<i32: 0>} : vector<16xi32>
      %parallel_loop3A_314 = arith.subi %parallel_loop3A_312, %parallel_loop3A_313 : vector<16xi32>
      %parallel_loop3A_315 = tpu.dynamic_gather %parallel_loop3A_293[%parallel_loop3A_314] in [0] : vector<16xf32>, vector<16xi32> -> vector<16xf32>
      %parallel_loop3A_316 = arith.select %lt3A_51, %parallel_loop3A_286, %parallel_loop3A_315 : vector<16xi1>, vector<16xf32>
      %parallel_loop3A_317 = arith.constant 15 : i32
      %parallel_loop3A_318 = vector.broadcast %parallel_loop3A_317 : i32 to vector<16xi32>
      %parallel_loop3A_319 = tpu.iota {dimensions = array<i32: 0>} : vector<16xi32>
      %parallel_loop3A_320 = arith.subi %parallel_loop3A_318, %parallel_loop3A_319 : vector<16xi32>
      %parallel_loop3A_321 = tpu.dynamic_gather %parallel_loop3A_294[%parallel_loop3A_320] in [0] : vector<16xi32>, vector<16xi32> -> vector<16xi32>
      %parallel_loop3A_322 = arith.select %lt3A_51, %parallel_loop3A_287, %parallel_loop3A_321 : vector<16xi1>, vector<16xi32>
      %parallel_loop3A_323 = arith.constant dense<true> : vector<16xi1>
      %parallel_loop3A_324, %parallel_loop3A_325, %parallel_loop3A_326 = tpu.sort %parallel_loop3A_316, %parallel_loop3A_322 masked %parallel_loop3A_323 {descending = true} : (vector<16xf32>, vector<16xi32>, vector<16xi1>) -> (vector<16xi1>, vector<16xf32>, vector<16xi32>)
      %parallel_loop3A_327 = arith.constant 15 : i32
      %parallel_loop3A_328 = vector.broadcast %parallel_loop3A_327 : i32 to vector<16xi32>
      %parallel_loop3A_329 = tpu.iota {dimensions = array<i32: 0>} : vector<16xi32>
      %parallel_loop3A_330 = arith.subi %parallel_loop3A_328, %parallel_loop3A_329 : vector<16xi32>
      %parallel_loop3A_331 = tpu.dynamic_gather %parallel_loop3A_325[%parallel_loop3A_330] in [0] : vector<16xf32>, vector<16xi32> -> vector<16xf32>
      %parallel_loop3A_332 = arith.select %lt3A_51, %parallel_loop3A_309, %parallel_loop3A_331 : vector<16xi1>, vector<16xf32>
      %parallel_loop3A_333 = arith.constant 15 : i32
      %parallel_loop3A_334 = vector.broadcast %parallel_loop3A_333 : i32 to vector<16xi32>
      %parallel_loop3A_335 = tpu.iota {dimensions = array<i32: 0>} : vector<16xi32>
      %parallel_loop3A_336 = arith.subi %parallel_loop3A_334, %parallel_loop3A_335 : vector<16xi32>
      %parallel_loop3A_337 = tpu.dynamic_gather %parallel_loop3A_326[%parallel_loop3A_336] in [0] : vector<16xi32>, vector<16xi32> -> vector<16xi32>
      %parallel_loop3A_338 = arith.select %lt3A_51, %parallel_loop3A_310, %parallel_loop3A_337 : vector<16xi1>, vector<16xi32>
      %parallel_loop3A_339 = arith.constant dense<true> : vector<16xi1>
      %parallel_loop3A_340, %parallel_loop3A_341, %parallel_loop3A_342 = tpu.sort %parallel_loop3A_332, %parallel_loop3A_338 masked %parallel_loop3A_339 {descending = true} : (vector<16xf32>, vector<16xi32>, vector<16xi1>) -> (vector<16xi1>, vector<16xf32>, vector<16xi32>)
      %parallel_loop3A_343 = arith.constant true
      %parallel_loop3A_344 = vector.broadcast %parallel_loop3A_343 : i1 to vector<16xi1>
      %parallel_loop3A_345 = tpu.scan <max>, %parallel_loop3A_341 masked %parallel_loop3A_344 : vector<16xf32>, vector<16xi1> -> vector<16xf32>
      %parallel_loop3A_346 = vector.extract %parallel_loop3A_345[15] : f32 from vector<16xf32>
      %parallel_loop3A_347 = arith.constant 0x7F800000 : f32
      %parallel_loop3A_348 = vector.broadcast %parallel_loop3A_347 : f32 to vector<16xf32>
      %parallel_loop3A_349 = arith.select %lt3A_51, %parallel_loop3A_341, %parallel_loop3A_348 : vector<16xi1>, vector<16xf32>
      %parallel_loop3A_350 = arith.constant true
      %parallel_loop3A_351 = vector.broadcast %parallel_loop3A_350 : i1 to vector<16xi1>
      %parallel_loop3A_352 = tpu.scan <min>, %parallel_loop3A_349 masked %parallel_loop3A_351 : vector<16xf32>, vector<16xi1> -> vector<16xf32>
      %parallel_loop3A_353 = vector.extract %parallel_loop3A_352[15] : f32 from vector<16xf32>
      %parallel_loop3A_354 = vector.broadcast %parallel_loop3A_346 : f32 to vector<16xf32>
      %parallel_loop3A_355 = arith.subf %parallel_loop3A_341, %parallel_loop3A_354 : vector<16xf32>
      %parallel_loop3A_356 = math.exp %parallel_loop3A_355 : vector<16xf32>
      %parallel_loop3A_357 = arith.constant 0.000000e+00 : f32
      %parallel_loop3A_358 = vector.broadcast %parallel_loop3A_357 : f32 to vector<16xf32>
      %parallel_loop3A_359 = arith.select %lt3A_51, %parallel_loop3A_356, %parallel_loop3A_358 : vector<16xi1>, vector<16xf32>
      %parallel_loop3A_360 = arith.constant true
      %parallel_loop3A_361 = vector.broadcast %parallel_loop3A_360 : i1 to vector<16xi1>
      %parallel_loop3A_362 = tpu.scan <sum>, %parallel_loop3A_359 masked %parallel_loop3A_361 : vector<16xf32>, vector<16xi1> -> vector<16xf32>
      %parallel_loop3A_363 = vector.extract %parallel_loop3A_362[15] : f32 from vector<16xf32>
      %parallel_loop3A_364 = vector.broadcast %parallel_loop3A_363 : f32 to vector<16xf32>
      %parallel_loop3A_365 = arith.constant 1.000000e+00 : f32
      %parallel_loop3A_366 = vector.broadcast %parallel_loop3A_365 : f32 to vector<16xf32>
      %parallel_loop3A_367 = arith.divf %parallel_loop3A_366, %parallel_loop3A_364 : vector<16xf32>
      %parallel_loop3A_368 = vector.broadcast %parallel_loop3A_353 : f32 to vector<16xf32>
      %parallel_loop3A_369 = arith.cmpf oge, %parallel_loop3A_257, %parallel_loop3A_368 : vector<16xf32>
      %parallel_loop3A_370 = vector.broadcast %parallel_loop3A_346 : f32 to vector<16xf32>
      %parallel_loop3A_371 = arith.subf %parallel_loop3A_257, %parallel_loop3A_370 : vector<16xf32>
      %parallel_loop3A_372 = math.exp %parallel_loop3A_371 : vector<16xf32>
      %parallel_loop3A_373 = arith.mulf %parallel_loop3A_372, %parallel_loop3A_367 : vector<16xf32>
      %parallel_loop3A_374 = arith.constant 0.000000e+00 : f32
      %parallel_loop3A_375 = vector.broadcast %parallel_loop3A_374 : f32 to vector<16xf32>
      %parallel_loop3A_376 = arith.select %parallel_loop3A_369, %parallel_loop3A_373, %parallel_loop3A_375 : vector<16xi1>, vector<16xf32>
      %parallel_loop3A_377 = arith.index_cast %parallel_loop3A_254 : i32 to index
      %parallel_loop3A_378 = arith.constant 0 : index
      %parallel_loop3A_379 = tpu.vector_load %arg6[%parallel_loop3A_377, %parallel_loop3A_378] {strides = array<i32>} : memref<256x64xf32, #tpu.memory_space<vmem>>, vector<16xf32>,
      tpu.vector_store %arg6[%parallel_loop3A_377, %parallel_loop3A_378], %parallel_loop3A_376 {strides = array<i32>} : memref<256x64xf32, #tpu.memory_space<vmem>>, vector<16xf32>,
      %parallel_loop3A_380 = vector.broadcast %parallel_loop3A_353 : f32 to vector<16xf32>
      %parallel_loop3A_381 = arith.cmpf oge, %parallel_loop3A_260, %parallel_loop3A_380 : vector<16xf32>
      %parallel_loop3A_382 = vector.broadcast %parallel_loop3A_346 : f32 to vector<16xf32>
      %parallel_loop3A_383 = arith.subf %parallel_loop3A_260, %parallel_loop3A_382 : vector<16xf32>
      %parallel_loop3A_384 = math.exp %parallel_loop3A_383 : vector<16xf32>
      %parallel_loop3A_385 = arith.mulf %parallel_loop3A_384, %parallel_loop3A_367 : vector<16xf32>
      %parallel_loop3A_386 = arith.constant 0.000000e+00 : f32
      %parallel_loop3A_387 = vector.broadcast %parallel_loop3A_386 : f32 to vector<16xf32>
      %parallel_loop3A_388 = arith.select %parallel_loop3A_381, %parallel_loop3A_385, %parallel_loop3A_387 : vector<16xi1>, vector<16xf32>
      %parallel_loop3A_389 = arith.index_cast %parallel_loop3A_254 : i32 to index
      %parallel_loop3A_390 = arith.constant 16 : index
      %parallel_loop3A_391 = tpu.vector_load %arg6[%parallel_loop3A_389, %parallel_loop3A_390] {strides = array<i32>} : memref<256x64xf32, #tpu.memory_space<vmem>>, vector<16xf32>,
      tpu.vector_store %arg6[%parallel_loop3A_389, %parallel_loop3A_390], %parallel_loop3A_388 {strides = array<i32>} : memref<256x64xf32, #tpu.memory_space<vmem>>, vector<16xf32>,
      %parallel_loop3A_392 = vector.broadcast %parallel_loop3A_353 : f32 to vector<16xf32>
      %parallel_loop3A_393 = arith.cmpf oge, %parallel_loop3A_263, %parallel_loop3A_392 : vector<16xf32>
      %parallel_loop3A_394 = vector.broadcast %parallel_loop3A_346 : f32 to vector<16xf32>
      %parallel_loop3A_395 = arith.subf %parallel_loop3A_263, %parallel_loop3A_394 : vector<16xf32>
      %parallel_loop3A_396 = math.exp %parallel_loop3A_395 : vector<16xf32>
      %parallel_loop3A_397 = arith.mulf %parallel_loop3A_396, %parallel_loop3A_367 : vector<16xf32>
      %parallel_loop3A_398 = arith.constant 0.000000e+00 : f32
      %parallel_loop3A_399 = vector.broadcast %parallel_loop3A_398 : f32 to vector<16xf32>
      %parallel_loop3A_400 = arith.select %parallel_loop3A_393, %parallel_loop3A_397, %parallel_loop3A_399 : vector<16xi1>, vector<16xf32>
      %parallel_loop3A_401 = arith.index_cast %parallel_loop3A_254 : i32 to index
      %parallel_loop3A_402 = arith.constant 32 : index
      %parallel_loop3A_403 = tpu.vector_load %arg6[%parallel_loop3A_401, %parallel_loop3A_402] {strides = array<i32>} : memref<256x64xf32, #tpu.memory_space<vmem>>, vector<16xf32>,
      tpu.vector_store %arg6[%parallel_loop3A_401, %parallel_loop3A_402], %parallel_loop3A_400 {strides = array<i32>} : memref<256x64xf32, #tpu.memory_space<vmem>>, vector<16xf32>,
      %parallel_loop3A_404 = vector.broadcast %parallel_loop3A_353 : f32 to vector<16xf32>
      %parallel_loop3A_405 = arith.cmpf oge, %parallel_loop3A_266, %parallel_loop3A_404 : vector<16xf32>
      %parallel_loop3A_406 = vector.broadcast %parallel_loop3A_346 : f32 to vector<16xf32>
      %parallel_loop3A_407 = arith.subf %parallel_loop3A_266, %parallel_loop3A_406 : vector<16xf32>
      %parallel_loop3A_408 = math.exp %parallel_loop3A_407 : vector<16xf32>
      %parallel_loop3A_409 = arith.mulf %parallel_loop3A_408, %parallel_loop3A_367 : vector<16xf32>
      %parallel_loop3A_410 = arith.constant 0.000000e+00 : f32
      %parallel_loop3A_411 = vector.broadcast %parallel_loop3A_410 : f32 to vector<16xf32>
      %parallel_loop3A_412 = arith.select %parallel_loop3A_405, %parallel_loop3A_409, %parallel_loop3A_411 : vector<16xi1>, vector<16xf32>
      %parallel_loop3A_413 = arith.index_cast %parallel_loop3A_254 : i32 to index
      %parallel_loop3A_414 = arith.constant 48 : index
      %parallel_loop3A_415 = tpu.vector_load %arg6[%parallel_loop3A_413, %parallel_loop3A_414] {strides = array<i32>} : memref<256x64xf32, #tpu.memory_space<vmem>>, vector<16xf32>,
      tpu.vector_store %arg6[%parallel_loop3A_413, %parallel_loop3A_414], %parallel_loop3A_412 {strides = array<i32>} : memref<256x64xf32, #tpu.memory_space<vmem>>, vector<16xf32>,
      %parallel_loop3A_416 = arith.constant 8 : i32
      %parallel_loop3A_417 = arith.muli %parallel_loop3A_254, %parallel_loop3A_416 : i32
      %parallel_loop3A_418 = vector.broadcast %parallel_loop3A_417 : i32 to vector<16xi32>
      %parallel_loop3A_419 = arith.addi %parallel_loop3A_418, %iota3A : vector<16xi32>
      tpu.vector_store_idx %arg7[%parallel_loop3A_419], %parallel_loop3A_342 masked %lt3A_51 : memref<2048xi32, #tpu.memory_space<vmem>>[vector<16xi32>], vector<16xi32>, vector<16xi1>
    } {sc.loop_unroll_factor = 2 : i64, sc.parallel_access}
    %add3A_98 = arith.constant 64 : i32
    %add3A_99 = arith.addi %mul3A_2, %add3A_98 : i32
    %dma_start3A_100 = arith.constant 64 : i32
    %dma_start3A_101 = arith.constant 0 : i32
    %dma_start3A_102 = tpu.memref_slice %arg6[%dma_start3A_100, %dma_start3A_101] : memref<256x64xf32, #tpu.memory_space<vmem>> -> memref<64x64xf32, #tpu.memory_space<vmem>>
    %dma_start3A_103 = arith.constant 0 : i32
    %dma_start3A_104 = tpu.memref_slice %arg3[%add3A_99, %dma_start3A_103] : memref<8192x64xf32, #tpu.memory_space<hbm>> -> memref<64x64xf32, #tpu.memory_space<hbm>>
    %dma_start3A_105 = arith.constant 0 : i32
    %dma_start3A_106 = tpu.memref_slice %arg3[%add3A_99, %dma_start3A_105] : memref<8192x64xf32, #tpu.memory_space<hbm>> -> memref<64x64xf32, #tpu.memory_space<hbm>>
    %dma_start3A_107 = arith.constant 64 : i32
    %dma_start3A_108 = arith.constant 0 : i32
    %dma_start3A_109 = tpu.memref_slice %arg6[%dma_start3A_107, %dma_start3A_108] : memref<256x64xf32, #tpu.memory_space<vmem>> -> memref<64x64xf32, #tpu.memory_space<vmem>>
    tpu.enqueue_dma source(%dma_start3A_109 : memref<64x64xf32, #tpu.memory_space<vmem>>) target(%dma_start3A_106 : memref<64x64xf32, #tpu.memory_space<hbm>>) target_semaphore(%arg9 : memref<!tpu.dma_semaphore, #tpu.memory_space<semaphore_mem>>)
    %add3A_110 = arith.constant 64 : i32
    %add3A_111 = arith.addi %mul3A_2, %add3A_110 : i32
    %mul3A_112 = arith.constant 8 : i32
    %mul3A_113 = arith.muli %add3A_111, %mul3A_112 : i32
    %dma_start3A_114 = arith.constant 512 : i32
    %dma_start3A_115 = tpu.memref_slice %arg7[%dma_start3A_114] : memref<2048xi32, #tpu.memory_space<vmem>> -> memref<512xi32, #tpu.memory_space<vmem>>
    %dma_start3A_116 = tpu.memref_slice %arg4[%mul3A_113] : memref<65536xi32, #tpu.memory_space<hbm>> -> memref<512xi32, #tpu.memory_space<hbm>>
    %dma_start3A_117 = tpu.memref_slice %arg4[%mul3A_113] : memref<65536xi32, #tpu.memory_space<hbm>> -> memref<512xi32, #tpu.memory_space<hbm>>
    %dma_start3A_118 = arith.constant 512 : i32
    %dma_start3A_119 = tpu.memref_slice %arg7[%dma_start3A_118] : memref<2048xi32, #tpu.memory_space<vmem>> -> memref<512xi32, #tpu.memory_space<vmem>>
    tpu.enqueue_dma source(%dma_start3A_119 : memref<512xi32, #tpu.memory_space<vmem>>) target(%dma_start3A_117 : memref<512xi32, #tpu.memory_space<hbm>>) target_semaphore(%arg9 : memref<!tpu.dma_semaphore, #tpu.memory_space<semaphore_mem>>)
    %dma_wait3A_120 = arith.constant 128 : i32
    %dma_wait3A_121 = arith.constant 0 : i32
    %dma_wait3A_122 = tpu.memref_slice %arg5[%dma_wait3A_120, %dma_wait3A_121] : memref<256x64xf32, #tpu.memory_space<vmem>> -> memref<64x64xf32, #tpu.memory_space<vmem>>
    %dma_wait3A_123 = arith.constant 0 : i32
    %dma_wait3A_124 = tpu.memref_slice %arg2[%add3A_27, %dma_wait3A_123] : memref<8192x64xf32, #tpu.memory_space<hbm>> -> memref<64x64xf32, #tpu.memory_space<hbm>>
    %dma_wait3A_125 = arith.constant 128 : i32
    %dma_wait3A_126 = arith.constant 0 : i32
    %dma_wait3A_127 = tpu.memref_slice %arg5[%dma_wait3A_125, %dma_wait3A_126] : memref<256x64xf32, #tpu.memory_space<vmem>> -> memref<64x64xf32, #tpu.memory_space<vmem>>
    %dma_wait3A_128 = arith.constant 0 : i32
    %dma_wait3A_129 = tpu.memref_slice %arg2[%add3A_27, %dma_wait3A_128] : memref<8192x64xf32, #tpu.memory_space<hbm>> -> memref<64x64xf32, #tpu.memory_space<hbm>>
    tpu.wait_dma2 semaphore(%arg8 : memref<!tpu.dma_semaphore, #tpu.memory_space<semaphore_mem>>) src(%dma_wait3A_129 : memref<64x64xf32, #tpu.memory_space<hbm>>) dst(%dma_wait3A_127 : memref<64x64xf32, #tpu.memory_space<vmem>>)
    %parallel_loop3A_130 = arith.constant 128 : i32
    %parallel_loop3A_131 = arith.constant 192 : i32
    %parallel_loop3A_132 = arith.constant 1 : i32
    scf.for %parallel_loop3A_254 = %parallel_loop3A_130 to %parallel_loop3A_131 step %parallel_loop3A_132  : i32 {
      %parallel_loop3A_255 = arith.index_cast %parallel_loop3A_254 : i32 to index
      %parallel_loop3A_256 = arith.constant 0 : index
      %parallel_loop3A_257 = tpu.vector_load %arg5[%parallel_loop3A_255, %parallel_loop3A_256] {strides = array<i32>} : memref<256x64xf32, #tpu.memory_space<vmem>>, vector<16xf32>,
      %parallel_loop3A_258 = arith.index_cast %parallel_loop3A_254 : i32 to index
      %parallel_loop3A_259 = arith.constant 16 : index
      %parallel_loop3A_260 = tpu.vector_load %arg5[%parallel_loop3A_258, %parallel_loop3A_259] {strides = array<i32>} : memref<256x64xf32, #tpu.memory_space<vmem>>, vector<16xf32>,
      %parallel_loop3A_261 = arith.index_cast %parallel_loop3A_254 : i32 to index
      %parallel_loop3A_262 = arith.constant 32 : index
      %parallel_loop3A_263 = tpu.vector_load %arg5[%parallel_loop3A_261, %parallel_loop3A_262] {strides = array<i32>} : memref<256x64xf32, #tpu.memory_space<vmem>>, vector<16xf32>,
      %parallel_loop3A_264 = arith.index_cast %parallel_loop3A_254 : i32 to index
      %parallel_loop3A_265 = arith.constant 48 : index
      %parallel_loop3A_266 = tpu.vector_load %arg5[%parallel_loop3A_264, %parallel_loop3A_265] {strides = array<i32>} : memref<256x64xf32, #tpu.memory_space<vmem>>, vector<16xf32>,
      %parallel_loop3A_267 = arith.constant 0 : i32
      %parallel_loop3A_268 = vector.broadcast %parallel_loop3A_267 : i32 to vector<16xi32>
      %parallel_loop3A_269 = arith.addi %iota3A, %parallel_loop3A_268 : vector<16xi32>
      %parallel_loop3A_270 = arith.constant dense<true> : vector<16xi1>
      %parallel_loop3A_271, %parallel_loop3A_272, %parallel_loop3A_273 = tpu.sort %parallel_loop3A_257, %parallel_loop3A_269 masked %parallel_loop3A_270 {descending = true} : (vector<16xf32>, vector<16xi32>, vector<16xi1>) -> (vector<16xi1>, vector<16xf32>, vector<16xi32>)
      %parallel_loop3A_274 = arith.constant 16 : i32
      %parallel_loop3A_275 = vector.broadcast %parallel_loop3A_274 : i32 to vector<16xi32>
      %parallel_loop3A_276 = arith.addi %iota3A, %parallel_loop3A_275 : vector<16xi32>
      %parallel_loop3A_277 = arith.constant dense<true> : vector<16xi1>
      %parallel_loop3A_278, %parallel_loop3A_279, %parallel_loop3A_280 = tpu.sort %parallel_loop3A_260, %parallel_loop3A_276 masked %parallel_loop3A_277 {descending = true} : (vector<16xf32>, vector<16xi32>, vector<16xi1>) -> (vector<16xi1>, vector<16xf32>, vector<16xi32>)
      %parallel_loop3A_281 = arith.constant 32 : i32
      %parallel_loop3A_282 = vector.broadcast %parallel_loop3A_281 : i32 to vector<16xi32>
      %parallel_loop3A_283 = arith.addi %iota3A, %parallel_loop3A_282 : vector<16xi32>
      %parallel_loop3A_284 = arith.constant dense<true> : vector<16xi1>
      %parallel_loop3A_285, %parallel_loop3A_286, %parallel_loop3A_287 = tpu.sort %parallel_loop3A_263, %parallel_loop3A_283 masked %parallel_loop3A_284 {descending = true} : (vector<16xf32>, vector<16xi32>, vector<16xi1>) -> (vector<16xi1>, vector<16xf32>, vector<16xi32>)
      %parallel_loop3A_288 = arith.constant 48 : i32
      %parallel_loop3A_289 = vector.broadcast %parallel_loop3A_288 : i32 to vector<16xi32>
      %parallel_loop3A_290 = arith.addi %iota3A, %parallel_loop3A_289 : vector<16xi32>
      %parallel_loop3A_291 = arith.constant dense<true> : vector<16xi1>
      %parallel_loop3A_292, %parallel_loop3A_293, %parallel_loop3A_294 = tpu.sort %parallel_loop3A_266, %parallel_loop3A_290 masked %parallel_loop3A_291 {descending = true} : (vector<16xf32>, vector<16xi32>, vector<16xi1>) -> (vector<16xi1>, vector<16xf32>, vector<16xi32>)
      %parallel_loop3A_295 = arith.constant 15 : i32
      %parallel_loop3A_296 = vector.broadcast %parallel_loop3A_295 : i32 to vector<16xi32>
      %parallel_loop3A_297 = tpu.iota {dimensions = array<i32: 0>} : vector<16xi32>
      %parallel_loop3A_298 = arith.subi %parallel_loop3A_296, %parallel_loop3A_297 : vector<16xi32>
      %parallel_loop3A_299 = tpu.dynamic_gather %parallel_loop3A_279[%parallel_loop3A_298] in [0] : vector<16xf32>, vector<16xi32> -> vector<16xf32>
      %parallel_loop3A_300 = arith.select %lt3A_51, %parallel_loop3A_272, %parallel_loop3A_299 : vector<16xi1>, vector<16xf32>
      %parallel_loop3A_301 = arith.constant 15 : i32
      %parallel_loop3A_302 = vector.broadcast %parallel_loop3A_301 : i32 to vector<16xi32>
      %parallel_loop3A_303 = tpu.iota {dimensions = array<i32: 0>} : vector<16xi32>
      %parallel_loop3A_304 = arith.subi %parallel_loop3A_302, %parallel_loop3A_303 : vector<16xi32>
      %parallel_loop3A_305 = tpu.dynamic_gather %parallel_loop3A_280[%parallel_loop3A_304] in [0] : vector<16xi32>, vector<16xi32> -> vector<16xi32>
      %parallel_loop3A_306 = arith.select %lt3A_51, %parallel_loop3A_273, %parallel_loop3A_305 : vector<16xi1>, vector<16xi32>
      %parallel_loop3A_307 = arith.constant dense<true> : vector<16xi1>
      %parallel_loop3A_308, %parallel_loop3A_309, %parallel_loop3A_310 = tpu.sort %parallel_loop3A_300, %parallel_loop3A_306 masked %parallel_loop3A_307 {descending = true} : (vector<16xf32>, vector<16xi32>, vector<16xi1>) -> (vector<16xi1>, vector<16xf32>, vector<16xi32>)
      %parallel_loop3A_311 = arith.constant 15 : i32
      %parallel_loop3A_312 = vector.broadcast %parallel_loop3A_311 : i32 to vector<16xi32>
      %parallel_loop3A_313 = tpu.iota {dimensions = array<i32: 0>} : vector<16xi32>
      %parallel_loop3A_314 = arith.subi %parallel_loop3A_312, %parallel_loop3A_313 : vector<16xi32>
      %parallel_loop3A_315 = tpu.dynamic_gather %parallel_loop3A_293[%parallel_loop3A_314] in [0] : vector<16xf32>, vector<16xi32> -> vector<16xf32>
      %parallel_loop3A_316 = arith.select %lt3A_51, %parallel_loop3A_286, %parallel_loop3A_315 : vector<16xi1>, vector<16xf32>
      %parallel_loop3A_317 = arith.constant 15 : i32
      %parallel_loop3A_318 = vector.broadcast %parallel_loop3A_317 : i32 to vector<16xi32>
      %parallel_loop3A_319 = tpu.iota {dimensions = array<i32: 0>} : vector<16xi32>
      %parallel_loop3A_320 = arith.subi %parallel_loop3A_318, %parallel_loop3A_319 : vector<16xi32>
      %parallel_loop3A_321 = tpu.dynamic_gather %parallel_loop3A_294[%parallel_loop3A_320] in [0] : vector<16xi32>, vector<16xi32> -> vector<16xi32>
      %parallel_loop3A_322 = arith.select %lt3A_51, %parallel_loop3A_287, %parallel_loop3A_321 : vector<16xi1>, vector<16xi32>
      %parallel_loop3A_323 = arith.constant dense<true> : vector<16xi1>
      %parallel_loop3A_324, %parallel_loop3A_325, %parallel_loop3A_326 = tpu.sort %parallel_loop3A_316, %parallel_loop3A_322 masked %parallel_loop3A_323 {descending = true} : (vector<16xf32>, vector<16xi32>, vector<16xi1>) -> (vector<16xi1>, vector<16xf32>, vector<16xi32>)
      %parallel_loop3A_327 = arith.constant 15 : i32
      %parallel_loop3A_328 = vector.broadcast %parallel_loop3A_327 : i32 to vector<16xi32>
      %parallel_loop3A_329 = tpu.iota {dimensions = array<i32: 0>} : vector<16xi32>
      %parallel_loop3A_330 = arith.subi %parallel_loop3A_328, %parallel_loop3A_329 : vector<16xi32>
      %parallel_loop3A_331 = tpu.dynamic_gather %parallel_loop3A_325[%parallel_loop3A_330] in [0] : vector<16xf32>, vector<16xi32> -> vector<16xf32>
      %parallel_loop3A_332 = arith.select %lt3A_51, %parallel_loop3A_309, %parallel_loop3A_331 : vector<16xi1>, vector<16xf32>
      %parallel_loop3A_333 = arith.constant 15 : i32
      %parallel_loop3A_334 = vector.broadcast %parallel_loop3A_333 : i32 to vector<16xi32>
      %parallel_loop3A_335 = tpu.iota {dimensions = array<i32: 0>} : vector<16xi32>
      %parallel_loop3A_336 = arith.subi %parallel_loop3A_334, %parallel_loop3A_335 : vector<16xi32>
      %parallel_loop3A_337 = tpu.dynamic_gather %parallel_loop3A_326[%parallel_loop3A_336] in [0] : vector<16xi32>, vector<16xi32> -> vector<16xi32>
      %parallel_loop3A_338 = arith.select %lt3A_51, %parallel_loop3A_310, %parallel_loop3A_337 : vector<16xi1>, vector<16xi32>
      %parallel_loop3A_339 = arith.constant dense<true> : vector<16xi1>
      %parallel_loop3A_340, %parallel_loop3A_341, %parallel_loop3A_342 = tpu.sort %parallel_loop3A_332, %parallel_loop3A_338 masked %parallel_loop3A_339 {descending = true} : (vector<16xf32>, vector<16xi32>, vector<16xi1>) -> (vector<16xi1>, vector<16xf32>, vector<16xi32>)
      %parallel_loop3A_343 = arith.constant true
      %parallel_loop3A_344 = vector.broadcast %parallel_loop3A_343 : i1 to vector<16xi1>
      %parallel_loop3A_345 = tpu.scan <max>, %parallel_loop3A_341 masked %parallel_loop3A_344 : vector<16xf32>, vector<16xi1> -> vector<16xf32>
      %parallel_loop3A_346 = vector.extract %parallel_loop3A_345[15] : f32 from vector<16xf32>
      %parallel_loop3A_347 = arith.constant 0x7F800000 : f32
      %parallel_loop3A_348 = vector.broadcast %parallel_loop3A_347 : f32 to vector<16xf32>
      %parallel_loop3A_349 = arith.select %lt3A_51, %parallel_loop3A_341, %parallel_loop3A_348 : vector<16xi1>, vector<16xf32>
      %parallel_loop3A_350 = arith.constant true
      %parallel_loop3A_351 = vector.broadcast %parallel_loop3A_350 : i1 to vector<16xi1>
      %parallel_loop3A_352 = tpu.scan <min>, %parallel_loop3A_349 masked %parallel_loop3A_351 : vector<16xf32>, vector<16xi1> -> vector<16xf32>
      %parallel_loop3A_353 = vector.extract %parallel_loop3A_352[15] : f32 from vector<16xf32>
      %parallel_loop3A_354 = vector.broadcast %parallel_loop3A_346 : f32 to vector<16xf32>
      %parallel_loop3A_355 = arith.subf %parallel_loop3A_341, %parallel_loop3A_354 : vector<16xf32>
      %parallel_loop3A_356 = math.exp %parallel_loop3A_355 : vector<16xf32>
      %parallel_loop3A_357 = arith.constant 0.000000e+00 : f32
      %parallel_loop3A_358 = vector.broadcast %parallel_loop3A_357 : f32 to vector<16xf32>
      %parallel_loop3A_359 = arith.select %lt3A_51, %parallel_loop3A_356, %parallel_loop3A_358 : vector<16xi1>, vector<16xf32>
      %parallel_loop3A_360 = arith.constant true
      %parallel_loop3A_361 = vector.broadcast %parallel_loop3A_360 : i1 to vector<16xi1>
      %parallel_loop3A_362 = tpu.scan <sum>, %parallel_loop3A_359 masked %parallel_loop3A_361 : vector<16xf32>, vector<16xi1> -> vector<16xf32>
      %parallel_loop3A_363 = vector.extract %parallel_loop3A_362[15] : f32 from vector<16xf32>
      %parallel_loop3A_364 = vector.broadcast %parallel_loop3A_363 : f32 to vector<16xf32>
      %parallel_loop3A_365 = arith.constant 1.000000e+00 : f32
      %parallel_loop3A_366 = vector.broadcast %parallel_loop3A_365 : f32 to vector<16xf32>
      %parallel_loop3A_367 = arith.divf %parallel_loop3A_366, %parallel_loop3A_364 : vector<16xf32>
      %parallel_loop3A_368 = vector.broadcast %parallel_loop3A_353 : f32 to vector<16xf32>
      %parallel_loop3A_369 = arith.cmpf oge, %parallel_loop3A_257, %parallel_loop3A_368 : vector<16xf32>
      %parallel_loop3A_370 = vector.broadcast %parallel_loop3A_346 : f32 to vector<16xf32>
      %parallel_loop3A_371 = arith.subf %parallel_loop3A_257, %parallel_loop3A_370 : vector<16xf32>
      %parallel_loop3A_372 = math.exp %parallel_loop3A_371 : vector<16xf32>
      %parallel_loop3A_373 = arith.mulf %parallel_loop3A_372, %parallel_loop3A_367 : vector<16xf32>
      %parallel_loop3A_374 = arith.constant 0.000000e+00 : f32
      %parallel_loop3A_375 = vector.broadcast %parallel_loop3A_374 : f32 to vector<16xf32>
      %parallel_loop3A_376 = arith.select %parallel_loop3A_369, %parallel_loop3A_373, %parallel_loop3A_375 : vector<16xi1>, vector<16xf32>
      %parallel_loop3A_377 = arith.index_cast %parallel_loop3A_254 : i32 to index
      %parallel_loop3A_378 = arith.constant 0 : index
      %parallel_loop3A_379 = tpu.vector_load %arg6[%parallel_loop3A_377, %parallel_loop3A_378] {strides = array<i32>} : memref<256x64xf32, #tpu.memory_space<vmem>>, vector<16xf32>,
      tpu.vector_store %arg6[%parallel_loop3A_377, %parallel_loop3A_378], %parallel_loop3A_376 {strides = array<i32>} : memref<256x64xf32, #tpu.memory_space<vmem>>, vector<16xf32>,
      %parallel_loop3A_380 = vector.broadcast %parallel_loop3A_353 : f32 to vector<16xf32>
      %parallel_loop3A_381 = arith.cmpf oge, %parallel_loop3A_260, %parallel_loop3A_380 : vector<16xf32>
      %parallel_loop3A_382 = vector.broadcast %parallel_loop3A_346 : f32 to vector<16xf32>
      %parallel_loop3A_383 = arith.subf %parallel_loop3A_260, %parallel_loop3A_382 : vector<16xf32>
      %parallel_loop3A_384 = math.exp %parallel_loop3A_383 : vector<16xf32>
      %parallel_loop3A_385 = arith.mulf %parallel_loop3A_384, %parallel_loop3A_367 : vector<16xf32>
      %parallel_loop3A_386 = arith.constant 0.000000e+00 : f32
      %parallel_loop3A_387 = vector.broadcast %parallel_loop3A_386 : f32 to vector<16xf32>
      %parallel_loop3A_388 = arith.select %parallel_loop3A_381, %parallel_loop3A_385, %parallel_loop3A_387 : vector<16xi1>, vector<16xf32>
      %parallel_loop3A_389 = arith.index_cast %parallel_loop3A_254 : i32 to index
      %parallel_loop3A_390 = arith.constant 16 : index
      %parallel_loop3A_391 = tpu.vector_load %arg6[%parallel_loop3A_389, %parallel_loop3A_390] {strides = array<i32>} : memref<256x64xf32, #tpu.memory_space<vmem>>, vector<16xf32>,
      tpu.vector_store %arg6[%parallel_loop3A_389, %parallel_loop3A_390], %parallel_loop3A_388 {strides = array<i32>} : memref<256x64xf32, #tpu.memory_space<vmem>>, vector<16xf32>,
      %parallel_loop3A_392 = vector.broadcast %parallel_loop3A_353 : f32 to vector<16xf32>
      %parallel_loop3A_393 = arith.cmpf oge, %parallel_loop3A_263, %parallel_loop3A_392 : vector<16xf32>
      %parallel_loop3A_394 = vector.broadcast %parallel_loop3A_346 : f32 to vector<16xf32>
      %parallel_loop3A_395 = arith.subf %parallel_loop3A_263, %parallel_loop3A_394 : vector<16xf32>
      %parallel_loop3A_396 = math.exp %parallel_loop3A_395 : vector<16xf32>
      %parallel_loop3A_397 = arith.mulf %parallel_loop3A_396, %parallel_loop3A_367 : vector<16xf32>
      %parallel_loop3A_398 = arith.constant 0.000000e+00 : f32
      %parallel_loop3A_399 = vector.broadcast %parallel_loop3A_398 : f32 to vector<16xf32>
      %parallel_loop3A_400 = arith.select %parallel_loop3A_393, %parallel_loop3A_397, %parallel_loop3A_399 : vector<16xi1>, vector<16xf32>
      %parallel_loop3A_401 = arith.index_cast %parallel_loop3A_254 : i32 to index
      %parallel_loop3A_402 = arith.constant 32 : index
      %parallel_loop3A_403 = tpu.vector_load %arg6[%parallel_loop3A_401, %parallel_loop3A_402] {strides = array<i32>} : memref<256x64xf32, #tpu.memory_space<vmem>>, vector<16xf32>,
      tpu.vector_store %arg6[%parallel_loop3A_401, %parallel_loop3A_402], %parallel_loop3A_400 {strides = array<i32>} : memref<256x64xf32, #tpu.memory_space<vmem>>, vector<16xf32>,
      %parallel_loop3A_404 = vector.broadcast %parallel_loop3A_353 : f32 to vector<16xf32>
      %parallel_loop3A_405 = arith.cmpf oge, %parallel_loop3A_266, %parallel_loop3A_404 : vector<16xf32>
      %parallel_loop3A_406 = vector.broadcast %parallel_loop3A_346 : f32 to vector<16xf32>
      %parallel_loop3A_407 = arith.subf %parallel_loop3A_266, %parallel_loop3A_406 : vector<16xf32>
      %parallel_loop3A_408 = math.exp %parallel_loop3A_407 : vector<16xf32>
      %parallel_loop3A_409 = arith.mulf %parallel_loop3A_408, %parallel_loop3A_367 : vector<16xf32>
      %parallel_loop3A_410 = arith.constant 0.000000e+00 : f32
      %parallel_loop3A_411 = vector.broadcast %parallel_loop3A_410 : f32 to vector<16xf32>
      %parallel_loop3A_412 = arith.select %parallel_loop3A_405, %parallel_loop3A_409, %parallel_loop3A_411 : vector<16xi1>, vector<16xf32>
      %parallel_loop3A_413 = arith.index_cast %parallel_loop3A_254 : i32 to index
      %parallel_loop3A_414 = arith.constant 48 : index
      %parallel_loop3A_415 = tpu.vector_load %arg6[%parallel_loop3A_413, %parallel_loop3A_414] {strides = array<i32>} : memref<256x64xf32, #tpu.memory_space<vmem>>, vector<16xf32>,
      tpu.vector_store %arg6[%parallel_loop3A_413, %parallel_loop3A_414], %parallel_loop3A_412 {strides = array<i32>} : memref<256x64xf32, #tpu.memory_space<vmem>>, vector<16xf32>,
      %parallel_loop3A_416 = arith.constant 8 : i32
      %parallel_loop3A_417 = arith.muli %parallel_loop3A_254, %parallel_loop3A_416 : i32
      %parallel_loop3A_418 = vector.broadcast %parallel_loop3A_417 : i32 to vector<16xi32>
      %parallel_loop3A_419 = arith.addi %parallel_loop3A_418, %iota3A : vector<16xi32>
      tpu.vector_store_idx %arg7[%parallel_loop3A_419], %parallel_loop3A_342 masked %lt3A_51 : memref<2048xi32, #tpu.memory_space<vmem>>[vector<16xi32>], vector<16xi32>, vector<16xi1>
    } {sc.loop_unroll_factor = 2 : i64, sc.parallel_access}
    %add3A_133 = arith.constant 128 : i32
    %add3A_134 = arith.addi %mul3A_2, %add3A_133 : i32
    %dma_start3A_135 = arith.constant 128 : i32
    %dma_start3A_136 = arith.constant 0 : i32
    %dma_start3A_137 = tpu.memref_slice %arg6[%dma_start3A_135, %dma_start3A_136] : memref<256x64xf32, #tpu.memory_space<vmem>> -> memref<64x64xf32, #tpu.memory_space<vmem>>
    %dma_start3A_138 = arith.constant 0 : i32
    %dma_start3A_139 = tpu.memref_slice %arg3[%add3A_134, %dma_start3A_138] : memref<8192x64xf32, #tpu.memory_space<hbm>> -> memref<64x64xf32, #tpu.memory_space<hbm>>
    %dma_start3A_140 = arith.constant 0 : i32
    %dma_start3A_141 = tpu.memref_slice %arg3[%add3A_134, %dma_start3A_140] : memref<8192x64xf32, #tpu.memory_space<hbm>> -> memref<64x64xf32, #tpu.memory_space<hbm>>
    %dma_start3A_142 = arith.constant 128 : i32
    %dma_start3A_143 = arith.constant 0 : i32
    %dma_start3A_144 = tpu.memref_slice %arg6[%dma_start3A_142, %dma_start3A_143] : memref<256x64xf32, #tpu.memory_space<vmem>> -> memref<64x64xf32, #tpu.memory_space<vmem>>
    tpu.enqueue_dma source(%dma_start3A_144 : memref<64x64xf32, #tpu.memory_space<vmem>>) target(%dma_start3A_141 : memref<64x64xf32, #tpu.memory_space<hbm>>) target_semaphore(%arg9 : memref<!tpu.dma_semaphore, #tpu.memory_space<semaphore_mem>>)
    %add3A_145 = arith.constant 128 : i32
    %add3A_146 = arith.addi %mul3A_2, %add3A_145 : i32
    %mul3A_147 = arith.constant 8 : i32
    %mul3A_148 = arith.muli %add3A_146, %mul3A_147 : i32
    %dma_start3A_149 = arith.constant 1024 : i32
    %dma_start3A_150 = tpu.memref_slice %arg7[%dma_start3A_149] : memref<2048xi32, #tpu.memory_space<vmem>> -> memref<512xi32, #tpu.memory_space<vmem>>
    %dma_start3A_151 = tpu.memref_slice %arg4[%mul3A_148] : memref<65536xi32, #tpu.memory_space<hbm>> -> memref<512xi32, #tpu.memory_space<hbm>>
    %dma_start3A_152 = tpu.memref_slice %arg4[%mul3A_148] : memref<65536xi32, #tpu.memory_space<hbm>> -> memref<512xi32, #tpu.memory_space<hbm>>
    %dma_start3A_153 = arith.constant 1024 : i32
    %dma_start3A_154 = tpu.memref_slice %arg7[%dma_start3A_153] : memref<2048xi32, #tpu.memory_space<vmem>> -> memref<512xi32, #tpu.memory_space<vmem>>
    tpu.enqueue_dma source(%dma_start3A_154 : memref<512xi32, #tpu.memory_space<vmem>>) target(%dma_start3A_152 : memref<512xi32, #tpu.memory_space<hbm>>) target_semaphore(%arg9 : memref<!tpu.dma_semaphore, #tpu.memory_space<semaphore_mem>>)
    %dma_wait3A_155 = arith.constant 192 : i32
    %dma_wait3A_156 = arith.constant 0 : i32
    %dma_wait3A_157 = tpu.memref_slice %arg5[%dma_wait3A_155, %dma_wait3A_156] : memref<256x64xf32, #tpu.memory_space<vmem>> -> memref<64x64xf32, #tpu.memory_space<vmem>>
    %dma_wait3A_158 = arith.constant 0 : i32
    %dma_wait3A_159 = tpu.memref_slice %arg2[%add3A_39, %dma_wait3A_158] : memref<8192x64xf32, #tpu.memory_space<hbm>> -> memref<64x64xf32, #tpu.memory_space<hbm>>
    %dma_wait3A_160 = arith.constant 192 : i32
    %dma_wait3A_161 = arith.constant 0 : i32
    %dma_wait3A_162 = tpu.memref_slice %arg5[%dma_wait3A_160, %dma_wait3A_161] : memref<256x64xf32, #tpu.memory_space<vmem>> -> memref<64x64xf32, #tpu.memory_space<vmem>>
    %dma_wait3A_163 = arith.constant 0 : i32
    %dma_wait3A_164 = tpu.memref_slice %arg2[%add3A_39, %dma_wait3A_163] : memref<8192x64xf32, #tpu.memory_space<hbm>> -> memref<64x64xf32, #tpu.memory_space<hbm>>
    tpu.wait_dma2 semaphore(%arg8 : memref<!tpu.dma_semaphore, #tpu.memory_space<semaphore_mem>>) src(%dma_wait3A_164 : memref<64x64xf32, #tpu.memory_space<hbm>>) dst(%dma_wait3A_162 : memref<64x64xf32, #tpu.memory_space<vmem>>)
    %parallel_loop3A_165 = arith.constant 192 : i32
    %parallel_loop3A_166 = arith.constant 256 : i32
    %parallel_loop3A_167 = arith.constant 1 : i32
    scf.for %parallel_loop3A_254 = %parallel_loop3A_165 to %parallel_loop3A_166 step %parallel_loop3A_167  : i32 {
      %parallel_loop3A_255 = arith.index_cast %parallel_loop3A_254 : i32 to index
      %parallel_loop3A_256 = arith.constant 0 : index
      %parallel_loop3A_257 = tpu.vector_load %arg5[%parallel_loop3A_255, %parallel_loop3A_256] {strides = array<i32>} : memref<256x64xf32, #tpu.memory_space<vmem>>, vector<16xf32>,
      %parallel_loop3A_258 = arith.index_cast %parallel_loop3A_254 : i32 to index
      %parallel_loop3A_259 = arith.constant 16 : index
      %parallel_loop3A_260 = tpu.vector_load %arg5[%parallel_loop3A_258, %parallel_loop3A_259] {strides = array<i32>} : memref<256x64xf32, #tpu.memory_space<vmem>>, vector<16xf32>,
      %parallel_loop3A_261 = arith.index_cast %parallel_loop3A_254 : i32 to index
      %parallel_loop3A_262 = arith.constant 32 : index
      %parallel_loop3A_263 = tpu.vector_load %arg5[%parallel_loop3A_261, %parallel_loop3A_262] {strides = array<i32>} : memref<256x64xf32, #tpu.memory_space<vmem>>, vector<16xf32>,
      %parallel_loop3A_264 = arith.index_cast %parallel_loop3A_254 : i32 to index
      %parallel_loop3A_265 = arith.constant 48 : index
      %parallel_loop3A_266 = tpu.vector_load %arg5[%parallel_loop3A_264, %parallel_loop3A_265] {strides = array<i32>} : memref<256x64xf32, #tpu.memory_space<vmem>>, vector<16xf32>,
      %parallel_loop3A_267 = arith.constant 0 : i32
      %parallel_loop3A_268 = vector.broadcast %parallel_loop3A_267 : i32 to vector<16xi32>
      %parallel_loop3A_269 = arith.addi %iota3A, %parallel_loop3A_268 : vector<16xi32>
      %parallel_loop3A_270 = arith.constant dense<true> : vector<16xi1>
      %parallel_loop3A_271, %parallel_loop3A_272, %parallel_loop3A_273 = tpu.sort %parallel_loop3A_257, %parallel_loop3A_269 masked %parallel_loop3A_270 {descending = true} : (vector<16xf32>, vector<16xi32>, vector<16xi1>) -> (vector<16xi1>, vector<16xf32>, vector<16xi32>)
      %parallel_loop3A_274 = arith.constant 16 : i32
      %parallel_loop3A_275 = vector.broadcast %parallel_loop3A_274 : i32 to vector<16xi32>
      %parallel_loop3A_276 = arith.addi %iota3A, %parallel_loop3A_275 : vector<16xi32>
      %parallel_loop3A_277 = arith.constant dense<true> : vector<16xi1>
      %parallel_loop3A_278, %parallel_loop3A_279, %parallel_loop3A_280 = tpu.sort %parallel_loop3A_260, %parallel_loop3A_276 masked %parallel_loop3A_277 {descending = true} : (vector<16xf32>, vector<16xi32>, vector<16xi1>) -> (vector<16xi1>, vector<16xf32>, vector<16xi32>)
      %parallel_loop3A_281 = arith.constant 32 : i32
      %parallel_loop3A_282 = vector.broadcast %parallel_loop3A_281 : i32 to vector<16xi32>
      %parallel_loop3A_283 = arith.addi %iota3A, %parallel_loop3A_282 : vector<16xi32>
      %parallel_loop3A_284 = arith.constant dense<true> : vector<16xi1>
      %parallel_loop3A_285, %parallel_loop3A_286, %parallel_loop3A_287 = tpu.sort %parallel_loop3A_263, %parallel_loop3A_283 masked %parallel_loop3A_284 {descending = true} : (vector<16xf32>, vector<16xi32>, vector<16xi1>) -> (vector<16xi1>, vector<16xf32>, vector<16xi32>)
      %parallel_loop3A_288 = arith.constant 48 : i32
      %parallel_loop3A_289 = vector.broadcast %parallel_loop3A_288 : i32 to vector<16xi32>
      %parallel_loop3A_290 = arith.addi %iota3A, %parallel_loop3A_289 : vector<16xi32>
      %parallel_loop3A_291 = arith.constant dense<true> : vector<16xi1>
      %parallel_loop3A_292, %parallel_loop3A_293, %parallel_loop3A_294 = tpu.sort %parallel_loop3A_266, %parallel_loop3A_290 masked %parallel_loop3A_291 {descending = true} : (vector<16xf32>, vector<16xi32>, vector<16xi1>) -> (vector<16xi1>, vector<16xf32>, vector<16xi32>)
      %parallel_loop3A_295 = arith.constant 15 : i32
      %parallel_loop3A_296 = vector.broadcast %parallel_loop3A_295 : i32 to vector<16xi32>
      %parallel_loop3A_297 = tpu.iota {dimensions = array<i32: 0>} : vector<16xi32>
      %parallel_loop3A_298 = arith.subi %parallel_loop3A_296, %parallel_loop3A_297 : vector<16xi32>
      %parallel_loop3A_299 = tpu.dynamic_gather %parallel_loop3A_279[%parallel_loop3A_298] in [0] : vector<16xf32>, vector<16xi32> -> vector<16xf32>
      %parallel_loop3A_300 = arith.select %lt3A_51, %parallel_loop3A_272, %parallel_loop3A_299 : vector<16xi1>, vector<16xf32>
      %parallel_loop3A_301 = arith.constant 15 : i32
      %parallel_loop3A_302 = vector.broadcast %parallel_loop3A_301 : i32 to vector<16xi32>
      %parallel_loop3A_303 = tpu.iota {dimensions = array<i32: 0>} : vector<16xi32>
      %parallel_loop3A_304 = arith.subi %parallel_loop3A_302, %parallel_loop3A_303 : vector<16xi32>
      %parallel_loop3A_305 = tpu.dynamic_gather %parallel_loop3A_280[%parallel_loop3A_304] in [0] : vector<16xi32>, vector<16xi32> -> vector<16xi32>
      %parallel_loop3A_306 = arith.select %lt3A_51, %parallel_loop3A_273, %parallel_loop3A_305 : vector<16xi1>, vector<16xi32>
      %parallel_loop3A_307 = arith.constant dense<true> : vector<16xi1>
      %parallel_loop3A_308, %parallel_loop3A_309, %parallel_loop3A_310 = tpu.sort %parallel_loop3A_300, %parallel_loop3A_306 masked %parallel_loop3A_307 {descending = true} : (vector<16xf32>, vector<16xi32>, vector<16xi1>) -> (vector<16xi1>, vector<16xf32>, vector<16xi32>)
      %parallel_loop3A_311 = arith.constant 15 : i32
      %parallel_loop3A_312 = vector.broadcast %parallel_loop3A_311 : i32 to vector<16xi32>
      %parallel_loop3A_313 = tpu.iota {dimensions = array<i32: 0>} : vector<16xi32>
      %parallel_loop3A_314 = arith.subi %parallel_loop3A_312, %parallel_loop3A_313 : vector<16xi32>
      %parallel_loop3A_315 = tpu.dynamic_gather %parallel_loop3A_293[%parallel_loop3A_314] in [0] : vector<16xf32>, vector<16xi32> -> vector<16xf32>
      %parallel_loop3A_316 = arith.select %lt3A_51, %parallel_loop3A_286, %parallel_loop3A_315 : vector<16xi1>, vector<16xf32>
      %parallel_loop3A_317 = arith.constant 15 : i32
      %parallel_loop3A_318 = vector.broadcast %parallel_loop3A_317 : i32 to vector<16xi32>
      %parallel_loop3A_319 = tpu.iota {dimensions = array<i32: 0>} : vector<16xi32>
      %parallel_loop3A_320 = arith.subi %parallel_loop3A_318, %parallel_loop3A_319 : vector<16xi32>
      %parallel_loop3A_321 = tpu.dynamic_gather %parallel_loop3A_294[%parallel_loop3A_320] in [0] : vector<16xi32>, vector<16xi32> -> vector<16xi32>
      %parallel_loop3A_322 = arith.select %lt3A_51, %parallel_loop3A_287, %parallel_loop3A_321 : vector<16xi1>, vector<16xi32>
      %parallel_loop3A_323 = arith.constant dense<true> : vector<16xi1>
      %parallel_loop3A_324, %parallel_loop3A_325, %parallel_loop3A_326 = tpu.sort %parallel_loop3A_316, %parallel_loop3A_322 masked %parallel_loop3A_323 {descending = true} : (vector<16xf32>, vector<16xi32>, vector<16xi1>) -> (vector<16xi1>, vector<16xf32>, vector<16xi32>)
      %parallel_loop3A_327 = arith.constant 15 : i32
      %parallel_loop3A_328 = vector.broadcast %parallel_loop3A_327 : i32 to vector<16xi32>
      %parallel_loop3A_329 = tpu.iota {dimensions = array<i32: 0>} : vector<16xi32>
      %parallel_loop3A_330 = arith.subi %parallel_loop3A_328, %parallel_loop3A_329 : vector<16xi32>
      %parallel_loop3A_331 = tpu.dynamic_gather %parallel_loop3A_325[%parallel_loop3A_330] in [0] : vector<16xf32>, vector<16xi32> -> vector<16xf32>
      %parallel_loop3A_332 = arith.select %lt3A_51, %parallel_loop3A_309, %parallel_loop3A_331 : vector<16xi1>, vector<16xf32>
      %parallel_loop3A_333 = arith.constant 15 : i32
      %parallel_loop3A_334 = vector.broadcast %parallel_loop3A_333 : i32 to vector<16xi32>
      %parallel_loop3A_335 = tpu.iota {dimensions = array<i32: 0>} : vector<16xi32>
      %parallel_loop3A_336 = arith.subi %parallel_loop3A_334, %parallel_loop3A_335 : vector<16xi32>
      %parallel_loop3A_337 = tpu.dynamic_gather %parallel_loop3A_326[%parallel_loop3A_336] in [0] : vector<16xi32>, vector<16xi32> -> vector<16xi32>
      %parallel_loop3A_338 = arith.select %lt3A_51, %parallel_loop3A_310, %parallel_loop3A_337 : vector<16xi1>, vector<16xi32>
      %parallel_loop3A_339 = arith.constant dense<true> : vector<16xi1>
      %parallel_loop3A_340, %parallel_loop3A_341, %parallel_loop3A_342 = tpu.sort %parallel_loop3A_332, %parallel_loop3A_338 masked %parallel_loop3A_339 {descending = true} : (vector<16xf32>, vector<16xi32>, vector<16xi1>) -> (vector<16xi1>, vector<16xf32>, vector<16xi32>)
      %parallel_loop3A_343 = arith.constant true
      %parallel_loop3A_344 = vector.broadcast %parallel_loop3A_343 : i1 to vector<16xi1>
      %parallel_loop3A_345 = tpu.scan <max>, %parallel_loop3A_341 masked %parallel_loop3A_344 : vector<16xf32>, vector<16xi1> -> vector<16xf32>
      %parallel_loop3A_346 = vector.extract %parallel_loop3A_345[15] : f32 from vector<16xf32>
      %parallel_loop3A_347 = arith.constant 0x7F800000 : f32
      %parallel_loop3A_348 = vector.broadcast %parallel_loop3A_347 : f32 to vector<16xf32>
      %parallel_loop3A_349 = arith.select %lt3A_51, %parallel_loop3A_341, %parallel_loop3A_348 : vector<16xi1>, vector<16xf32>
      %parallel_loop3A_350 = arith.constant true
      %parallel_loop3A_351 = vector.broadcast %parallel_loop3A_350 : i1 to vector<16xi1>
      %parallel_loop3A_352 = tpu.scan <min>, %parallel_loop3A_349 masked %parallel_loop3A_351 : vector<16xf32>, vector<16xi1> -> vector<16xf32>
      %parallel_loop3A_353 = vector.extract %parallel_loop3A_352[15] : f32 from vector<16xf32>
      %parallel_loop3A_354 = vector.broadcast %parallel_loop3A_346 : f32 to vector<16xf32>
      %parallel_loop3A_355 = arith.subf %parallel_loop3A_341, %parallel_loop3A_354 : vector<16xf32>
      %parallel_loop3A_356 = math.exp %parallel_loop3A_355 : vector<16xf32>
      %parallel_loop3A_357 = arith.constant 0.000000e+00 : f32
      %parallel_loop3A_358 = vector.broadcast %parallel_loop3A_357 : f32 to vector<16xf32>
      %parallel_loop3A_359 = arith.select %lt3A_51, %parallel_loop3A_356, %parallel_loop3A_358 : vector<16xi1>, vector<16xf32>
      %parallel_loop3A_360 = arith.constant true
      %parallel_loop3A_361 = vector.broadcast %parallel_loop3A_360 : i1 to vector<16xi1>
      %parallel_loop3A_362 = tpu.scan <sum>, %parallel_loop3A_359 masked %parallel_loop3A_361 : vector<16xf32>, vector<16xi1> -> vector<16xf32>
      %parallel_loop3A_363 = vector.extract %parallel_loop3A_362[15] : f32 from vector<16xf32>
      %parallel_loop3A_364 = vector.broadcast %parallel_loop3A_363 : f32 to vector<16xf32>
      %parallel_loop3A_365 = arith.constant 1.000000e+00 : f32
      %parallel_loop3A_366 = vector.broadcast %parallel_loop3A_365 : f32 to vector<16xf32>
      %parallel_loop3A_367 = arith.divf %parallel_loop3A_366, %parallel_loop3A_364 : vector<16xf32>
      %parallel_loop3A_368 = vector.broadcast %parallel_loop3A_353 : f32 to vector<16xf32>
      %parallel_loop3A_369 = arith.cmpf oge, %parallel_loop3A_257, %parallel_loop3A_368 : vector<16xf32>
      %parallel_loop3A_370 = vector.broadcast %parallel_loop3A_346 : f32 to vector<16xf32>
      %parallel_loop3A_371 = arith.subf %parallel_loop3A_257, %parallel_loop3A_370 : vector<16xf32>
      %parallel_loop3A_372 = math.exp %parallel_loop3A_371 : vector<16xf32>
      %parallel_loop3A_373 = arith.mulf %parallel_loop3A_372, %parallel_loop3A_367 : vector<16xf32>
      %parallel_loop3A_374 = arith.constant 0.000000e+00 : f32
      %parallel_loop3A_375 = vector.broadcast %parallel_loop3A_374 : f32 to vector<16xf32>
      %parallel_loop3A_376 = arith.select %parallel_loop3A_369, %parallel_loop3A_373, %parallel_loop3A_375 : vector<16xi1>, vector<16xf32>
      %parallel_loop3A_377 = arith.index_cast %parallel_loop3A_254 : i32 to index
      %parallel_loop3A_378 = arith.constant 0 : index
      %parallel_loop3A_379 = tpu.vector_load %arg6[%parallel_loop3A_377, %parallel_loop3A_378] {strides = array<i32>} : memref<256x64xf32, #tpu.memory_space<vmem>>, vector<16xf32>,
      tpu.vector_store %arg6[%parallel_loop3A_377, %parallel_loop3A_378], %parallel_loop3A_376 {strides = array<i32>} : memref<256x64xf32, #tpu.memory_space<vmem>>, vector<16xf32>,
      %parallel_loop3A_380 = vector.broadcast %parallel_loop3A_353 : f32 to vector<16xf32>
      %parallel_loop3A_381 = arith.cmpf oge, %parallel_loop3A_260, %parallel_loop3A_380 : vector<16xf32>
      %parallel_loop3A_382 = vector.broadcast %parallel_loop3A_346 : f32 to vector<16xf32>
      %parallel_loop3A_383 = arith.subf %parallel_loop3A_260, %parallel_loop3A_382 : vector<16xf32>
      %parallel_loop3A_384 = math.exp %parallel_loop3A_383 : vector<16xf32>
      %parallel_loop3A_385 = arith.mulf %parallel_loop3A_384, %parallel_loop3A_367 : vector<16xf32>
      %parallel_loop3A_386 = arith.constant 0.000000e+00 : f32
      %parallel_loop3A_387 = vector.broadcast %parallel_loop3A_386 : f32 to vector<16xf32>
      %parallel_loop3A_388 = arith.select %parallel_loop3A_381, %parallel_loop3A_385, %parallel_loop3A_387 : vector<16xi1>, vector<16xf32>
      %parallel_loop3A_389 = arith.index_cast %parallel_loop3A_254 : i32 to index
      %parallel_loop3A_390 = arith.constant 16 : index
      %parallel_loop3A_391 = tpu.vector_load %arg6[%parallel_loop3A_389, %parallel_loop3A_390] {strides = array<i32>} : memref<256x64xf32, #tpu.memory_space<vmem>>, vector<16xf32>,
      tpu.vector_store %arg6[%parallel_loop3A_389, %parallel_loop3A_390], %parallel_loop3A_388 {strides = array<i32>} : memref<256x64xf32, #tpu.memory_space<vmem>>, vector<16xf32>,
      %parallel_loop3A_392 = vector.broadcast %parallel_loop3A_353 : f32 to vector<16xf32>
      %parallel_loop3A_393 = arith.cmpf oge, %parallel_loop3A_263, %parallel_loop3A_392 : vector<16xf32>
      %parallel_loop3A_394 = vector.broadcast %parallel_loop3A_346 : f32 to vector<16xf32>
      %parallel_loop3A_395 = arith.subf %parallel_loop3A_263, %parallel_loop3A_394 : vector<16xf32>
      %parallel_loop3A_396 = math.exp %parallel_loop3A_395 : vector<16xf32>
      %parallel_loop3A_397 = arith.mulf %parallel_loop3A_396, %parallel_loop3A_367 : vector<16xf32>
      %parallel_loop3A_398 = arith.constant 0.000000e+00 : f32
      %parallel_loop3A_399 = vector.broadcast %parallel_loop3A_398 : f32 to vector<16xf32>
      %parallel_loop3A_400 = arith.select %parallel_loop3A_393, %parallel_loop3A_397, %parallel_loop3A_399 : vector<16xi1>, vector<16xf32>
      %parallel_loop3A_401 = arith.index_cast %parallel_loop3A_254 : i32 to index
      %parallel_loop3A_402 = arith.constant 32 : index
      %parallel_loop3A_403 = tpu.vector_load %arg6[%parallel_loop3A_401, %parallel_loop3A_402] {strides = array<i32>} : memref<256x64xf32, #tpu.memory_space<vmem>>, vector<16xf32>,
      tpu.vector_store %arg6[%parallel_loop3A_401, %parallel_loop3A_402], %parallel_loop3A_400 {strides = array<i32>} : memref<256x64xf32, #tpu.memory_space<vmem>>, vector<16xf32>,
      %parallel_loop3A_404 = vector.broadcast %parallel_loop3A_353 : f32 to vector<16xf32>
      %parallel_loop3A_405 = arith.cmpf oge, %parallel_loop3A_266, %parallel_loop3A_404 : vector<16xf32>
      %parallel_loop3A_406 = vector.broadcast %parallel_loop3A_346 : f32 to vector<16xf32>
      %parallel_loop3A_407 = arith.subf %parallel_loop3A_266, %parallel_loop3A_406 : vector<16xf32>
      %parallel_loop3A_408 = math.exp %parallel_loop3A_407 : vector<16xf32>
      %parallel_loop3A_409 = arith.mulf %parallel_loop3A_408, %parallel_loop3A_367 : vector<16xf32>
      %parallel_loop3A_410 = arith.constant 0.000000e+00 : f32
      %parallel_loop3A_411 = vector.broadcast %parallel_loop3A_410 : f32 to vector<16xf32>
      %parallel_loop3A_412 = arith.select %parallel_loop3A_405, %parallel_loop3A_409, %parallel_loop3A_411 : vector<16xi1>, vector<16xf32>
      %parallel_loop3A_413 = arith.index_cast %parallel_loop3A_254 : i32 to index
      %parallel_loop3A_414 = arith.constant 48 : index
      %parallel_loop3A_415 = tpu.vector_load %arg6[%parallel_loop3A_413, %parallel_loop3A_414] {strides = array<i32>} : memref<256x64xf32, #tpu.memory_space<vmem>>, vector<16xf32>,
      tpu.vector_store %arg6[%parallel_loop3A_413, %parallel_loop3A_414], %parallel_loop3A_412 {strides = array<i32>} : memref<256x64xf32, #tpu.memory_space<vmem>>, vector<16xf32>,
      %parallel_loop3A_416 = arith.constant 8 : i32
      %parallel_loop3A_417 = arith.muli %parallel_loop3A_254, %parallel_loop3A_416 : i32
      %parallel_loop3A_418 = vector.broadcast %parallel_loop3A_417 : i32 to vector<16xi32>
      %parallel_loop3A_419 = arith.addi %parallel_loop3A_418, %iota3A : vector<16xi32>
      tpu.vector_store_idx %arg7[%parallel_loop3A_419], %parallel_loop3A_342 masked %lt3A_51 : memref<2048xi32, #tpu.memory_space<vmem>>[vector<16xi32>], vector<16xi32>, vector<16xi1>
    } {sc.loop_unroll_factor = 2 : i64, sc.parallel_access}
    %add3A_168 = arith.constant 192 : i32
    %add3A_169 = arith.addi %mul3A_2, %add3A_168 : i32
    %dma_start3A_170 = arith.constant 192 : i32
    %dma_start3A_171 = arith.constant 0 : i32
    %dma_start3A_172 = tpu.memref_slice %arg6[%dma_start3A_170, %dma_start3A_171] : memref<256x64xf32, #tpu.memory_space<vmem>> -> memref<64x64xf32, #tpu.memory_space<vmem>>
    %dma_start3A_173 = arith.constant 0 : i32
    %dma_start3A_174 = tpu.memref_slice %arg3[%add3A_169, %dma_start3A_173] : memref<8192x64xf32, #tpu.memory_space<hbm>> -> memref<64x64xf32, #tpu.memory_space<hbm>>
    %dma_start3A_175 = arith.constant 0 : i32
    %dma_start3A_176 = tpu.memref_slice %arg3[%add3A_169, %dma_start3A_175] : memref<8192x64xf32, #tpu.memory_space<hbm>> -> memref<64x64xf32, #tpu.memory_space<hbm>>
    %dma_start3A_177 = arith.constant 192 : i32
    %dma_start3A_178 = arith.constant 0 : i32
    %dma_start3A_179 = tpu.memref_slice %arg6[%dma_start3A_177, %dma_start3A_178] : memref<256x64xf32, #tpu.memory_space<vmem>> -> memref<64x64xf32, #tpu.memory_space<vmem>>
    tpu.enqueue_dma source(%dma_start3A_179 : memref<64x64xf32, #tpu.memory_space<vmem>>) target(%dma_start3A_176 : memref<64x64xf32, #tpu.memory_space<hbm>>) target_semaphore(%arg9 : memref<!tpu.dma_semaphore, #tpu.memory_space<semaphore_mem>>)
    %add3A_180 = arith.constant 192 : i32
    %add3A_181 = arith.addi %mul3A_2, %add3A_180 : i32
    %mul3A_182 = arith.constant 8 : i32
    %mul3A_183 = arith.muli %add3A_181, %mul3A_182 : i32
    %dma_start3A_184 = arith.constant 1536 : i32
    %dma_start3A_185 = tpu.memref_slice %arg7[%dma_start3A_184] : memref<2048xi32, #tpu.memory_space<vmem>> -> memref<512xi32, #tpu.memory_space<vmem>>
    %dma_start3A_186 = tpu.memref_slice %arg4[%mul3A_183] : memref<65536xi32, #tpu.memory_space<hbm>> -> memref<512xi32, #tpu.memory_space<hbm>>
    %dma_start3A_187 = tpu.memref_slice %arg4[%mul3A_183] : memref<65536xi32, #tpu.memory_space<hbm>> -> memref<512xi32, #tpu.memory_space<hbm>>
    %dma_start3A_188 = arith.constant 1536 : i32
    %dma_start3A_189 = tpu.memref_slice %arg7[%dma_start3A_188] : memref<2048xi32, #tpu.memory_space<vmem>> -> memref<512xi32, #tpu.memory_space<vmem>>
    tpu.enqueue_dma source(%dma_start3A_189 : memref<512xi32, #tpu.memory_space<vmem>>) target(%dma_start3A_187 : memref<512xi32, #tpu.memory_space<hbm>>) target_semaphore(%arg9 : memref<!tpu.dma_semaphore, #tpu.memory_space<semaphore_mem>>)
    %dma_wait3A_190 = arith.constant 0 : i32
    %dma_wait3A_191 = arith.constant 0 : i32
    %dma_wait3A_192 = tpu.memref_slice %arg6[%dma_wait3A_190, %dma_wait3A_191] : memref<256x64xf32, #tpu.memory_space<vmem>> -> memref<64x64xf32, #tpu.memory_space<vmem>>
    %dma_wait3A_193 = arith.constant 0 : i32
    %dma_wait3A_194 = tpu.memref_slice %arg3[%add3A_64, %dma_wait3A_193] : memref<8192x64xf32, #tpu.memory_space<hbm>> -> memref<64x64xf32, #tpu.memory_space<hbm>>
    %dma_wait3A_195 = arith.constant 0 : i32
    %dma_wait3A_196 = tpu.memref_slice %arg3[%add3A_64, %dma_wait3A_195] : memref<8192x64xf32, #tpu.memory_space<hbm>> -> memref<64x64xf32, #tpu.memory_space<hbm>>
    %dma_wait3A_197 = arith.constant 0 : i32
    %dma_wait3A_198 = arith.constant 0 : i32
    %dma_wait3A_199 = tpu.memref_slice %arg6[%dma_wait3A_197, %dma_wait3A_198] : memref<256x64xf32, #tpu.memory_space<vmem>> -> memref<64x64xf32, #tpu.memory_space<vmem>>
    tpu.wait_dma2 semaphore(%arg9 : memref<!tpu.dma_semaphore, #tpu.memory_space<semaphore_mem>>) src(%dma_wait3A_199 : memref<64x64xf32, #tpu.memory_space<vmem>>) dst(%dma_wait3A_196 : memref<64x64xf32, #tpu.memory_space<hbm>>)
    %dma_wait3A_200 = arith.constant 0 : i32
    %dma_wait3A_201 = tpu.memref_slice %arg7[%dma_wait3A_200] : memref<2048xi32, #tpu.memory_space<vmem>> -> memref<512xi32, #tpu.memory_space<vmem>>
    %dma_wait3A_202 = tpu.memref_slice %arg4[%mul3A_78] : memref<65536xi32, #tpu.memory_space<hbm>> -> memref<512xi32, #tpu.memory_space<hbm>>
    %dma_wait3A_203 = tpu.memref_slice %arg4[%mul3A_78] : memref<65536xi32, #tpu.memory_space<hbm>> -> memref<512xi32, #tpu.memory_space<hbm>>
    %dma_wait3A_204 = arith.constant 0 : i32
    %dma_wait3A_205 = tpu.memref_slice %arg7[%dma_wait3A_204] : memref<2048xi32, #tpu.memory_space<vmem>> -> memref<512xi32, #tpu.memory_space<vmem>>
    tpu.wait_dma2 semaphore(%arg9 : memref<!tpu.dma_semaphore, #tpu.memory_space<semaphore_mem>>) src(%dma_wait3A_205 : memref<512xi32, #tpu.memory_space<vmem>>) dst(%dma_wait3A_203 : memref<512xi32, #tpu.memory_space<hbm>>)
    %dma_wait3A_206 = arith.constant 64 : i32
    %dma_wait3A_207 = arith.constant 0 : i32
    %dma_wait3A_208 = tpu.memref_slice %arg6[%dma_wait3A_206, %dma_wait3A_207] : memref<256x64xf32, #tpu.memory_space<vmem>> -> memref<64x64xf32, #tpu.memory_space<vmem>>
    %dma_wait3A_209 = arith.constant 0 : i32
    %dma_wait3A_210 = tpu.memref_slice %arg3[%add3A_99, %dma_wait3A_209] : memref<8192x64xf32, #tpu.memory_space<hbm>> -> memref<64x64xf32, #tpu.memory_space<hbm>>
    %dma_wait3A_211 = arith.constant 0 : i32
    %dma_wait3A_212 = tpu.memref_slice %arg3[%add3A_99, %dma_wait3A_211] : memref<8192x64xf32, #tpu.memory_space<hbm>> -> memref<64x64xf32, #tpu.memory_space<hbm>>
    %dma_wait3A_213 = arith.constant 64 : i32
    %dma_wait3A_214 = arith.constant 0 : i32
    %dma_wait3A_215 = tpu.memref_slice %arg6[%dma_wait3A_213, %dma_wait3A_214] : memref<256x64xf32, #tpu.memory_space<vmem>> -> memref<64x64xf32, #tpu.memory_space<vmem>>
    tpu.wait_dma2 semaphore(%arg9 : memref<!tpu.dma_semaphore, #tpu.memory_space<semaphore_mem>>) src(%dma_wait3A_215 : memref<64x64xf32, #tpu.memory_space<vmem>>) dst(%dma_wait3A_212 : memref<64x64xf32, #tpu.memory_space<hbm>>)
    %dma_wait3A_216 = arith.constant 512 : i32
    %dma_wait3A_217 = tpu.memref_slice %arg7[%dma_wait3A_216] : memref<2048xi32, #tpu.memory_space<vmem>> -> memref<512xi32, #tpu.memory_space<vmem>>
    %dma_wait3A_218 = tpu.memref_slice %arg4[%mul3A_113] : memref<65536xi32, #tpu.memory_space<hbm>> -> memref<512xi32, #tpu.memory_space<hbm>>
    %dma_wait3A_219 = tpu.memref_slice %arg4[%mul3A_113] : memref<65536xi32, #tpu.memory_space<hbm>> -> memref<512xi32, #tpu.memory_space<hbm>>
    %dma_wait3A_220 = arith.constant 512 : i32
    %dma_wait3A_221 = tpu.memref_slice %arg7[%dma_wait3A_220] : memref<2048xi32, #tpu.memory_space<vmem>> -> memref<512xi32, #tpu.memory_space<vmem>>
    tpu.wait_dma2 semaphore(%arg9 : memref<!tpu.dma_semaphore, #tpu.memory_space<semaphore_mem>>) src(%dma_wait3A_221 : memref<512xi32, #tpu.memory_space<vmem>>) dst(%dma_wait3A_219 : memref<512xi32, #tpu.memory_space<hbm>>)
    %dma_wait3A_222 = arith.constant 128 : i32
    %dma_wait3A_223 = arith.constant 0 : i32
    %dma_wait3A_224 = tpu.memref_slice %arg6[%dma_wait3A_222, %dma_wait3A_223] : memref<256x64xf32, #tpu.memory_space<vmem>> -> memref<64x64xf32, #tpu.memory_space<vmem>>
    %dma_wait3A_225 = arith.constant 0 : i32
    %dma_wait3A_226 = tpu.memref_slice %arg3[%add3A_134, %dma_wait3A_225] : memref<8192x64xf32, #tpu.memory_space<hbm>> -> memref<64x64xf32, #tpu.memory_space<hbm>>
    %dma_wait3A_227 = arith.constant 0 : i32
    %dma_wait3A_228 = tpu.memref_slice %arg3[%add3A_134, %dma_wait3A_227] : memref<8192x64xf32, #tpu.memory_space<hbm>> -> memref<64x64xf32, #tpu.memory_space<hbm>>
    %dma_wait3A_229 = arith.constant 128 : i32
    %dma_wait3A_230 = arith.constant 0 : i32
    %dma_wait3A_231 = tpu.memref_slice %arg6[%dma_wait3A_229, %dma_wait3A_230] : memref<256x64xf32, #tpu.memory_space<vmem>> -> memref<64x64xf32, #tpu.memory_space<vmem>>
    tpu.wait_dma2 semaphore(%arg9 : memref<!tpu.dma_semaphore, #tpu.memory_space<semaphore_mem>>) src(%dma_wait3A_231 : memref<64x64xf32, #tpu.memory_space<vmem>>) dst(%dma_wait3A_228 : memref<64x64xf32, #tpu.memory_space<hbm>>)
    %dma_wait3A_232 = arith.constant 1024 : i32
    %dma_wait3A_233 = tpu.memref_slice %arg7[%dma_wait3A_232] : memref<2048xi32, #tpu.memory_space<vmem>> -> memref<512xi32, #tpu.memory_space<vmem>>
    %dma_wait3A_234 = tpu.memref_slice %arg4[%mul3A_148] : memref<65536xi32, #tpu.memory_space<hbm>> -> memref<512xi32, #tpu.memory_space<hbm>>
    %dma_wait3A_235 = tpu.memref_slice %arg4[%mul3A_148] : memref<65536xi32, #tpu.memory_space<hbm>> -> memref<512xi32, #tpu.memory_space<hbm>>
    %dma_wait3A_236 = arith.constant 1024 : i32
    %dma_wait3A_237 = tpu.memref_slice %arg7[%dma_wait3A_236] : memref<2048xi32, #tpu.memory_space<vmem>> -> memref<512xi32, #tpu.memory_space<vmem>>
    tpu.wait_dma2 semaphore(%arg9 : memref<!tpu.dma_semaphore, #tpu.memory_space<semaphore_mem>>) src(%dma_wait3A_237 : memref<512xi32, #tpu.memory_space<vmem>>) dst(%dma_wait3A_235 : memref<512xi32, #tpu.memory_space<hbm>>)
    %dma_wait3A_238 = arith.constant 192 : i32
    %dma_wait3A_239 = arith.constant 0 : i32
    %dma_wait3A_240 = tpu.memref_slice %arg6[%dma_wait3A_238, %dma_wait3A_239] : memref<256x64xf32, #tpu.memory_space<vmem>> -> memref<64x64xf32, #tpu.memory_space<vmem>>
    %dma_wait3A_241 = arith.constant 0 : i32
    %dma_wait3A_242 = tpu.memref_slice %arg3[%add3A_169, %dma_wait3A_241] : memref<8192x64xf32, #tpu.memory_space<hbm>> -> memref<64x64xf32, #tpu.memory_space<hbm>>
    %dma_wait3A_243 = arith.constant 0 : i32
    %dma_wait3A_244 = tpu.memref_slice %arg3[%add3A_169, %dma_wait3A_243] : memref<8192x64xf32, #tpu.memory_space<hbm>> -> memref<64x64xf32, #tpu.memory_space<hbm>>
    %dma_wait3A_245 = arith.constant 192 : i32
    %dma_wait3A_246 = arith.constant 0 : i32
    %dma_wait3A_247 = tpu.memref_slice %arg6[%dma_wait3A_245, %dma_wait3A_246] : memref<256x64xf32, #tpu.memory_space<vmem>> -> memref<64x64xf32, #tpu.memory_space<vmem>>
    tpu.wait_dma2 semaphore(%arg9 : memref<!tpu.dma_semaphore, #tpu.memory_space<semaphore_mem>>) src(%dma_wait3A_247 : memref<64x64xf32, #tpu.memory_space<vmem>>) dst(%dma_wait3A_244 : memref<64x64xf32, #tpu.memory_space<hbm>>)
    %dma_wait3A_248 = arith.constant 1536 : i32
    %dma_wait3A_249 = tpu.memref_slice %arg7[%dma_wait3A_248] : memref<2048xi32, #tpu.memory_space<vmem>> -> memref<512xi32, #tpu.memory_space<vmem>>
    %dma_wait3A_250 = tpu.memref_slice %arg4[%mul3A_183] : memref<65536xi32, #tpu.memory_space<hbm>> -> memref<512xi32, #tpu.memory_space<hbm>>
    %dma_wait3A_251 = tpu.memref_slice %arg4[%mul3A_183] : memref<65536xi32, #tpu.memory_space<hbm>> -> memref<512xi32, #tpu.memory_space<hbm>>
    %dma_wait3A_252 = arith.constant 1536 : i32
    %dma_wait3A_253 = tpu.memref_slice %arg7[%dma_wait3A_252] : memref<2048xi32, #tpu.memory_space<vmem>> -> memref<512xi32, #tpu.memory_space<vmem>>
    tpu.wait_dma2 semaphore(%arg9 : memref<!tpu.dma_semaphore, #tpu.memory_space<semaphore_mem>>) src(%dma_wait3A_253 : memref<512xi32, #tpu.memory_space<vmem>>) dst(%dma_wait3A_251 : memref<512xi32, #tpu.memory_space<hbm>>)
    return
  }
}

module attributes {stable_mosaic.version = 14 : i64} {
  func.func @_gate_body(%arg0: i32, %arg1: memref<512x4096xf32, #tpu.memory_space<vmem>>, %arg2: memref<64x4096xf32, #tpu.memory_space<vmem>>, %arg3: memref<1x64xf32, #tpu.memory_space<vmem>>, %arg4: memref<512x64xf32, #tpu.memory_space<vmem>>, %arg5: memref<512x64xf32, #tpu.memory_space<vmem>>, %arg6: memref<1x1xf32, #tpu.memory_space<vmem>>, %arg7: memref<1x64xf32, #tpu.memory_space<vmem>>) attributes {dimension_semantics = [#tpu.dimension_semantics<arbitrary>], iteration_bounds = array<i64: 16>, scalar_prefetch = 0 : i64, scratch_operands = 1 : i64, tpu.core_type = #tpu.core_type<tc>, window_params = [{transform_indices = @transform_0, window_bounds = array<i64: 512, 4096>}, {pipeline_mode = #tpu.pipeline_mode<synchronous>, transform_indices = @transform_1, window_bounds = array<i64: 64, 4096>}, {pipeline_mode = #tpu.pipeline_mode<synchronous>, transform_indices = @transform_2, window_bounds = array<i64: 1, 64>}, {transform_indices = @transform_3, window_bounds = array<i64: 512, 64>}, {transform_indices = @transform_4, window_bounds = array<i64: 512, 64>}, {pipeline_mode = #tpu.pipeline_mode<synchronous>, transform_indices = @transform_5, window_bounds = array<i64: 1, 1>}]} {
    %get3A = arith.constant 0 : index
    %get3A_0 = arith.constant 0 : index
    %get3A_1 = vector.load %arg1[%get3A, %get3A_0] : memref<512x4096xf32, #tpu.memory_space<vmem>>, vector<512x4096xf32>
    %get3A_2 = arith.constant 0 : index
    %get3A_3 = arith.constant 0 : index
    %get3A_4 = vector.load %arg2[%get3A_2, %get3A_3] : memref<64x4096xf32, #tpu.memory_space<vmem>>, vector<64x4096xf32>
    %dot_general3A = arith.constant dense<0.000000e+00> : vector<512x64xf32>
    %dot_general3A_5 = tpu.matmul %get3A_1, %get3A_4, %dot_general3A {dimension_numbers = #tpu.dot_dimension_numbers<[1], [1], [0], [0], [0, 0, 1, 0], [], []>, transpose_lhs_hint = false} : vector<512x4096xf32>, vector<64x4096xf32>, vector<512x64xf32> -> vector<512x64xf32>
    %reduce_max3A = arith.constant dense<0xFF800000> : vector<512xf32>
    %reduce_max3A_6 = vector.multi_reduction <maximumf>, %dot_general3A_5, %reduce_max3A [1] : vector<512x64xf32> to vector<512xf32>
    %broadcast_in_dim3A = vector.shape_cast %reduce_max3A_6 : vector<512xf32> to vector<512x1xf32>
    %sub3A = vector.broadcast %broadcast_in_dim3A : vector<512x1xf32> to vector<512x64xf32>
    %sub3A_7 = arith.subf %dot_general3A_5, %sub3A : vector<512x64xf32>
    %exp3A = math.exp %sub3A_7 : vector<512x64xf32>
    %reduce_sum3A = arith.constant dense<0.000000e+00> : vector<512xf32>
    %reduce_sum3A_8 = vector.multi_reduction <add>, %exp3A, %reduce_sum3A [1] : vector<512x64xf32> to vector<512xf32>
    %broadcast_in_dim3A_9 = vector.shape_cast %reduce_sum3A_8 : vector<512xf32> to vector<512x1xf32>
    %div3A = vector.broadcast %broadcast_in_dim3A_9 : vector<512x1xf32> to vector<512x64xf32>
    %div3A_10 = arith.divf %exp3A, %div3A : vector<512x64xf32>
    %eq3A = arith.constant 0 : i32
    %eq3A_11 = arith.cmpi eq, %arg0, %eq3A : i32
    %convert_element_type3A = arith.extui %eq3A_11 : i1 to i32
    %cond3A = arith.constant 0 : i32
    %cond3A_12 = arith.cmpi ne, %convert_element_type3A, %cond3A : i32
    scf.if %cond3A_12 {
      %broadcast_in_dim3A_37 = arith.constant 0.000000e+00 : f32
      %broadcast_in_dim3A_38 = vector.broadcast %broadcast_in_dim3A_37 : f32 to vector<1x64xf32>
      %swap3A_39 = arith.constant 0 : index
      %swap3A_40 = arith.constant 0 : index
      %swap3A_41 = vector.load %arg7[%swap3A_39, %swap3A_40] : memref<1x64xf32, #tpu.memory_space<vmem>>, vector<1x64xf32>
      tpu.vector_store %arg7[%swap3A_39, %swap3A_40], %broadcast_in_dim3A_38 {strides = array<i32>} : memref<1x64xf32, #tpu.memory_space<vmem>>, vector<1x64xf32>,
    } else {
    }
    %get3A_13 = arith.constant 0 : index
    %get3A_14 = arith.constant 0 : index
    %get3A_15 = vector.load %arg7[%get3A_13, %get3A_14] : memref<1x64xf32, #tpu.memory_space<vmem>>, vector<1x64xf32>
    %reduce_sum3A_16 = arith.constant dense<0.000000e+00> : vector<64xf32>
    %reduce_sum3A_17 = vector.multi_reduction <add>, %div3A_10, %reduce_sum3A_16 [0] : vector<512x64xf32> to vector<64xf32>
    %broadcast_in_dim3A_18 = vector.shape_cast %reduce_sum3A_17 : vector<64xf32> to vector<1x64xf32>
    %add3A = arith.addf %get3A_15, %broadcast_in_dim3A_18 : vector<1x64xf32>
    %swap3A = arith.constant 0 : index
    %swap3A_19 = arith.constant 0 : index
    %swap3A_20 = vector.load %arg7[%swap3A, %swap3A_19] : memref<1x64xf32, #tpu.memory_space<vmem>>, vector<1x64xf32>
    tpu.vector_store %arg7[%swap3A, %swap3A_19], %add3A {strides = array<i32>} : memref<1x64xf32, #tpu.memory_space<vmem>>, vector<1x64xf32>,
    %get3A_21 = arith.constant 0 : index
    %get3A_22 = arith.constant 0 : index
    %get3A_23 = vector.load %arg4[%get3A_21, %get3A_22] : memref<512x64xf32, #tpu.memory_space<vmem>>, vector<512x64xf32>
    %get3A_24 = arith.constant 0 : index
    %get3A_25 = arith.constant 0 : index
    %get3A_26 = vector.load %arg3[%get3A_24, %get3A_25] : memref<1x64xf32, #tpu.memory_space<vmem>>, vector<1x64xf32>
    %mul3A = vector.broadcast %get3A_26 : vector<1x64xf32> to vector<512x64xf32>
    %mul3A_27 = arith.mulf %get3A_23, %mul3A : vector<512x64xf32>
    %add3A_28 = arith.addf %dot_general3A_5, %mul3A_27 : vector<512x64xf32>
    %swap3A_29 = arith.constant 0 : index
    %swap3A_30 = arith.constant 0 : index
    %swap3A_31 = vector.load %arg5[%swap3A_29, %swap3A_30] : memref<512x64xf32, #tpu.memory_space<vmem>>, vector<512x64xf32>
    tpu.vector_store %arg5[%swap3A_29, %swap3A_30], %add3A_28 {strides = array<i32>} : memref<512x64xf32, #tpu.memory_space<vmem>>, vector<512x64xf32>,
    %eq3A_32 = arith.constant 15 : i32
    %eq3A_33 = arith.cmpi eq, %arg0, %eq3A_32 : i32
    %convert_element_type3A_34 = arith.extui %eq3A_33 : i1 to i32
    %cond3A_35 = arith.constant 0 : i32
    %cond3A_36 = arith.cmpi ne, %convert_element_type3A_34, %cond3A_35 : i32
    scf.if %cond3A_36 {
      %get3A_37 = arith.constant 0 : index
      %get3A_38 = arith.constant 0 : index
      %get3A_39 = vector.load %arg7[%get3A_37, %get3A_38] : memref<1x64xf32, #tpu.memory_space<vmem>>, vector<1x64xf32>
      %div3A_40 = arith.constant 8.192000e+03 : f32
      %div3A_41 = vector.broadcast %div3A_40 : f32 to vector<1x64xf32>
      %div3A_42 = arith.divf %get3A_39, %div3A_41 : vector<1x64xf32>
      %sub3A_43 = arith.constant 1.562500e-02 : f32
      %sub3A_44 = vector.broadcast %sub3A_43 : f32 to vector<1x64xf32>
      %sub3A_45 = arith.subf %div3A_42, %sub3A_44 : vector<1x64xf32>
      %mul3A_46 = arith.mulf %sub3A_45, %sub3A_45 : vector<1x64xf32>
      %reduce_sum3A_47 = vector.shape_cast %mul3A_46 : vector<1x64xf32> to vector<1x1x64xf32>
      %reduce_sum3A_48 = arith.constant dense<0.000000e+00> : vector<1xf32>
      %reduce_sum3A_49 = vector.multi_reduction <add>, %reduce_sum3A_47, %reduce_sum3A_48 [1, 2] : vector<1x1x64xf32> to vector<1xf32>
      %reduce_sum3A_50 = vector.shape_cast %reduce_sum3A_49 : vector<1xf32> to vector<1x1x1xf32>
      %reduce_sum3A_51 = vector.extract %reduce_sum3A_50[0, 0, 0] : f32 from vector<1x1x1xf32>
      %div3A_52 = arith.constant 6.400000e+01 : f32
      %div3A_53 = arith.divf %reduce_sum3A_51, %div3A_52 : f32
      %mul3A_54 = arith.constant 0.00999999977 : f32
      %mul3A_55 = arith.mulf %div3A_53, %mul3A_54 : f32
      %reshape3A = vector.broadcast %mul3A_55 : f32 to vector<1x1xf32>
      %swap3A_56 = arith.constant 0 : index
      %swap3A_57 = arith.constant 0 : index
      %swap3A_58 = vector.load %arg6[%swap3A_56, %swap3A_57] : memref<1x1xf32, #tpu.memory_space<vmem>>, vector<1x1xf32>
      tpu.vector_store %arg6[%swap3A_56, %swap3A_57], %reshape3A {strides = array<i32>} : memref<1x1xf32, #tpu.memory_space<vmem>>, vector<1x1xf32>,
    } else {
    }
    return
  }
  func.func @transform_0(%arg0: i32) -> (i32, i32) {
    %c0_i32 = arith.constant 0 : i32
    %c0_i32_0 = arith.constant 0 : i32
    return %arg0, %c0_i32 : i32, i32
  }
  func.func @transform_1(%arg0: i32) -> (i32, i32) {
    %c0_i32 = arith.constant 0 : i32
    %c0_i32_0 = arith.constant 0 : i32
    %c0_i32_1 = arith.constant 0 : i32
    return %c0_i32, %c0_i32_0 : i32, i32
  }
  func.func @transform_2(%arg0: i32) -> (i32, i32) {
    %c0_i32 = arith.constant 0 : i32
    %c0_i32_0 = arith.constant 0 : i32
    %c0_i32_1 = arith.constant 0 : i32
    return %c0_i32, %c0_i32_0 : i32, i32
  }
  func.func @transform_3(%arg0: i32) -> (i32, i32) {
    %c0_i32 = arith.constant 0 : i32
    %c0_i32_0 = arith.constant 0 : i32
    return %arg0, %c0_i32 : i32, i32
  }
  func.func @transform_4(%arg0: i32) -> (i32, i32) {
    %c0_i32 = arith.constant 0 : i32
    %c0_i32_0 = arith.constant 0 : i32
    return %arg0, %c0_i32 : i32, i32
  }
  func.func @transform_5(%arg0: i32) -> (i32, i32) {
    %c0_i32 = arith.constant 0 : i32
    %c0_i32_0 = arith.constant 0 : i32
    %c0_i32_1 = arith.constant 0 : i32
    return %c0_i32, %c0_i32_0 : i32, i32
  }
}

</mosaic_0001>

<sc_bundles>
// kernel: kernel.4.cloned.1.call-start
scs
__scs_entry_jumppad:
0x0: {  	(pc) =	sbr.rel $0x88, $3  }
0x1: {  	(tag) =	ssettag $0x0;
	lr =	simm.s32 $0x1  }
0x2: {  	[smem:$0x3F9D] =	sst lr;
	_ =	strace $0xD0000000  }
0x3: {  	_ = 	snop  }
0x4: {  	_ = 	snop  }
0x5: {  	_ = 	snop  }
0x6: {  	_ = 	snop  }
0x7: {  	_ = 	snop  }
__scs_overlays_trampoline_lowered:
0x8: {  	[smem:$0x3FAC] =	sst s0  }
0x9: {  	[smem:$0x3FAD] =	sst s1  }
0xa: {  	[smem:$0x3FAE] =	sst s2  }
0xb: {  	[smem:$0x3FAF] =	sst s3  }
0xc: {  	[smem:$0x3FB0] =	sst s4  }
0xd: {  	[smem:$0x3FB1] =	sst s5  }
0xe: {  	[smem:$0x3FB2] =	sst s6  }
0xf: {  	[smem:$0x3FB3] =	sst s7  }
0x10: {  	[smem:$0x3FB4] =	sst s8  }
0x11: {  	[smem:$0x3FB5] =	sst s9;
	s0 =	simm.s32 @!p0 $0x0  }
0x12: {  	s1 =	sld [smem:$0x3F9B];
	s0 =	simm.s32 @p0 $0x1  }
0x13: {  	[smem:$0x3FB6] =	sst s0;
	s0 =	simm.s32 @!p1 $0x0  }
0x14: {  	s2 =	sld [smem:$0x3F9A];
	s0 =	simm.s32 @p1 $0x1  }
0x15: {  	[smem:$0x3FB7] =	sst s0;
	s0 =	simm.s32 @!p2 $0x0  }
0x16: {  	s3 =	sld [smem:$0x3FDB];
	s0 =	simm.s32 @p2 $0x1  }
0x17: {  	s4 =	simm.s32 $0x1BF5;
	[smem:$0x3FB9] =	sst s0  }
0x18: {  	s0 =	sld [smem:$0x3F9C];
	_ =	swait.ge [sflag:s4], $0x0  }
0x19: {  	s7 =	sld [smem:$0x3F9D]  }
0x1a: {  	s8 =	sadd.s32 $0xFFFFE003, lr  }
0x1b: {  	s9 =	sadd.s32 $0xFFFFFEF7, lr;
	s5 =	simm.s32 $0xFFFFFFFF;
	p2 =	slt.u32 s8, $0xFFFFF086  }
0x1c: {  	p1 =	slt.u32 s9, $0xF7A;
	s5 =	simm.s32 @!p2 $0x0  }
0x1d: {  	s5 =	simm.s32 @p1 $0x1;
	p0 =	seq.s32 s7, s2  }
0x1e: {  	s7 =	smul.u32 @!p0 $0xF7A, s2;
	p2 =	seq.s32 @!p0 s5, $0x0  }
0x1f: {  	s9 =	smul.u32 $0xF7A, s1;
	s8 =	simm.s32 @!p0 $0x1BF5;
	p2 =	por !p2, p0  }
0x20: {  	[sflag:s8] =	ssyncset.s32 @!p0 $0xFFFFF086;
	s6 =	sadd.s32 @!p0 s3, s7;
	s7 =	simm.s32 @!p0 $0x108  }
0x21: {  	s3 =	sadd.s32 s3, s9;
	s6 =	sadd.s32 @!p0 $0x88, s6;
	s7 =	simm.s32 @p2 $0x1082  }
0x22: {  	[simem:s7], [sflag:s8] =	dma.local @!p0 [hbm:s6], $0xF7A  }
0x23: {  	s9 =	sor.u32 $0xD0000000, s2;
	s6 =	simm.s32 $0x108;
	_ =	swait.ge @!p0 [sflag:s8], $0x0  }
0x24: {  	s3 =	sadd.s32 $0x88, s3;
	s6 =	simm.s32 @!p1 $0x1082;
	[sflag:s4] =	ssyncset.s32 $0xFFFFF086  }
0x25: {  	[simem:s6], [sflag:s4] =	dma.local [hbm:s3], $0xF7A  }
0x26: {  	[smem:$0x3F9D] =	sst s1;
	(tag) =	ssettag s2;
	_ =	strace s9  }
0x27: {  	s1 =	sld [smem:$0x3FAD]  }
0x28: {  	s2 =	sld [smem:$0x3FAE]  }
0x29: {  	s4 =	sld [smem:$0x3FB0]  }
0x2a: {  	p0 =	seq.s32 s5, $0x0;
	s5 =	sld [smem:$0x3FB1]  }
0x2b: {  	s6 =	sld [smem:$0x3FB2]  }
0x2c: {  	s7 =	sld [smem:$0x3FB3]  }
0x2d: {  	s3 =	simm.s32 $0x108;
	s8 =	sld [smem:$0x3FB4]  }
0x2e: {  	s3 =	simm.s32 @!p0 $0x1082;
	s9 =	sld [smem:$0x3FB5]  }
0x2f: {  	lr =	sadd.s32 s0, s3;
	s0 =	sld [smem:$0x3FAC]  }
0x30: {  	s3 =	sld [smem:$0x3FAF]  }
0x31: {  	[smem:$0x3FB8] =	sst s10  }
0x32: {  	s10 =	sld [smem:$0x3FB6];
	_ =	sdelay $0x3  }
0x33: {  	p0 =	seq.s32 s10, $0x1;
	s10 =	sld [smem:$0x3FB8];
	_ =	sdelay $0x3  }
0x34: {  	[smem:$0x3FB8] =	sst s10  }
0x35: {  	s10 =	sld [smem:$0x3FB7];
	_ =	sdelay $0x3  }
0x36: {  	p1 =	seq.s32 s10, $0x1;
	s10 =	sld [smem:$0x3FB8];
	_ =	sdelay $0x3  }
0x37: {  	[smem:$0x3FB8] =	sst s10  }
0x38: {  	s10 =	sld [smem:$0x3FB9]  }
0x39: {  	_ = 	snop;
	(pc) =	sbr.ind lr, $3  }
0x3a: {  	_ = 	snop  }
0x3b: {  	_ = 	snop  }
0x3c: {  	p2 =	seq.s32 s10, $0x1;
	s10 =	sld [smem:$0x3FB8]  }
0x3d: {  	_ =	shalt  }
0x3e: {  	_ =	shalt  }
0x3f: {  	_ =	shalt  }
0x40: {  	_ =	shalt  }
0x41: {  	_ =	shalt  }
0x42: {  	_ =	shalt  }
0x43: {  	_ =	shalt  }
0x44: {  	_ =	shalt  }
0x45: {  	_ =	shalt  }
0x46: {  	_ =	shalt  }
0x47: {  	_ =	shalt  }
0x48: {  	_ =	shalt  }
0x49: {  	_ =	shalt  }
0x4a: {  	_ =	shalt  }
0x4b: {  	_ =	shalt  }
0x4c: {  	_ =	shalt  }
0x4d: {  	_ =	shalt  }
0x4e: {  	_ =	shalt  }
0x4f: {  	_ =	shalt  }
0x50: {  	_ =	shalt  }
0x51: {  	_ =	shalt  }
0x52: {  	_ =	shalt  }
0x53: {  	_ =	shalt  }
0x54: {  	_ =	shalt  }
0x55: {  	_ =	shalt  }
0x56: {  	_ =	shalt  }
0x57: {  	_ =	shalt  }
0x58: {  	_ =	shalt  }
0x59: {  	_ =	shalt  }
0x5a: {  	_ =	shalt  }
0x5b: {  	_ =	shalt  }
0x5c: {  	_ =	shalt  }
0x5d: {  	_ =	shalt  }
0x5e: {  	_ =	shalt  }
0x5f: {  	_ =	shalt  }
0x60: {  	_ =	shalt  }
0x61: {  	_ =	shalt  }
0x62: {  	_ =	shalt  }
0x63: {  	_ =	shalt  }
0x64: {  	_ =	shalt  }
0x65: {  	_ =	shalt  }
0x66: {  	_ =	shalt  }
0x67: {  	_ =	shalt  }
0x68: {  	_ =	shalt  }
0x69: {  	_ =	shalt  }
0x6a: {  	_ =	shalt  }
0x6b: {  	_ =	shalt  }
0x6c: {  	_ =	shalt  }
0x6d: {  	_ =	shalt  }
0x6e: {  	_ =	shalt  }
0x6f: {  	_ =	shalt  }
0x70: {  	_ =	shalt  }
0x71: {  	_ =	shalt  }
0x72: {  	_ =	shalt  }
0x73: {  	_ =	shalt  }
0x74: {  	_ =	shalt  }
0x75: {  	_ =	shalt  }
0x76: {  	_ =	shalt  }
0x77: {  	_ =	shalt  }
0x78: {  	_ =	shalt  }
0x79: {  	_ =	shalt  }
0x7a: {  	_ =	shalt  }
0x7b: {  	_ =	shalt  }
0x7c: {  	_ =	shalt  }
0x7d: {  	_ =	shalt  }
0x7e: {  	_ =	shalt  }
0x7f: {  	_ =	shalt  }
0x80: {  	_ =	shalt  }
0x81: {  	_ =	shalt  }
0x82: {  	_ =	shalt  }
0x83: {  	_ =	shalt  }
0x84: {  	_ =	shalt  }
0x85: {  	_ =	shalt  }
0x86: {  	_ =	shalt  }
0x87: {  	_ =	shalt  }
.Lfunc_end0:
.L_simem_size_0:
called_computation_lowered:
.L_overlay_start_0:
0x88: {  	s2 =	sld [smem:$0x3FD9]  }
0x89: {  	s3 =	sld [smem:$0x3FFE];
	_ =	sdelay $0x1  }
0x8a: {  	s1 =	srdreg.scid  }
0x8b: {  	s0 =	sand.u32 $0x1, s1  }
0x8c: {  	s14 =	sshll.u32 s0, $0xA;
	s2 =	sadd.s32 s3, s2  }
0x8d: {  	s2 =	sadd.s32 s2, s14  }
0x8e: {  	[smem:$0x3FC4] =	sst s2  }
0x8f: {  	_ = 	snop  }
0x90: {  	s2 =	sld [smem:$0x3FD0];
	_ =	sdelay $0x2  }
0x91: {  	s15 =	simm.s32 $0xA;
	s4 =	simm.s32 $0x10  }
0x92: {  	[smem:s4], [sflag:s15] =	dma.local [hbm:s2], $0x1  }
0x93: {  	_ =	swait.eq [sflag:s15], $0x1  }
0x94: {  	[sflag:s15] =	ssyncset.done $0x0  }
0x95: {  	[sflag:s15] =	ssyncadd.s32 $0xFFFFFFFF  }
0x96: {  	s16 =	sld [smem:$0x11];
	(tm) =	ssettm $0x1  }
0x97: {  	s17 =	sld [smem:$0x3FFB];
	_ =	sdelay $0x3  }
0x98: {  	_ =	strace s17  }
0x99: {  	s3 =	sld [smem:$0x3FFC];
	_ =	sdelay $0x3  }
0x9a: {  	_ =	strace s3  }
0x9b: {  	s3 =	sld [smem:$0x3FFD];
	_ =	sdelay $0x3  }
0x9c: {  	_ =	strace s3  }
0x9d: {  	_ =	strace $0x8FFFFFFF  }
0x9e: {  	s18 =	sld [smem:$0x3FDB];
	_ =	sdelay $0x1  }
0x9f: {  	s19 =	simm.s32 $_scs_section_size  }
0xa0: {  	s5 =	simm.s32 $_size__tile_overlayer_lowered;
	s6 =	simm.s32 $_tile_overlayer_lowered  }
0xa1: {  	s22 =	simm.s32 $0x1BFF;
	s21 =	sshll.u32 s6, $0x1;
	s3 =	sadd.s32 s19, s18  }
0xa2: {  	s7 =	simm.s32 $0x0;
	s20 =	sshll.u32 s5, $0x1;
	s5 =	sadd.s32 s21, s3  }
0xa3: {  	[timem:s7], [sflag:s22] =	dma.local [hbm:s5], s20  }
0xa4: {  	_ =	swait.ge [sflag:s22], s20  }
0xa5: {  	s4 =	ssub.s32 $0x0, s20;
	[sflag:s22] =	ssyncset.done $0x0  }
0xa6: {  	[sflag:s22] =	ssyncadd.s32 s4;
	_ =	sdelay $0x1  }
0xa7: {  	s23 =	simm.s32 $0x1B8B  }
0xa8: {  	_ =	swait.ge [sflag:s23], $0x1  }
0xa9: {  	[sflag:s23] =	ssyncset.done $0x0  }
0xaa: {  	s25 =	simm.s32 $0x1B8E;
	s24 =	sld [smem:$0x3FFE];
	[sflag:s23] =	ssyncadd.s32 $0xFFFFFFFF  }
0xab: {  	s26 =	simm.s32 $execute0_lowered;
	[smem:$0x3FD2] =	sst s25  }
0xac: {  	s5 =	sshll.u32 s26, $0x1;
	_ =	strace $0x80000046;
	[dreg:$0x1] =	wrdreg $0xFFFFFFFF  }
0xad: {  	s28 =	simm.s32 $_size_execute0_lowered;
	s3 =	sadd.s32 s3, s5;
	[dreg:$0x0] =	wrdreg $0x0  }
0xae: {  	s5 =	sshll.u32 s28, $0x1;
	[dreg:$0x2] =	wrdreg s3  }
0xaf: {  	[dreg:$0x3] =	wrdreg s5  }
0xb0: {  	[dreg:$0x4] =	wrdreg $0xC0  }
0xb1: {  	_ =	task [dreg:s7], $0x5FFFF  }
0xb2: {  	[dreg:$0x1] =	wrdreg $0xFFFFFFFF  }
0xb3: {  	[dreg:$0x0] =	wrdreg $0x60  }
0xb4: {  	[dreg:$0x2] =	wrdreg s24  }
0xb5: {  	[dreg:$0x3] =	wrdreg s16  }
0xb6: {  	[dreg:$0x4] =	wrdreg $0x9  }
0xb7: {  	_ =	task.clear_ibuf [dreg:s7], $0x5FFFF;
	_ =	strace $0x90000046  }
0xb8: {  	s29 =	simm.s32 $0x9;
	_ =	strace $0x80000048  }
0xb9: {  	_ =	swait.ge [sflag:s29], $0x1  }
0xba: {  	[sflag:s29] =	ssyncadd.s32 $0xFFFFFFFF  }
0xbb: {  	_ =	strace $0x90000048  }
0xbc: {  	_ =	sfence  }
0xbd: {  	s30 =	sld [smem:$0x0];
	_ =	sdelay $0x2  }
0xbe: {  	s31 =	sshll.u32 s1, $0xD;
	s1 =	sshrl.u32 s1, $0x2  }
0xbf: {  	s3 =	sand.u32 $0x4000, s31;
	s1 =	sadd.s32 s1, s30  }
0xc0: {  	s0 =	sor.u32 s3, s0;
	s1 =	sshll.u32 s1, $0x11  }
0xc1: {  	s0 =	sor.u32 s1, s0  }
0xc2: {  	s0 =	sadd.s32 $0x8F2B, s0  }
0xc3: {  	[sflag:s0] =	ssyncadd.remote.s32 $0x1  }
0xc4: {  	_ =	sfence.sel $0xFFFF  }
0xc5: {  	[dreg:$0x0] =	wrdreg $0xFFFFFFFF;
	(pc) =	sbr.abs _section_cstart, $3  }
0xc6: {  	[dreg:$0x1] =	wrdreg $0xFFFFFFFF  }
0xc7: {  	_ =	task.clear_ibuf [dreg:s7], $0x2FFFF;
	_ =	strace $0x9FFFFFFF  }
0xc8: {  	(tm) =	ssettm $0x7FFFFFFF  }
0xc9: {  	_ =	shalt  }
tec
execute0_lowered:
.L_overlay_start_1:
0x0: {  	(tag) =	ssettag $0x1  }
0x1: {  	s0 =	rddreg [dreg:$0x0]  }
0x2: {  	s1 =	rddreg [dreg:$0x1];
	s2 =	simm.s32 $0x0;
	s3 =	srdreg.scid  }
0x3: {  	s5 =	stileid.u32;
	s19 =	simm.s32 $0x1;
	s20 =	simm.s32 $0x10000  }
0x4: {  	s25 =	simm.s32 $0x10400;
	s26 =	simm.s32 $0xE000;
	s28 =	simm.s32 $0x10600  }
0x5: {  	s29 =	simm.s32 $0x2;
	s30 =	simm.s32 $0x0;
	[smem:$0x7FF] =	sst s2  }
0x6: {  	s3 =	sand.u32 $0x1, s3;
	s6 =	sadd.s32 $0x1200, s0;
	s5 =	sshll.u32 s5, $0x1  }
0x7: {  	s0 =	sadd.s32 $0x21200, s0;
	s4 =	ssub.s32 $0x2, s3;
	s3 =	sor.u32 s3, s5  }
0x8: {  	_ =	strace $0x80000047;
	s7 =	sshrl.u32 s4, $0x1;
	s31 =	sshll.u32 s3, $0xC  }
0x9: {  	s8 =	sshll.u32 s3, $0x8;
	s15 =	ssub.s32 s4, s7;
	s3 =	sadd.s32 s6, s31  }
0xa: {  	s10 =	sor.u32 $0x40, s8;
	s12 =	sor.u32 $0x80, s8;
	s14 =	sor.u32 $0xC0, s8  }
0xb: {  	s7 =	sadd.s32 s0, s31;
	s8 =	sadd.s32 s1, s8;
	s9 =	sshll.u32 s10, $0x4  }
0xc: {  	v0 =	vlaneseq.u32;
	s11 =	sshll.u32 s12, $0x4;
	s13 =	sshll.u32 s14, $0x4;
	s10 =	sadd.s32 s1, s10  }
0xd: {  	v4 =	vmul.u32 $0xFFFFFFFF, v0;
	s12 =	sadd.s32 s1, s12;
	s14 =	sadd.s32 s1, s14;
	s15 =	smax.u32 s15, $0x1  }
0xe: {  	vm0 =	vmmov $0xff;
	v1 =	vor.u32 $0x10, v0;
	s4 =	sadd.s32 s6, s9;
	s5 =	sadd.s32 s6, s11;
	s6 =	sadd.s32 s6, s13  }
0xf: {  	v2 =	vor.u32 $0x20, v0;
	v3 =	vor.u32 $0x30, v0;
	v4 =	vadd.s32 $0xF, v4;
	s9 =	sadd.s32 s0, s9;
	s11 =	sadd.s32 s0, s11;
	s13 =	sadd.s32 s0, s13  }
.LBB2_1:
0x10: {  	[tilespmem:s2], [sflag:$0x1] =	stream.linear.gather [hbm4b:s3+s2], $0x2000, $0x38;
	[tilespmem:$0x10800] =	vst v63  }
0x11: {  	s0 =	simm.s32 $0x2000  }
0x12: {  	[tilespmem:s0], [sflag:$0x1] =	stream.linear.gather [hbm4b:s4+s2], $0x2000, $0x38;
	[tilespmem:$0x10800] =	vst v63  }
0x13: {  	s21 =	simm.s32 $0x4000  }
0x14: {  	[tilespmem:s21], [sflag:$0x1] =	stream.linear.gather [hbm4b:s5+s2], $0x2000, $0x38;
	[tilespmem:$0x10800] =	vst v63  }
0x15: {  	s22 =	simm.s32 $0x6000  }
0x16: {  	[tilespmem:s22], [sflag:$0x1] =	stream.linear.gather [hbm4b:s6+s2], $0x2000, $0x38;
	[tilespmem:$0x10800] =	vst v63  }
0x17: {  	_ =	swait.ge [sflag:s19], $0x2000  }
0x18: {  	[sflag:s19] =	ssyncset.done $0x0  }
0x19: {  	s23 =	simm.s32 $0x80;
	[sflag:s19] =	ssyncadd.s32 $0xFFFFE000  }
0x1a: {  	v24 =	vld [tilespmem:s23+$0x30]  }
0x1b: {  	v34 =	vld [tilespmem:s23+$0x20]  }
0x1c: {  	v35 =	vld [tilespmem:s23+$0x10]  }
0x1d: {  	v15 =	vld [tilespmem:s23+$0xFFFFFFB0]  }
0x1e: {  	v29 =	vld [tilespmem:s23+$0xFFFFFFA0]  }
0x1f: {  	v32 =	vld [tilespmem:s23+$0x0];
	(xrf1) =	vsort.dscd.msk.f32 $0xffff, v24, v3  }
0x20: {  	(xrf1) =	vsort.dscd.msk.f32 $0xffff, v34, v2  }
0x21: {  	v25 =	vld [tilespmem:s23+$0xFFFFFF90];
	(xrf1) =	vsort.dscd.msk.f32 $0xffff, v35, v1  }
0x22: {  	(xrf1) =	vsort.dscd.msk.f32 $0xffff, v15, v3  }
0x23: {  	v31 =	vld [tilespmem:s23+$0xFFFFFF80];
	(xrf1) =	vsort.dscd.msk.f32 $0xffff, v29, v2  }
0x24: {  	(xrf1) =	vsort.dscd.msk.f32 $0xffff, v32, v0;
	_ =	sdelay $0x1  }
0x25: {  	(xrf1) =	vsort.dscd.msk.f32 $0xffff, v25, v1;
	_ =	sdelay $0x1  }
0x26: {  	(xrf1) =	vsort.dscd.msk.f32 $0xffff, v31, v0;
	_ =	sdelay $0x4  }
0x27: {  	v5, v6, _ =	vpop (xrf1)  }
0x28: {  	v7, v8, _ =	vpop (xrf1);
	v5 =	vperm.xlane v5, v4  }
0x29: {  	v6 =	vperm.xlane v6, v4;
	v9, v10, _ =	vpop (xrf1)  }
0x2a: {  	v11, v12, _ =	vpop (xrf1);
	v5 =	vsel vm0, v7, v5;
	v7 =	vperm.xlane v9, v4;
	v9 =	vperm.xlane v10, v4  }
0x2b: {  	v10, v13, _ =	vpop (xrf1)  }
0x2c: {  	v6 =	vsel vm0, v8, v6;
	v8 =	vperm.xlane v11, v4;
	v11 =	vperm.xlane v12, v4;
	v12, v14, _ =	vpop (xrf1)  }
0x2d: {  	(xrf1) =	vsort.dscd.msk.f32 $0xffff, v5, v6;
	v6 =	vsel vm0, v14, v9  }
0x2e: {  	v5 =	vsel vm0, v12, v7;
	v7 =	vsel vm0, v10, v8;
	v8 =	vsel vm0, v13, v11;
	v9, v10, _ =	vpop (xrf1)  }
0x2f: {  	(xrf1) =	vsort.dscd.msk.f32 $0xffff, v5, v6;
	v10 =	vperm.xlane v10, v4;
	v5 =	vperm.xlane v9, v4  }
0x30: {  	(xrf1) =	vsort.dscd.msk.f32 $0xffff, v7, v8;
	v6, v9, _ =	vpop (xrf1)  }
0x31: {  	v5 =	vsel vm0, v6, v5;
	v6 =	vsel vm0, v9, v10  }
0x32: {  	s24 =	simm.s32 $0x180;
	(xrf1) =	vsort.dscd.msk.f32 $0xffff, v5, v6  }
0x33: {  	v17 =	vld [tilespmem:s24+$0x30]  }
0x34: {  	v21 =	vld [tilespmem:s24+$0x20]  }
0x35: {  	v19 =	vld [tilespmem:s24+$0x10];
	_ =	sdelay $0x1  }
0x36: {  	v7 =	vld [tilespmem:s24+$0xFFFFFFB0]  }
0x37: {  	v5 =	vld [tilespmem:s24+$0xFFFFFFA0];
	(xrf1) =	vsort.dscd.msk.f32 $0xffff, v17, v3  }
0x38: {  	v11 =	vld [tilespmem:s24+$0x0];
	(xrf1) =	vsort.dscd.msk.f32 $0xffff, v21, v2  }
0x39: {  	v12 =	vld [tilespmem:s24+$0xFFFFFF90];
	(xrf1) =	vsort.dscd.msk.f32 $0xffff, v19, v1;
	_ =	sdelay $0x1  }
0x3a: {  	(xrf1) =	vsort.dscd.msk.f32 $0xffff, v7, v3;
	v6, v8, _ =	vpop (xrf1)  }
0x3b: {  	(xrf1) =	vsort.dscd.msk.f32 $0xffff, v5, v2;
	v9, v10, _ =	vpop (xrf1)  }
0x3c: {  	v13 =	vld [tilespmem:s24+$0xFFFFFF80];
	(xrf1) =	vsort.dscd.msk.f32 $0xffff, v11, v0;
	v14, v16, _ =	vpop (xrf1)  }
0x3d: {  	(xrf1) =	vsort.dscd.msk.f32 $0xffff, v12, v1;
	v14 =	vperm.xlane v14, v4;
	v16 =	vperm.xlane v16, v4  }
0x3e: {  	v8 =	vperm.xlane v8, v4;
	v18, v20, _ =	vpop (xrf1)  }
0x3f: {  	v6 =	vperm.xlane v6, v4;
	v14 =	vsel vm0, v18, v14;
	v16 =	vsel vm0, v20, v16  }
0x40: {  	v8 =	vsel vm0, v10, v8;
	(xrf1) =	vsort.dscd.msk.f32 $0xffff, v14, v16  }
0x41: {  	v6 =	vsel vm0, v9, v6;
	(xrf1) =	vsort.dscd.msk.f32 $0xffff, v13, v0  }
0x42: {  	(xrf1) =	vsort.dscd.msk.f32 $0xffff, v6, v8;
	_ =	sdelay $0x1  }
0x43: {  	v6, v8, _ =	vpop (xrf1)  }
0x44: {  	v9, v10, _ =	vpop (xrf1);
	v6 =	vperm.xlane v6, v4  }
0x45: {  	v8 =	vperm.xlane v8, v4;
	v14, v16, _ =	vpop (xrf1)  }
0x46: {  	v6 =	vsel vm0, v9, v6;
	v9 =	vperm.xlane v14, v4;
	v14 =	vperm.xlane v16, v4  }
0x47: {  	v18, v20, _ =	vpop (xrf1)  }
0x48: {  	v8 =	vsel vm0, v10, v8;
	v16, v22, _ =	vpop (xrf1);
	v10 =	vperm.xlane v18, v4  }
0x49: {  	v18 =	vperm.xlane v20, v4;
	(xrf1) =	vsort.dscd.msk.f32 $0xffff, v6, v8;
	v20, v23, _ =	vpop (xrf1)  }
0x4a: {  	v6 =	vsel vm0, v20, v9;
	v8 =	vsel vm0, v23, v14;
	v9 =	vsel vm0, v16, v10;
	v14, v16, _ =	vpop (xrf1)  }
0x4b: {  	v16 =	vperm.xlane v16, v4;
	_ =	sdelay $0x1  }
0x4c: {  	v10 =	vsel vm0, v22, v18;
	(xrf1) =	vsort.dscd.msk.f32 $0xffff, v6, v8;
	v6 =	vperm.xlane v14, v4;
	v26, v23, _ =	vpop (xrf1)  }
0x4d: {  	v8, v14, _ =	vpop (xrf1);
	(xrf1) =	vsort.dscd.msk.f32 $0xffff, v9, v10  }
0x4e: {  	s31 =	simm.s32 $0x280;
	(xrf0) =	vmax.scan.msk.f32 $0xffff, v26;
	v6 =	vsel vm0, v8, v6;
	v8 =	vsel vm0, v14, v16;
	v16, v22, _ =	vpop (xrf1)  }
0x4f: {  	v10 =	vld [tilespmem:s31+$0x30];
	(xrf0) =	vmax.scan.msk.f32 $0xffff, v16  }
0x50: {  	(xrf1) =	vsort.dscd.msk.f32 $0xffff, v6, v8;
	v8 =	vld [tilespmem:s31+$0x20];
	_ =	sdelay $0x1  }
0x51: {  	v14 =	vld [tilespmem:s31+$0x10];
	_ =	sdelay $0x1  }
0x52: {  	v6 =	vld [tilespmem:s31+$0xFFFFFFB0];
	(xrf1) =	vsort.dscd.msk.f32 $0xffff, v10, v3;
	v9, _, _ =	vpop (xrf0)  }
0x53: {  	v20 =	vnsel vm0, $0x7F800000, v16;
	v33 =	vbroadcast v9, $0xF;
	v9 =	vld [tilespmem:s31+$0xFFFFFFA0];
	(xrf1) =	vsort.dscd.msk.f32 $0xffff, v8, v2;
	v18, _, _ =	vpop (xrf0)  }
0x54: {  	v27 =	vbroadcast v18, $0xF;
	v18 =	vld [tilespmem:s31+$0x0]  }
0x55: {  	(xrf1) =	vsort.dscd.msk.f32 $0xffff, v14, v1;
	v28 =	vsub.f32 v26, v33  }
0x56: {  	(xrf0) =	vmin.scan.msk.f32 $0xffff, v20  }
0x57: {  	v30, v20, _ =	vpop (xrf1);
	(xrf1) =	vsort.dscd.msk.f32 $0xffff, v6, v3;
	v36 =	vsub.f32 v16, v27;
	v28 =	vmul.f32 $1.442695020e+00, v28  }
0x58: {  	v38, v39, _ =	vpop (xrf1);
	v16 =	vld [tilespmem:s31+$0xFFFFFF90];
	(xrf1) =	vsort.dscd.msk.f32 $0xffff, v9, v2  }
0x59: {  	(erf) = vpow2.f32 v28;
	v28 =	vmul.f32 $1.442695020e+00, v36;
	v40, v41, _ =	vpop (xrf1);
	(xrf1) =	vsort.dscd.msk.f32 $0xffff, v18, v0  }
0x5a: {  	v37 =	vperm.xlane v20, v4;
	v20 =	vld [tilespmem:s31+$0xFFFFFF80];
	v45 =	vperm.xlane v40, v4  }
0x5b: {  	v46 =	vperm.xlane v41, v4;
	(erf) = vpow2.f32 v28  }
0x5c: {  	v30 =	vperm.xlane v30, v4;
	v54 =	vsub.f32 v31, v33;
	v47, v42, _ =	vpop (xrf1)  }
0x5d: {  	(xrf1) =	vsort.dscd.msk.f32 $0xffff, v16, v1;
	v28 =	vsel vm0, v47, v45;
	v48 =	vsel vm0, v42, v46  }
0x5e: {  	v58 =	vsub.f32 v25, v33;
	v50 =	vsub.f32 v34, v27;
	(xrf1) =	vsort.dscd.msk.f32 $0xffff, v28, v48  }
0x5f: {  	v53, _, _ =	vpop (xrf0);
	v28 =	vsel vm0, v38, v30;
	v30 =	vsel vm0, v39, v37;
	(xrf1) =	vsort.dscd.msk.f32 $0xffff, v20, v0  }
0x60: {  	v49 =	vsub.f32 v35, v27;
	v51 =	vsub.f32 v24, v27;
	v56, v55, _ =	vpop (xrf1);
	(xrf1) =	vsort.dscd.msk.f32 $0xffff, v28, v30  }
0x61: {  	v52 =	vsub.f32 v32, v27;
	v27 =	vmul.f32 $1.442695020e+00, v50;
	v40 =	vperm.xlane v55, v4;
	v43, v44, _ =	vpop (xrf1)  }
0x62: {  	v59 =	vsub.f32 v29, v33;
	v42 =	vmul.f32 $1.442695020e+00, v58;
	v37 =	vperm.xlane v56, v4;
	v57 =	vpop (erf)  }
0x63: {  	v45 =	vsub.f32 v15, v33;
	v30 =	vnsel vm0, $0x7F800000, v26;
	v40 =	vsel vm0, v44, v40;
	v61, v62, _ =	vpop (xrf1)  }
0x64: {  	v33 =	vmul.f32 $1.442695020e+00, v59;
	v38 =	vmul.f32 $1.442695020e+00, v52;
	(xrf0) =	vmin.scan.msk.f32 $0xffff, v30;
	v37 =	vsel vm0, v43, v37;
	v60 =	vpop (erf)  }
0x65: {  	v39 =	vbroadcast v53, $0xF;
	v45 =	vmul.f32 $1.442695020e+00, v45;
	v52, v47, _ =	vpop (xrf1);
	v46 =	vnsel vm0, $0x0, v60  }
0x66: {  	v30 =	vmul.f32 $1.442695020e+00, v54;
	v63 =	vperm.xlane v61, v4;
	v54, v48, _ =	vpop (xrf1);
	(xrf2) =	vadd.scan.msk.f32 $0xffff, v46  }
0x67: {  	v28 =	vmul.f32 $1.442695020e+00, v49;
	v26 =	vmul.f32 $1.442695020e+00, v51;
	vm3 =	vge.f32 v24, v39;
	(xrf1) =	vsort.dscd.msk.f32 $0xffff, v37, v40;
	v37, v40, _ =	vpop (xrf1)  }
0x68: {  	(erf) = vpow2.f32 v45;
	v41 =	vnsel vm0, $0x0, v57;
	v24 =	vsel vm0, v37, v63  }
0x69: {  	vm1 =	vge.f32 v35, v39;
	v44 =	vperm.xlane v62, v4;
	(erf) = vpow2.f32 v42;
	(xrf2) =	vadd.scan.msk.f32 $0xffff, v41  }
0x6a: {  	vm2 =	vge.f32 v34, v39;
	v53 =	vperm.xlane v52, v4;
	v47 =	vperm.xlane v47, v4;
	v55, _, _ =	vpop (xrf0)  }
0x6b: {  	vm4 =	vge.f32 v32, v39;
	(erf) = vpow2.f32 v38;
	v56 =	vsel vm0, v40, v44;
	v59, v58, _ =	vpop (xrf1)  }
0x6c: {  	v57 =	vsel vm0, v54, v53;
	v60 =	vsel vm0, v48, v47;
	v37 =	vbroadcast v55, $0xF;
	(xrf1) =	vsort.dscd.msk.f32 $0xffff, v24, v56;
	v41, v24, _ =	vpop (xrf1)  }
0x6d: {  	v61 =	vperm.xlane v58, v4;
	v35 =	vperm.xlane v59, v4;
	(xrf1) =	vsort.dscd.msk.f32 $0xffff, v57, v60;
	v63, v62, _ =	vpop (xrf1)  }
0x6e: {  	s1 =	simm.s32 $0x8;
	s18 =	simm.s32 $0x0;
	s17 =	simm.s32 $0x8;
	vm5 =	vge.f32 v25, v37;
	vm7 =	vge.f32 v31, v37;
	vm6 =	vge.f32 v29, v37;
	(xrf0) =	vmax.scan.msk.f32 $0xffff, v41;
	v39, v25, _ =	vpop (xrf1)  }
0x6f: {  	s16 =	simm.s32 $0x8080;
	s0 =	simm.s32 $0x8080;
	s21 =	simm.s32 $0x4;
	v32 =	vnsel vm0, $0x7F800000, v41;
	v29 =	vsel vm0, v63, v35;
	v34 =	vsel vm0, v62, v61;
	(xrf0) =	vmax.scan.msk.f32 $0xffff, v39  }
.LBB2_2:
0x70: {  	s21 =	sadd.s32 $0x2, s21;
	v42 =	vnsel vm0, $0x7F800000, v39;
	vm8 =	vge.f32 v15, v37;
	s1 =	sadd.s32 $0x10, s1;
	s0 =	sadd.s32 $0x100, s0;
	v15, _, _ =	vpop (xrf2);
	(erf) = vpow2.f32 v28  }
0x71: {  	v38 =	vmovc v14;
	p0 =	slt.u32 s21, $0x3E;
	(xrf1) =	vsort.dscd.msk.f32 $0xffff, v29, v34;
	s22 =	sadd.s32 $0xFFFFFFF8, s1;
	v28 =	vbroadcast v15, $0xF;
	v15 =	vmov v7;
	v7 =	vmov v6  }
0x72: {  	s31 =	sadd.s32 $0x100, s31;
	v37 =	vmov v11;
	v11 =	vmov v18;
	v29 =	vmov v5;
	v43 =	vpop (erf)  }
0x73: {  	v5 =	vmov v9;
	v34 =	vmov v12;
	v35 =	vld [tilespmem:s31+$0x30];
	v14, _, _ =	vpop (xrf2);
	(erf) = vrcp.f32 v28  }
0x74: {  	v12 =	vmov v16;
	v6 =	vld [tilespmem:s31+$0xFFFFFFB0];
	v9, _, _ =	vpop (xrf0);
	v18 =	vbroadcast v14, $0xF;
	(erf) = vpow2.f32 v27  }
0x75: {  	v36 =	vmov v13;
	v31 =	vld [tilespmem:s31+$0x20];
	v44 =	vbroadcast v9, $0xF;
	v9, _, _ =	vpop (xrf0);
	(erf) = vpow2.f32 v26  }
0x76: {  	v13 =	vmov v20;
	v40 =	vmov v23;
	v14 =	vld [tilespmem:s31+$0x10];
	v16, v26, _ =	vpop (xrf1);
	v27 =	vbroadcast v9, $0xF  }
0x77: {  	v20 =	vperm.xlane v26, v4;
	v23 =	vsub.f32 v41, v44;
	(erf) = vrcp.f32 v18;
	v41 =	vpop (erf)  }
0x78: {  	v26 =	vperm.xlane v16, v4;
	v18 =	vld [tilespmem:s31+$0x0];
	(xrf1) =	vsort.dscd.msk.f32 $0xffff, v35, v3;
	v39 =	vsub.f32 v39, v27;
	(erf) = vpow2.f32 v30;
	v30 =	vpop (erf)  }
0x79: {  	v28 =	vsub.f32 v19, v27;
	v45 =	vsub.f32 v21, v27;
	v9 =	vld [tilespmem:s31+$0xFFFFFFA0];
	v23 =	vmul.f32 $1.442695020e+00, v23;
	v46 =	vpop (erf)  }
0x7a: {  	v49 =	vsub.f32 v37, v27;
	v50 =	vsub.f32 v17, v27;
	v16 =	vld [tilespmem:s31+$0xFFFFFF90];
	(xrf1) =	vsort.dscd.msk.f32 $0xffff, v31, v2;
	v47, v48, _ =	vpop (xrf1);
	(erf) = vpow2.f32 v33  }
0x7b: {  	v28 =	vmul.f32 $1.442695020e+00, v28;
	v33 =	vsel vm0, v47, v26;
	v47, v51, _ =	vpop (xrf1);
	(erf) = vpow2.f32 v23  }
0x7c: {  	v27 =	vmul.f32 $1.442695020e+00, v45;
	v23 =	vsel vm0, v48, v20;
	v26 =	vmul.f32 $1.442695020e+00, v50;
	(xrf0) =	vmin.scan.msk.f32 $0xffff, v42;
	v42 =	vpop (erf)  }
0x7d: {  	v45 =	vsub.f32 v36, v44;
	v56 =	vmul.f32 $1.442695020e+00, v39;
	(xrf1) =	vsort.dscd.msk.f32 $0xffff, v14, v1;
	v46 =	vmul.f32 v42, v46;
	v48 =	vpop (erf)  }
0x7e: {  	v50 =	vor.u32 s18, v0;
	s18 =	smov.u32 s22;
	v47 =	vperm.xlane v47, v4;
	v20 =	vld [tilespmem:s31+$0xFFFFFF80];
	(xrf1) =	vsort.dscd.msk.f32 $0xffff, v6, v3;
	v58 =	vmul.f32 v42, v48;
	v52 =	vpop (erf)  }
0x7f: {  	v55 =	vadd.s32 s17, v0;
	s17 =	smov.u32 s1;
	v51 =	vperm.xlane v51, v4;
	(xrf1) =	vsort.dscd.msk.f32 $0xffff, v9, v2;
	v53, v54, _ =	vpop (xrf1);
	v57 =	vmul.f32 v42, v52  }
0x80: {  	(xrf1) =	vsort.dscd.msk.f32 $0xffff, v18, v0;
	v47 =	vsel vm0, v53, v47;
	(erf) = vpow2.f32 v56;
	v56 =	vmul.f32 v42, v30;
	v39 =	vpop (erf)  }
0x81: {  	v42 =	vnsel vm2, $0x0, v58;
	(xrf0) =	vmin.scan.msk.f32 $0xffff, v32;
	v32 =	vnsel vm1, $0x0, v46;
	v46 =	vnsel vm3, $0x0, v57;
	v48 =	vpop (erf)  }
0x82: {  	v51 =	vsel vm0, v54, v51;
	(xrf1) =	vsort.dscd.msk.f32 $0xffff, v16, v1;
	v52, _, _ =	vpop (xrf0);
	v53 =	vnsel vm4, $0x0, v56;
	[tilespmem:s16+$0x30] =	vst v46  }
0x83: {  	v46 =	vmul.f32 v39, v48;
	v48 =	vmul.f32 v39, v41;
	(xrf1) =	vsort.dscd.msk.f32 $0xffff, v47, v51;
	[tilespmem:s16+$0x0] =	vst v53;
	v30 =	vpop (erf)  }
0x84: {  	(xrf1) =	vsort.dscd.msk.f32 $0xffff, v20, v0;
	v47 =	vpop (erf);
	v30 =	vmul.f32 v39, v30;
	v39 =	vmul.f32 v39, v43;
	[tilespmem:s16+$0x10] =	vst v32  }
0x85: {  	(xrf1) =	vsort.dscd.msk.f32 $0xffff, v33, v23;
	v32 =	vnsel vm0, $0x0, v47;
	v33 =	vnsel vm5, $0x0, v48;
	[tilespmem:s16+$0x20] =	vst v42;
	v23 =	vmovc v24  }
0x86: {  	v51 =	vnsel vm7, $0x0, v46;
	v24, v41, _ =	vpop (xrf1);
	v43 =	vnsel vm6, $0x0, v30;
	v39 =	vnsel vm8, $0x0, v39;
	[tilespmem:v55+s20+$0x0] =	vst.idx.msk $0xff, v22  }
0x87: {  	v46 =	vmul.f32 $1.442695020e+00, v49;
	v53 =	vperm.xlane v41, v4;
	v41 =	vsub.f32 v34, v44;
	v47, _, _ =	vpop (xrf0);
	[tilespmem:s16+$0xFFFFFF80] =	vst v51  }
0x88: {  	v30 =	vmul.f32 $1.442695020e+00, v45;
	v45 =	vsub.f32 v29, v44;
	v24 =	vperm.xlane v24, v4;
	v42, v48, _ =	vpop (xrf1);
	[tilespmem:s16+$0xFFFFFF90] =	vst v33  }
0x89: {  	v49 =	vmul.f32 $1.442695020e+00, v41;
	v41 =	vsub.f32 v15, v44;
	v44 =	vbroadcast v52, $0xF;
	v33 =	vpop (erf);
	[tilespmem:s16+$0xFFFFFFB0] =	vst v39  }
0x8a: {  	v22 =	vmovc v25;
	v24 =	vsel vm0, v42, v24;
	v39 =	vsel vm0, v48, v53;
	v51 =	vnsel vm0, $0x0, v33;
	[tilespmem:s16+$0xFFFFFFA0] =	vst v43;
	s16 =	smov.u32 s0  }
0x8b: {  	v33 =	vmul.f32 $1.442695020e+00, v45;
	v25, v43, _ =	vpop (xrf1);
	v41 =	vmul.f32 $1.442695020e+00, v41;
	(xrf2) =	vadd.scan.msk.f32 $0xffff, v51;
	[tilespmem:v50+s20+$0x0] =	vst.idx.msk $0xff, v40  }
0x8c: {  	vm1 =	vge.f32 v19, v44;
	v25 =	vperm.xlane v25, v4;
	v40 =	vperm.xlane v43, v4;
	v42, v43, _ =	vpop (xrf1)  }
0x8d: {  	v19 =	vmov v38;
	v42 =	vperm.xlane v42, v4;
	v43 =	vperm.xlane v43, v4;
	v45, v48, _ =	vpop (xrf1);
	(xrf1) =	vsort.dscd.msk.f32 $0xffff, v24, v39  }
0x8e: {  	vm2 =	vge.f32 v21, v44;
	vm3 =	vge.f32 v17, v44;
	v24, v38, _ =	vpop (xrf1);
	(xrf2) =	vadd.scan.msk.f32 $0xffff, v32;
	(erf) = vpow2.f32 v41  }
0x8f: {  	vm4 =	vge.f32 v37, v44;
	v17 =	vmovc v10;
	v50 =	vsel vm0, v24, v25;
	v39 =	vsel vm0, v38, v40  }
.Ltmp0:
0x90: {  	v37 =	vbroadcast v47, $0xF;
	v42 =	vsel vm0, v45, v42;
	v32 =	vsel vm0, v48, v43;
	v38, v10, _ =	vpop (xrf1);
	(pc) =	sbr.rel @p0 .LBB2_2-.Ltmp0, $4  }
0x91: {  	v21 =	vmov v8;
	v40 =	vperm.xlane v10, v4;
	(xrf1) =	vsort.dscd.msk.f32 $0xffff, v50, v39;
	v41, v24, _ =	vpop (xrf1);
	v10 =	vmov v35  }
0x92: {  	vm5 =	vge.f32 v34, v37;
	v43 =	vperm.xlane v38, v4;
	v35, v38, _ =	vpop (xrf1);
	(xrf1) =	vsort.dscd.msk.f32 $0xffff, v42, v32;
	v32 =	vnsel vm0, $0x7F800000, v41  }
0x93: {  	vm7 =	vge.f32 v36, v37;
	vm6 =	vge.f32 v29, v37;
	(xrf0) =	vmax.scan.msk.f32 $0xffff, v41;
	v39, v25, _ =	vpop (xrf1);
	(erf) = vpow2.f32 v49  }
0x94: {  	v8 =	vmovc v31;
	v29 =	vsel vm0, v35, v43;
	v34 =	vsel vm0, v38, v40;
	(xrf0) =	vmax.scan.msk.f32 $0xffff, v39;
	(erf) = vpow2.f32 v46  }
0x95: {  	(xrf1) =	vsort.dscd.msk.f32 $0xffff, v29, v34  }
0x96: {  	v29, _, _ =	vpop (xrf2)  }
0x97: {  	v29 =	vbroadcast v29, $0xF;
	_ =	sdelay $0x2  }
0x98: {  	(erf) = vpow2.f32 v28;
	v28, _, _ =	vpop (xrf2)  }
0x99: {  	(erf) = vrcp.f32 v29;
	v28 =	vbroadcast v28, $0xF;
	v29, _, _ =	vpop (xrf0)  }
0x9a: {  	v29 =	vbroadcast v29, $0xF;
	v31, _, _ =	vpop (xrf0)  }
0x9b: {  	v34 =	vpop (erf);
	(erf) = vpow2.f32 v27;
	v31 =	vbroadcast v31, $0xF  }
0x9c: {  	(erf) = vpow2.f32 v26;
	v26, v27, _ =	vpop (xrf1);
	v35 =	vsub.f32 v41, v29  }
0x9d: {  	(erf) = vrcp.f32 v28;
	v28 =	vpop (erf);
	v36 =	vsub.f32 v39, v31  }
0x9e: {  	(erf) = vpow2.f32 v30;
	v30 =	vmul.f32 $1.442695020e+00, v35;
	v55, v38, _ =	vpop (xrf1)  }
0x9f: {  	(erf) = vpow2.f32 v33;
	v56, v40, _ =	vpop (xrf1);
	v36 =	vmul.f32 $1.442695020e+00, v36  }
0xa0: {  	v41 =	vpop (erf);
	(erf) = vpow2.f32 v30;
	v30 =	vperm.xlane v56, v4  }
0xa1: {  	v40 =	vperm.xlane v40, v4;
	(erf) = vpow2.f32 v36;
	v57, v42, _ =	vpop (xrf1)  }
0xa2: {  	v27 =	vperm.xlane v27, v4;
	v26 =	vperm.xlane v26, v4;
	v33 =	vpop (erf);
	v30 =	vsel vm0, v57, v30  }
0xa3: {  	v43 =	vpop (erf);
	v58 =	vsel vm0, v42, v40  }
0xa4: {  	v26 =	vsel vm0, v55, v26;
	v27 =	vsel vm0, v38, v27;
	v59 =	vpop (erf);
	(xrf1) =	vsort.dscd.msk.f32 $0xffff, v30, v58  }
0xa5: {  	(xrf1) =	vsort.dscd.msk.f32 $0xffff, v26, v27;
	v30 =	vpop (erf)  }
0xa6: {  	v36 =	vpop (erf)  }
0xa7: {  	v38 =	vpop (erf)  }
0xa8: {  	v40 =	vpop (erf)  }
0xa9: {  	v26 =	vpop (erf)  }
0xaa: {  	v27 =	vpop (erf)  }
0xab: {  	v27 =	vnsel vm0, $0x0, v27  }
0xac: {  	v26 =	vnsel vm0, $0x0, v26;
	(xrf2) =	vadd.scan.msk.f32 $0xffff, v27  }
0xad: {  	v27 =	vnsel vm0, $0x7F800000, v39;
	(xrf2) =	vadd.scan.msk.f32 $0xffff, v26  }
0xae: {  	(xrf0) =	vmin.scan.msk.f32 $0xffff, v27;
	v27 =	vsub.f32 v7, v29;
	_ =	sdelay $0x1  }
0xaf: {  	(xrf0) =	vmin.scan.msk.f32 $0xffff, v32;
	_ =	sdelay $0x1  }
0xb0: {  	v60 =	vsub.f32 v12, v29;
	v46 =	vsub.f32 v19, v31;
	v39, v26, _ =	vpop (xrf1)  }
0xb1: {  	v61 =	vsub.f32 v11, v31;
	v44 =	vmul.f32 $1.442695020e+00, v27;
	(xrf0) =	vmax.scan.msk.f32 $0xffff, v39;
	v45, v27, _ =	vpop (xrf1)  }
0xb2: {  	v62 =	vsub.f32 v21, v31;
	v46 =	vmul.f32 $1.442695020e+00, v46;
	v32 =	vmul.f32 $1.442695020e+00, v60;
	(xrf0) =	vmax.scan.msk.f32 $0xffff, v45  }
0xb3: {  	v31 =	vsub.f32 v17, v31;
	v42 =	vmul.f32 $1.442695020e+00, v61;
	(erf) = vpow2.f32 v44;
	v47, _, _ =	vpop (xrf0)  }
0xb4: {  	v52 =	vmul.f32 $1.442695020e+00, v62;
	(erf) = vpow2.f32 v32;
	v48, _, _ =	vpop (xrf0)  }
0xb5: {  	v31 =	vmul.f32 $1.442695020e+00, v31;
	v55 =	vsub.f32 v13, v29;
	(erf) = vpow2.f32 v42;
	v63, _, _ =	vpop (xrf2)  }
0xb6: {  	(erf) = vpow2.f32 v46;
	v32 =	vbroadcast v63, $0xF;
	v53, _, _ =	vpop (xrf2)  }
0xb7: {  	v46 =	vmul.f32 $1.442695020e+00, v55;
	v54, _, _ =	vpop (xrf0);
	v44 =	vbroadcast v53, $0xF  }
0xb8: {  	(erf) = vrcp.f32 v32;
	v32 =	vbroadcast v54, $0xF;
	v49, _, _ =	vpop (xrf0)  }
0xb9: {  	v29 =	vsub.f32 v5, v29;
	(erf) = vpow2.f32 v52;
	v42 =	vbroadcast v49, $0xF  }
0xba: {  	(erf) = vpow2.f32 v31;
	v31 =	vsub.f32 v39, v32  }
0xbb: {  	v29 =	vmul.f32 $1.442695020e+00, v29;
	(erf) = vrcp.f32 v44;
	v56 =	vsub.f32 v45, v42  }
0xbc: {  	(erf) = vpow2.f32 v46;
	v31 =	vmul.f32 $1.442695020e+00, v31  }
0xbd: {  	v46 =	vpop (erf);
	(erf) = vpow2.f32 v29;
	v29 =	vmul.f32 $1.442695020e+00, v56;
	_ =	sdelay $0x1  }
0xbe: {  	v44 =	vpop (erf);
	(erf) = vpow2.f32 v31  }
0xbf: {  	v31 =	vpop (erf);
	(erf) = vpow2.f32 v29  }
0xc0: {  	v29 =	vpop (erf)  }
0xc1: {  	v49 =	vpop (erf)  }
0xc2: {  	v50 =	vpop (erf)  }
0xc3: {  	v51 =	vpop (erf)  }
0xc4: {  	v52 =	vpop (erf)  }
0xc5: {  	v53 =	vpop (erf)  }
0xc6: {  	v35 =	vmul.f32 v43, v59;
	v54 =	vpop (erf)  }
0xc7: {  	vm8 =	vge.f32 v15, v37;
	v62 =	vor.u32 s18, v0;
	v55 =	vpop (erf)  }
0xc8: {  	v33 =	vmul.f32 v43, v33;
	v57 =	vmul.f32 v43, v41;
	v58 =	vnsel vm2, $0x0, v35;
	v56 =	vpop (erf)  }
0xc9: {  	v15 =	vmul.f32 v43, v30;
	v28 =	vmul.f32 v36, v28;
	v30 =	vnsel vm0, $0x0, v56  }
0xca: {  	v37 =	vnsel vm4, $0x0, v57;
	v34 =	vmul.f32 v36, v34;
	v61 =	vbroadcast v47, $0xF;
	(xrf2) =	vadd.scan.msk.f32 $0xffff, v30  }
0xcb: {  	v15 =	vnsel vm3, $0x0, v15;
	v59 =	vmul.f32 v36, v38;
	v28 =	vnsel vm5, $0x0, v28  }
0xcc: {  	v60 =	vmul.f32 v36, v40;
	vm2 =	vge.f32 v19, v61;
	v19 =	vsub.f32 v6, v32  }
0xcd: {  	[tilespmem:s16+$0x30] =	vst v15;
	v30 =	vnsel vm1, $0x0, v33;
	vm1 =	vge.f32 v21, v61;
	v21 =	vnsel vm0, $0x0, v55  }
0xce: {  	v15 =	vnsel vm8, $0x0, v34;
	v35 =	vnsel vm7, $0x0, v59;
	(xrf2) =	vadd.scan.msk.f32 $0xffff, v21;
	v21 =	vsub.f32 v16, v32  }
0xcf: {  	v38 =	vnsel vm6, $0x0, v60;
	vm5 =	vge.f32 v17, v61;
	v19 =	vmul.f32 $1.442695020e+00, v19  }
0xd0: {  	vm7 =	vge.f32 v11, v61;
	v17 =	vsub.f32 v18, v42;
	v21 =	vmul.f32 $1.442695020e+00, v21  }
0xd1: {  	[tilespmem:s16+$0x20] =	vst v58;
	v47 =	vsub.f32 v8, v42;
	(erf) = vpow2.f32 v19;
	v19 =	vsub.f32 v14, v42  }
0xd2: {  	v63 =	vadd.s32 s17, v0;
	v17 =	vmul.f32 $1.442695020e+00, v17;
	[tilespmem:s16+$0x10] =	vst v30;
	v30 =	vbroadcast v48, $0xF  }
0xd3: {  	[tilespmem:s16+$0x0] =	vst v37;
	v45 =	vnsel vm0, $0x7F800000, v45;
	v11 =	vmul.f32 $1.442695020e+00, v47;
	v19 =	vmul.f32 $1.442695020e+00, v19  }
0xd4: {  	[tilespmem:s16+$0xFFFFFF90] =	vst v28;
	vm3 =	vge.f32 v7, v30;
	v7 =	vmul.f32 v49, v51;
	(erf) = vpow2.f32 v21;
	v21, _, _ =	vpop (xrf2)  }
0xd5: {  	(xrf0) =	vmin.scan.msk.f32 $0xffff, v45;
	v48 =	vsub.f32 v10, v42;
	(erf) = vpow2.f32 v17;
	v17 =	vbroadcast v21, $0xF  }
0xd6: {  	[tilespmem:s16+$0xFFFFFFB0] =	vst v15;
	vm4 =	vge.f32 v12, v30;
	v12 =	vmul.f32 v49, v29;
	(erf) = vpow2.f32 v19  }
0xd7: {  	[tilespmem:s16+$0xFFFFFF80] =	vst v35;
	vm6 =	vge.f32 v13, v30;
	v21 =	vmul.f32 $1.442695020e+00, v48;
	(erf) = vrcp.f32 v17  }
0xd8: {  	[tilespmem:s16+$0xFFFFFFA0] =	vst v38;
	v13 =	vmul.f32 v49, v31;
	v15, _, _ =	vpop (xrf2);
	(erf) = vpow2.f32 v11;
	v11 =	vsub.f32 v20, v32  }
0xd9: {  	s0 =	sadd.s32 $0x100, s0;
	[tilespmem:v63+s20+$0x0] =	vst.idx.msk $0xff, v22;
	v7 =	vnsel vm5, $0x0, v7;
	v15 =	vbroadcast v15, $0xF;
	(erf) = vpow2.f32 v21  }
0xda: {  	s1 =	sadd.s32 $0x10, s1;
	v22 =	vmul.f32 v49, v50;
	v13 =	vnsel vm7, $0x0, v13;
	[tilespmem:s0+$0x30] =	vst v7;
	v7 =	vmul.f32 $1.442695020e+00, v11  }
0xdb: {  	v12 =	vnsel vm2, $0x0, v12;
	[tilespmem:s0+$0x0] =	vst v13;
	v13 =	vsub.f32 v9, v32;
	v17 =	vadd.s32 s1, v0;
	v21, _, _ =	vpop (xrf0)  }
0xdc: {  	[tilespmem:s0+$0x10] =	vst v12;
	v12 =	vmul.f32 v52, v44;
	v19 =	vnsel vm0, $0x7F800000, v39;
	v11 =	vpop (erf);
	(erf) = vrcp.f32 v15  }
0xdd: {  	[tilespmem:v62+s20+$0x0] =	vst.idx.msk $0xff, v23;
	v22 =	vnsel vm1, $0x0, v22;
	v13 =	vmul.f32 $1.442695020e+00, v13;
	v15 =	vpop (erf);
	(erf) = vpow2.f32 v7  }
0xde: {  	s21 =	sadd.s32 $0xFFFFFFF8, s1;
	v23 =	vmul.f32 v52, v53;
	[tilespmem:s0+$0x20] =	vst v22;
	v12 =	vnsel vm4, $0x0, v12;
	(xrf0) =	vmin.scan.msk.f32 $0xffff, v19;
	v7 =	vpop (erf)  }
0xdf: {  	v28 =	vmul.f32 v52, v46;
	v22 =	vor.u32 s21, v0;
	[tilespmem:s0+$0xFFFFFF90] =	vst v12;
	v12 =	vbroadcast v21, $0xF;
	v19 =	vpop (erf)  }
0xe0: {  	v23 =	vnsel vm6, $0x0, v23;
	[tilespmem:v17+s20+$0x0] =	vst.idx.msk $0xff, v25;
	v25 =	vmul.f32 v52, v54;
	(erf) = vpow2.f32 v13;
	v17 =	vpop (erf)  }
0xe1: {  	vm1 =	vge.f32 v5, v30;
	v5 =	vnsel vm3, $0x0, v28;
	[tilespmem:s0+$0xFFFFFF80] =	vst v23;
	v13 =	vpop (erf)  }
0xe2: {  	[tilespmem:s0+$0xFFFFFFB0] =	vst v5;
	vm2 =	vge.f32 v18, v12;
	v23 =	vnsel vm1, $0x0, v25;
	v7 =	vmul.f32 v17, v7;
	v21 =	vpop (erf)  }
0xe3: {  	s1 =	sadd.s32 $0x10, s1;
	vm1 =	vge.f32 v10, v12;
	[tilespmem:s0+$0xFFFFFFA0] =	vst v23;
	v18 =	vmul.f32 v17, v19;
	v5 =	vmul.f32 v17, v21  }
0xe4: {  	s0 =	sadd.s32 $0x100, s0;
	v10, _, _ =	vpop (xrf0);
	[tilespmem:v22+s20+$0x0] =	vst.idx.msk $0xff, v24;
	v19 =	vadd.s32 s1, v0;
	v13 =	vmul.f32 v17, v13;
	v7 =	vnsel vm2, $0x0, v7  }
0xe5: {  	vm2 =	vge.f32 v8, v12;
	[tilespmem:s0+$0x0] =	vst v7;
	v5 =	vnsel vm1, $0x0, v5;
	vm1 =	vge.f32 v14, v12;
	v14 =	vpop (erf)  }
0xe6: {  	v7 =	vnsel vm2, $0x0, v13;
	[tilespmem:s0+$0x30] =	vst v5;
	v5 =	vbroadcast v10, $0xF;
	v10 =	vpop (erf)  }
0xe7: {  	s1 =	sadd.s32 $0xFFFFFFF8, s1;
	[tilespmem:s0+$0x20] =	vst v7;
	v8 =	vnsel vm1, $0x0, v18;
	v10 =	vmul.f32 v14, v10  }
0xe8: {  	v7 =	vor.u32 s1, v0;
	[tilespmem:s0+$0x10] =	vst v8;
	v8 =	vmul.f32 v14, v15;
	vm2 =	vge.f32 v20, v5  }
0xe9: {  	v11 =	vmul.f32 v14, v11;
	v12 =	vpop (erf);
	vm1 =	vge.f32 v16, v5;
	[tilespmem:v19+s20+$0x0] =	vst.idx.msk $0xff, v27;
	v10 =	vnsel vm2, $0x0, v10  }
0xea: {  	vm2 =	vge.f32 v6, v5;
	v6 =	vmul.f32 v14, v12;
	v8 =	vnsel vm1, $0x0, v8;
	[tilespmem:s0+$0xFFFFFF80] =	vst v10  }
0xeb: {  	vm1 =	vge.f32 v9, v5;
	v5 =	vnsel vm2, $0x0, v11;
	[tilespmem:s0+$0xFFFFFF90] =	vst v8  }
0xec: {  	v6 =	vnsel vm1, $0x0, v6;
	[tilespmem:s0+$0xFFFFFFB0] =	vst v5  }
0xed: {  	[tilespmem:s0+$0xFFFFFFA0] =	vst v6  }
0xee: {  	s22 =	simm.s32 $0x8000;
	[tilespmem:v7+s20+$0x0] =	vst.idx.msk $0xff, v26  }
0xef: {  	[hbm4b:s7+s2] =	stream.linear.scatter [tilespmem:s22], [sflag:$0x2], $0x2000, $0x38;
	[tilespmem:$0x10800] =	vst v63  }
0xf0: {  	_ = 	snop  }
0xf1: {  	[hbm4b:s8+s2] =	stream.linear.scatter [tilespmem:s20], [sflag:$0x2], $0x200, $0x38;
	[tilespmem:$0x10800] =	vst v63  }
0xf2: {  	_ =	swait.ge [sflag:s19], $0x2000  }
0xf3: {  	[sflag:s19] =	ssyncset.done $0x0  }
0xf4: {  	s23 =	simm.s32 $0x20B0;
	[sflag:s19] =	ssyncadd.s32 $0xFFFFE000  }
0xf5: {  	v24 =	vld [tilespmem:s23+$0x0]  }
0xf6: {  	v34 =	vld [tilespmem:s23+$0xFFFFFFF0]  }
0xf7: {  	v35 =	vld [tilespmem:s23+$0xFFFFFFE0]  }
0xf8: {  	v13 =	vld [tilespmem:s23+$0xFFFFFF80]  }
0xf9: {  	v29 =	vld [tilespmem:s23+$0xFFFFFF70]  }
0xfa: {  	v32 =	vld [tilespmem:s23+$0xFFFFFFD0];
	(xrf1) =	vsort.dscd.msk.f32 $0xffff, v24, v3  }
0xfb: {  	(xrf1) =	vsort.dscd.msk.f32 $0xffff, v34, v2  }
0xfc: {  	v25 =	vld [tilespmem:s23+$0xFFFFFF60];
	(xrf1) =	vsort.dscd.msk.f32 $0xffff, v35, v1  }
0xfd: {  	(xrf1) =	vsort.dscd.msk.f32 $0xffff, v13, v3  }
0xfe: {  	v31 =	vld [tilespmem:s23+$0xFFFFFF50];
	(xrf1) =	vsort.dscd.msk.f32 $0xffff, v29, v2  }
0xff: {  	(xrf1) =	vsort.dscd.msk.f32 $0xffff, v32, v0;
	_ =	sdelay $0x1  }
0x100: {  	(xrf1) =	vsort.dscd.msk.f32 $0xffff, v25, v1;
	_ =	sdelay $0x1  }
0x101: {  	(xrf1) =	vsort.dscd.msk.f32 $0xffff, v31, v0;
	_ =	sdelay $0x4  }
0x102: {  	v5, v6, _ =	vpop (xrf1)  }
0x103: {  	v7, v8, _ =	vpop (xrf1);
	v5 =	vperm.xlane v5, v4  }
0x104: {  	v6 =	vperm.xlane v6, v4;
	v9, v10, _ =	vpop (xrf1)  }
0x105: {  	v11, v12, _ =	vpop (xrf1);
	v5 =	vsel vm0, v7, v5;
	v7 =	vperm.xlane v9, v4;
	v9 =	vperm.xlane v10, v4  }
0x106: {  	v10, v14, _ =	vpop (xrf1)  }
0x107: {  	v6 =	vsel vm0, v8, v6;
	v8 =	vperm.xlane v11, v4;
	v11 =	vperm.xlane v12, v4;
	v12, v15, _ =	vpop (xrf1)  }
0x108: {  	(xrf1) =	vsort.dscd.msk.f32 $0xffff, v5, v6;
	v6 =	vsel vm0, v15, v9  }
0x109: {  	v5 =	vsel vm0, v12, v7;
	v7 =	vsel vm0, v10, v8;
	v8 =	vsel vm0, v14, v11;
	v9, v10, _ =	vpop (xrf1)  }
0x10a: {  	(xrf1) =	vsort.dscd.msk.f32 $0xffff, v5, v6;
	v10 =	vperm.xlane v10, v4;
	v5 =	vperm.xlane v9, v4  }
0x10b: {  	(xrf1) =	vsort.dscd.msk.f32 $0xffff, v7, v8;
	v6, v9, _ =	vpop (xrf1)  }
0x10c: {  	v5 =	vsel vm0, v6, v5;
	v6 =	vsel vm0, v9, v10  }
0x10d: {  	s24 =	simm.s32 $0x21B0;
	(xrf1) =	vsort.dscd.msk.f32 $0xffff, v5, v6  }
0x10e: {  	v17 =	vld [tilespmem:s24+$0x0]  }
0x10f: {  	v21 =	vld [tilespmem:s24+$0xFFFFFFF0]  }
0x110: {  	v20 =	vld [tilespmem:s24+$0xFFFFFFE0];
	_ =	sdelay $0x1  }
0x111: {  	v7 =	vld [tilespmem:s24+$0xFFFFFF80]  }
0x112: {  	v5 =	vld [tilespmem:s24+$0xFFFFFF70];
	(xrf1) =	vsort.dscd.msk.f32 $0xffff, v17, v3  }
0x113: {  	v11 =	vld [tilespmem:s24+$0xFFFFFFD0];
	(xrf1) =	vsort.dscd.msk.f32 $0xffff, v21, v2  }
0x114: {  	v12 =	vld [tilespmem:s24+$0xFFFFFF60];
	(xrf1) =	vsort.dscd.msk.f32 $0xffff, v20, v1;
	_ =	sdelay $0x1  }
0x115: {  	(xrf1) =	vsort.dscd.msk.f32 $0xffff, v7, v3;
	v6, v8, _ =	vpop (xrf1)  }
0x116: {  	(xrf1) =	vsort.dscd.msk.f32 $0xffff, v5, v2;
	v9, v10, _ =	vpop (xrf1)  }
0x117: {  	v14 =	vld [tilespmem:s24+$0xFFFFFF50];
	(xrf1) =	vsort.dscd.msk.f32 $0xffff, v11, v0;
	v15, v16, _ =	vpop (xrf1)  }
0x118: {  	(xrf1) =	vsort.dscd.msk.f32 $0xffff, v12, v1;
	v15 =	vperm.xlane v15, v4;
	v16 =	vperm.xlane v16, v4  }
0x119: {  	v8 =	vperm.xlane v8, v4;
	v18, v19, _ =	vpop (xrf1)  }
0x11a: {  	v6 =	vperm.xlane v6, v4;
	v15 =	vsel vm0, v18, v15;
	v16 =	vsel vm0, v19, v16  }
0x11b: {  	v8 =	vsel vm0, v10, v8;
	(xrf1) =	vsort.dscd.msk.f32 $0xffff, v15, v16  }
0x11c: {  	v6 =	vsel vm0, v9, v6;
	(xrf1) =	vsort.dscd.msk.f32 $0xffff, v14, v0  }
0x11d: {  	(xrf1) =	vsort.dscd.msk.f32 $0xffff, v6, v8;
	_ =	sdelay $0x1  }
0x11e: {  	v6, v8, _ =	vpop (xrf1)  }
0x11f: {  	v9, v10, _ =	vpop (xrf1);
	v6 =	vperm.xlane v6, v4  }
0x120: {  	v8 =	vperm.xlane v8, v4;
	v15, v16, _ =	vpop (xrf1)  }
0x121: {  	v6 =	vsel vm0, v9, v6;
	v9 =	vperm.xlane v15, v4;
	v15 =	vperm.xlane v16, v4  }
0x122: {  	v18, v19, _ =	vpop (xrf1)  }
0x123: {  	v8 =	vsel vm0, v10, v8;
	v16, v22, _ =	vpop (xrf1);
	v10 =	vperm.xlane v18, v4  }
0x124: {  	v18 =	vperm.xlane v19, v4;
	(xrf1) =	vsort.dscd.msk.f32 $0xffff, v6, v8;
	v19, v23, _ =	vpop (xrf1)  }
0x125: {  	v6 =	vsel vm0, v19, v9;
	v8 =	vsel vm0, v23, v15;
	v9 =	vsel vm0, v16, v10;
	v15, v16, _ =	vpop (xrf1)  }
0x126: {  	v16 =	vperm.xlane v16, v4;
	_ =	sdelay $0x1  }
0x127: {  	v10 =	vsel vm0, v22, v18;
	(xrf1) =	vsort.dscd.msk.f32 $0xffff, v6, v8;
	v6 =	vperm.xlane v15, v4;
	v26, v23, _ =	vpop (xrf1)  }
0x128: {  	v8, v15, _ =	vpop (xrf1);
	(xrf1) =	vsort.dscd.msk.f32 $0xffff, v9, v10  }
0x129: {  	s18 =	simm.s32 $0x22B0;
	(xrf0) =	vmax.scan.msk.f32 $0xffff, v26;
	v6 =	vsel vm0, v8, v6;
	v8 =	vsel vm0, v15, v16;
	v16, v22, _ =	vpop (xrf1)  }
0x12a: {  	v10 =	vld [tilespmem:s18+$0x0];
	(xrf0) =	vmax.scan.msk.f32 $0xffff, v16  }
0x12b: {  	(xrf1) =	vsort.dscd.msk.f32 $0xffff, v6, v8;
	v8 =	vld [tilespmem:s18+$0xFFFFFFF0];
	_ =	sdelay $0x1  }
0x12c: {  	v15 =	vld [tilespmem:s18+$0xFFFFFFE0];
	_ =	sdelay $0x1  }
0x12d: {  	v6 =	vld [tilespmem:s18+$0xFFFFFF80];
	(xrf1) =	vsort.dscd.msk.f32 $0xffff, v10, v3;
	v9, _, _ =	vpop (xrf0)  }
0x12e: {  	v19 =	vnsel vm0, $0x7F800000, v16;
	v33 =	vbroadcast v9, $0xF;
	v9 =	vld [tilespmem:s18+$0xFFFFFF70];
	(xrf1) =	vsort.dscd.msk.f32 $0xffff, v8, v2;
	v18, _, _ =	vpop (xrf0)  }
0x12f: {  	v27 =	vbroadcast v18, $0xF;
	v18 =	vld [tilespmem:s18+$0xFFFFFFD0]  }
0x130: {  	(xrf1) =	vsort.dscd.msk.f32 $0xffff, v15, v1;
	v28 =	vsub.f32 v26, v33  }
0x131: {  	(xrf0) =	vmin.scan.msk.f32 $0xffff, v19  }
0x132: {  	v30, v19, _ =	vpop (xrf1);
	(xrf1) =	vsort.dscd.msk.f32 $0xffff, v6, v3;
	v53 =	vsub.f32 v16, v27;
	v28 =	vmul.f32 $1.442695020e+00, v28  }
0x133: {  	v56, v55, _ =	vpop (xrf1);
	v16 =	vld [tilespmem:s18+$0xFFFFFF60];
	(xrf1) =	vsort.dscd.msk.f32 $0xffff, v9, v2  }
0x134: {  	(erf) = vpow2.f32 v28;
	v28 =	vmul.f32 $1.442695020e+00, v53;
	v58, v57, _ =	vpop (xrf1);
	(xrf1) =	vsort.dscd.msk.f32 $0xffff, v18, v0  }
0x135: {  	v54 =	vperm.xlane v19, v4;
	v19 =	vld [tilespmem:s18+$0xFFFFFF50];
	v59 =	vperm.xlane v58, v4  }
0x136: {  	v60 =	vperm.xlane v57, v4;
	(erf) = vpow2.f32 v28  }
0x137: {  	v30 =	vperm.xlane v30, v4;
	v62, v61, _ =	vpop (xrf1)  }
0x138: {  	(xrf1) =	vsort.dscd.msk.f32 $0xffff, v16, v1;
	v28 =	vsel vm0, v62, v59;
	v63 =	vsel vm0, v61, v60  }
0x139: {  	v49 =	vsub.f32 v31, v33;
	v44 =	vsub.f32 v35, v27;
	(xrf1) =	vsort.dscd.msk.f32 $0xffff, v28, v63  }
0x13a: {  	v48, _, _ =	vpop (xrf0);
	v28 =	vsel vm0, v56, v30;
	v30 =	vsel vm0, v55, v54;
	(xrf1) =	vsort.dscd.msk.f32 $0xffff, v19, v0  }
0x13b: {  	v45 =	vsub.f32 v34, v27;
	v46 =	vsub.f32 v24, v27;
	v51, v50, _ =	vpop (xrf1);
	(xrf1) =	vsort.dscd.msk.f32 $0xffff, v28, v30  }
0x13c: {  	v47 =	vsub.f32 v32, v27;
	v53 =	vsub.f32 v25, v33;
	v40 =	vperm.xlane v50, v4;
	v54, v55, _ =	vpop (xrf1)  }
0x13d: {  	v27 =	vmul.f32 $1.442695020e+00, v45;
	v57 =	vsub.f32 v13, v33;
	v37 =	vperm.xlane v51, v4;
	v52 =	vpop (erf)  }
0x13e: {  	v39 =	vbroadcast v48, $0xF;
	v30 =	vnsel vm0, $0x7F800000, v26;
	v40 =	vsel vm0, v55, v40;
	v59, v60, _ =	vpop (xrf1)  }
0x13f: {  	v38 =	vmul.f32 $1.442695020e+00, v47;
	v45 =	vmul.f32 $1.442695020e+00, v57;
	(xrf0) =	vmin.scan.msk.f32 $0xffff, v30;
	v37 =	vsel vm0, v54, v37;
	v58 =	vpop (erf)  }
0x140: {  	v42 =	vmul.f32 $1.442695020e+00, v53;
	vm1 =	vge.f32 v35, v39;
	v51, v63, _ =	vpop (xrf1);
	v61 =	vnsel vm0, $0x0, v58  }
0x141: {  	v56 =	vsub.f32 v29, v33;
	(erf) = vpow2.f32 v45;
	v62 =	vperm.xlane v59, v4;
	v54, v53, _ =	vpop (xrf1);
	(xrf2) =	vadd.scan.msk.f32 $0xffff, v61  }
0x142: {  	vm3 =	vge.f32 v24, v39;
	v28 =	vmul.f32 $1.442695020e+00, v44;
	v26 =	vmul.f32 $1.442695020e+00, v46;
	(xrf1) =	vsort.dscd.msk.f32 $0xffff, v37, v40;
	v37, v40, _ =	vpop (xrf1)  }
0x143: {  	v33 =	vmul.f32 $1.442695020e+00, v56;
	v41 =	vnsel vm0, $0x0, v52;
	v24 =	vsel vm0, v37, v62  }
0x144: {  	vm2 =	vge.f32 v34, v39;
	v44 =	vperm.xlane v60, v4;
	v52 =	vperm.xlane v51, v4;
	(xrf2) =	vadd.scan.msk.f32 $0xffff, v41  }
0x145: {  	vm4 =	vge.f32 v32, v39;
	v47 =	vperm.xlane v63, v4;
	(erf) = vpow2.f32 v42;
	v55, _, _ =	vpop (xrf0)  }
0x146: {  	v30 =	vmul.f32 $1.442695020e+00, v49;
	(erf) = vpow2.f32 v38;
	v56 =	vsel vm0, v40, v44;
	v59, v58, _ =	vpop (xrf1)  }
0x147: {  	v57 =	vsel vm0, v54, v52;
	v60 =	vsel vm0, v53, v47;
	v36 =	vbroadcast v55, $0xF;
	(xrf1) =	vsort.dscd.msk.f32 $0xffff, v24, v56;
	v41, v24, _ =	vpop (xrf1)  }
0x148: {  	v61 =	vperm.xlane v58, v4;
	v35 =	vperm.xlane v59, v4;
	(xrf1) =	vsort.dscd.msk.f32 $0xffff, v57, v60;
	v63, v62, _ =	vpop (xrf1)  }
0x149: {  	s31 =	simm.s32 $0x208;
	s17 =	simm.s32 $0x200;
	s16 =	simm.s32 $0xA0B0;
	vm6 =	vge.f32 v25, v36;
	vm7 =	vge.f32 v31, v36;
	vm5 =	vge.f32 v29, v36;
	(xrf0) =	vmax.scan.msk.f32 $0xffff, v41;
	v39, v25, _ =	vpop (xrf1)  }
0x14a: {  	s21 =	simm.s32 $0x44;
	s1 =	simm.s32 $0x208;
	s0 =	simm.s32 $0xA0B0;
	v32 =	vnsel vm0, $0x7F800000, v41;
	v29 =	vsel vm0, v63, v35;
	v34 =	vsel vm0, v62, v61;
	(xrf0) =	vmax.scan.msk.f32 $0xffff, v39  }
.LBB2_4:
0x14b: {  	s21 =	sadd.s32 $0x2, s21;
	v42 =	vnsel vm0, $0x7F800000, v39;
	vm8 =	vge.f32 v13, v36;
	s1 =	sadd.s32 $0x10, s1;
	s0 =	sadd.s32 $0x100, s0;
	v13, _, _ =	vpop (xrf2);
	(erf) = vpow2.f32 v28  }
0x14c: {  	v38 =	vmovc v15;
	p0 =	slt.u32 s21, $0x7E;
	(xrf1) =	vsort.dscd.msk.f32 $0xffff, v29, v34;
	s22 =	sadd.s32 $0xFFFFFFF8, s1;
	v28 =	vbroadcast v13, $0xF;
	v13 =	vmov v7;
	v7 =	vmov v6  }
0x14d: {  	s18 =	sadd.s32 $0x100, s18;
	v36 =	vmov v11;
	v11 =	vmov v18;
	v29 =	vmov v5;
	v43 =	vpop (erf)  }
0x14e: {  	v5 =	vmov v9;
	v34 =	vmov v12;
	v35 =	vld [tilespmem:s18+$0x0];
	v15, _, _ =	vpop (xrf2);
	(erf) = vrcp.f32 v28  }
0x14f: {  	v12 =	vmov v16;
	v6 =	vld [tilespmem:s18+$0xFFFFFF80];
	v9, _, _ =	vpop (xrf0);
	v18 =	vbroadcast v15, $0xF;
	(erf) = vpow2.f32 v27  }
0x150: {  	v37 =	vmov v14;
	v31 =	vld [tilespmem:s18+$0xFFFFFFF0];
	v44 =	vbroadcast v9, $0xF;
	v9, _, _ =	vpop (xrf0);
	(erf) = vpow2.f32 v26  }
0x151: {  	v14 =	vmov v19;
	v40 =	vmov v23;
	v15 =	vld [tilespmem:s18+$0xFFFFFFE0];
	v16, v26, _ =	vpop (xrf1);
	v27 =	vbroadcast v9, $0xF  }
0x152: {  	v19 =	vperm.xlane v26, v4;
	v23 =	vsub.f32 v41, v44;
	(erf) = vrcp.f32 v18;
	v41 =	vpop (erf)  }
0x153: {  	v26 =	vperm.xlane v16, v4;
	v18 =	vld [tilespmem:s18+$0xFFFFFFD0];
	(xrf1) =	vsort.dscd.msk.f32 $0xffff, v35, v3;
	v39 =	vsub.f32 v39, v27;
	(erf) = vpow2.f32 v30;
	v30 =	vpop (erf)  }
0x154: {  	v28 =	vsub.f32 v20, v27;
	v45 =	vsub.f32 v21, v27;
	v9 =	vld [tilespmem:s18+$0xFFFFFF70];
	v23 =	vmul.f32 $1.442695020e+00, v23;
	v46 =	vpop (erf)  }
0x155: {  	v49 =	vsub.f32 v36, v27;
	v50 =	vsub.f32 v17, v27;
	v16 =	vld [tilespmem:s18+$0xFFFFFF60];
	(xrf1) =	vsort.dscd.msk.f32 $0xffff, v31, v2;
	v47, v48, _ =	vpop (xrf1);
	(erf) = vpow2.f32 v33  }
0x156: {  	v28 =	vmul.f32 $1.442695020e+00, v28;
	v33 =	vsel vm0, v47, v26;
	v47, v51, _ =	vpop (xrf1);
	(erf) = vpow2.f32 v23  }
0x157: {  	v27 =	vmul.f32 $1.442695020e+00, v45;
	v23 =	vsel vm0, v48, v19;
	v26 =	vmul.f32 $1.442695020e+00, v50;
	(xrf0) =	vmin.scan.msk.f32 $0xffff, v42;
	v42 =	vpop (erf)  }
0x158: {  	v45 =	vsub.f32 v37, v44;
	v56 =	vmul.f32 $1.442695020e+00, v39;
	(xrf1) =	vsort.dscd.msk.f32 $0xffff, v15, v1;
	v46 =	vmul.f32 v42, v46;
	v48 =	vpop (erf)  }
0x159: {  	v50 =	vor.u32 s17, v0;
	s17 =	smov.u32 s22;
	v47 =	vperm.xlane v47, v4;
	v19 =	vld [tilespmem:s18+$0xFFFFFF50];
	(xrf1) =	vsort.dscd.msk.f32 $0xffff, v6, v3;
	v58 =	vmul.f32 v42, v48;
	v52 =	vpop (erf)  }
0x15a: {  	v55 =	vadd.s32 s31, v0;
	s31 =	smov.u32 s1;
	v51 =	vperm.xlane v51, v4;
	(xrf1) =	vsort.dscd.msk.f32 $0xffff, v9, v2;
	v53, v54, _ =	vpop (xrf1);
	v57 =	vmul.f32 v42, v52  }
0x15b: {  	(xrf1) =	vsort.dscd.msk.f32 $0xffff, v18, v0;
	v47 =	vsel vm0, v53, v47;
	(erf) = vpow2.f32 v56;
	v56 =	vmul.f32 v42, v30;
	v39 =	vpop (erf)  }
0x15c: {  	v42 =	vnsel vm2, $0x0, v58;
	(xrf0) =	vmin.scan.msk.f32 $0xffff, v32;
	v32 =	vnsel vm1, $0x0, v46;
	v46 =	vnsel vm3, $0x0, v57;
	v48 =	vpop (erf)  }
0x15d: {  	v51 =	vsel vm0, v54, v51;
	(xrf1) =	vsort.dscd.msk.f32 $0xffff, v16, v1;
	v52, _, _ =	vpop (xrf0);
	v53 =	vnsel vm4, $0x0, v56;
	[tilespmem:s16+$0x0] =	vst v46  }
0x15e: {  	v46 =	vmul.f32 v39, v48;
	v48 =	vmul.f32 v39, v41;
	(xrf1) =	vsort.dscd.msk.f32 $0xffff, v47, v51;
	[tilespmem:s16+$0xFFFFFFD0] =	vst v53;
	v30 =	vpop (erf)  }
0x15f: {  	(xrf1) =	vsort.dscd.msk.f32 $0xffff, v19, v0;
	v47 =	vpop (erf);
	v30 =	vmul.f32 v39, v30;
	v39 =	vmul.f32 v39, v43;
	[tilespmem:s16+$0xFFFFFFE0] =	vst v32  }
0x160: {  	(xrf1) =	vsort.dscd.msk.f32 $0xffff, v33, v23;
	v32 =	vnsel vm0, $0x0, v47;
	v33 =	vnsel vm6, $0x0, v48;
	[tilespmem:s16+$0xFFFFFFF0] =	vst v42;
	v23 =	vmovc v24  }
0x161: {  	v51 =	vnsel vm7, $0x0, v46;
	v24, v41, _ =	vpop (xrf1);
	v43 =	vnsel vm5, $0x0, v30;
	v39 =	vnsel vm8, $0x0, v39;
	[tilespmem:v55+s20+$0x0] =	vst.idx.msk $0xff, v22  }
0x162: {  	v46 =	vmul.f32 $1.442695020e+00, v49;
	v53 =	vperm.xlane v41, v4;
	v41 =	vsub.f32 v34, v44;
	v47, _, _ =	vpop (xrf0);
	[tilespmem:s16+$0xFFFFFF50] =	vst v51  }
0x163: {  	v30 =	vmul.f32 $1.442695020e+00, v45;
	v45 =	vsub.f32 v29, v44;
	v24 =	vperm.xlane v24, v4;
	v42, v48, _ =	vpop (xrf1);
	[tilespmem:s16+$0xFFFFFF60] =	vst v33  }
0x164: {  	v49 =	vmul.f32 $1.442695020e+00, v41;
	v41 =	vsub.f32 v13, v44;
	v44 =	vbroadcast v52, $0xF;
	v33 =	vpop (erf);
	[tilespmem:s16+$0xFFFFFF80] =	vst v39  }
0x165: {  	v22 =	vmovc v25;
	v24 =	vsel vm0, v42, v24;
	v39 =	vsel vm0, v48, v53;
	v51 =	vnsel vm0, $0x0, v33;
	[tilespmem:s16+$0xFFFFFF70] =	vst v43;
	s16 =	smov.u32 s0  }
0x166: {  	v33 =	vmul.f32 $1.442695020e+00, v45;
	v25, v43, _ =	vpop (xrf1);
	v41 =	vmul.f32 $1.442695020e+00, v41;
	(xrf2) =	vadd.scan.msk.f32 $0xffff, v51;
	[tilespmem:v50+s20+$0x0] =	vst.idx.msk $0xff, v40  }
0x167: {  	vm1 =	vge.f32 v20, v44;
	v25 =	vperm.xlane v25, v4;
	v40 =	vperm.xlane v43, v4;
	v42, v43, _ =	vpop (xrf1)  }
0x168: {  	v20 =	vmov v38;
	v42 =	vperm.xlane v42, v4;
	v43 =	vperm.xlane v43, v4;
	v45, v48, _ =	vpop (xrf1);
	(xrf1) =	vsort.dscd.msk.f32 $0xffff, v24, v39  }
0x169: {  	vm2 =	vge.f32 v21, v44;
	vm3 =	vge.f32 v17, v44;
	v24, v38, _ =	vpop (xrf1);
	(xrf2) =	vadd.scan.msk.f32 $0xffff, v32;
	(erf) = vpow2.f32 v41  }
0x16a: {  	vm4 =	vge.f32 v36, v44;
	v17 =	vmovc v10;
	v50 =	vsel vm0, v24, v25;
	v39 =	vsel vm0, v38, v40  }
.Ltmp1:
0x16b: {  	v36 =	vbroadcast v47, $0xF;
	v42 =	vsel vm0, v45, v42;
	v32 =	vsel vm0, v48, v43;
	v38, v10, _ =	vpop (xrf1);
	(pc) =	sbr.rel @p0 .LBB2_4-.Ltmp1, $4  }
0x16c: {  	v21 =	vmov v8;
	v40 =	vperm.xlane v10, v4;
	(xrf1) =	vsort.dscd.msk.f32 $0xffff, v50, v39;
	v41, v24, _ =	vpop (xrf1);
	v10 =	vmov v35  }
0x16d: {  	vm6 =	vge.f32 v34, v36;
	v43 =	vperm.xlane v38, v4;
	v35, v38, _ =	vpop (xrf1);
	(xrf1) =	vsort.dscd.msk.f32 $0xffff, v42, v32;
	v32 =	vnsel vm0, $0x7F800000, v41  }
0x16e: {  	vm7 =	vge.f32 v37, v36;
	vm5 =	vge.f32 v29, v36;
	(xrf0) =	vmax.scan.msk.f32 $0xffff, v41;
	v39, v25, _ =	vpop (xrf1);
	(erf) = vpow2.f32 v49  }
0x16f: {  	v8 =	vmovc v31;
	v29 =	vsel vm0, v35, v43;
	v34 =	vsel vm0, v38, v40;
	(xrf0) =	vmax.scan.msk.f32 $0xffff, v39;
	(erf) = vpow2.f32 v46  }
0x170: {  	(xrf1) =	vsort.dscd.msk.f32 $0xffff, v29, v34  }
0x171: {  	v29, _, _ =	vpop (xrf2)  }
0x172: {  	v29 =	vbroadcast v29, $0xF;
	_ =	sdelay $0x2  }
0x173: {  	(erf) = vpow2.f32 v28;
	v28, _, _ =	vpop (xrf2)  }
0x174: {  	(erf) = vrcp.f32 v29;
	v28 =	vbroadcast v28, $0xF;
	v29, _, _ =	vpop (xrf0)  }
0x175: {  	v29 =	vbroadcast v29, $0xF;
	v31, _, _ =	vpop (xrf0)  }
0x176: {  	v34 =	vpop (erf);
	(erf) = vpow2.f32 v27;
	v31 =	vbroadcast v31, $0xF  }
0x177: {  	(erf) = vpow2.f32 v26;
	v26, v27, _ =	vpop (xrf1);
	v35 =	vsub.f32 v41, v29  }
0x178: {  	(erf) = vrcp.f32 v28;
	v28 =	vpop (erf);
	v37 =	vsub.f32 v39, v31  }
0x179: {  	(erf) = vpow2.f32 v30;
	v30 =	vmul.f32 $1.442695020e+00, v35;
	v54, v38, _ =	vpop (xrf1)  }
0x17a: {  	(erf) = vpow2.f32 v33;
	v55, v40, _ =	vpop (xrf1);
	v37 =	vmul.f32 $1.442695020e+00, v37  }
0x17b: {  	v41 =	vpop (erf);
	(erf) = vpow2.f32 v30;
	v30 =	vperm.xlane v55, v4  }
0x17c: {  	v40 =	vperm.xlane v40, v4;
	(erf) = vpow2.f32 v37;
	v56, v42, _ =	vpop (xrf1)  }
0x17d: {  	v27 =	vperm.xlane v27, v4;
	v26 =	vperm.xlane v26, v4;
	v33 =	vpop (erf);
	v30 =	vsel vm0, v56, v30  }
0x17e: {  	v43 =	vpop (erf);
	v57 =	vsel vm0, v42, v40  }
0x17f: {  	v26 =	vsel vm0, v54, v26;
	v27 =	vsel vm0, v38, v27;
	v58 =	vpop (erf);
	(xrf1) =	vsort.dscd.msk.f32 $0xffff, v30, v57  }
0x180: {  	(xrf1) =	vsort.dscd.msk.f32 $0xffff, v26, v27;
	v30 =	vpop (erf)  }
0x181: {  	v37 =	vpop (erf)  }
0x182: {  	v38 =	vpop (erf)  }
0x183: {  	v40 =	vpop (erf)  }
0x184: {  	v26 =	vpop (erf)  }
0x185: {  	v27 =	vpop (erf)  }
0x186: {  	v27 =	vnsel vm0, $0x0, v27  }
0x187: {  	v26 =	vnsel vm0, $0x0, v26;
	(xrf2) =	vadd.scan.msk.f32 $0xffff, v27  }
0x188: {  	v27 =	vnsel vm0, $0x7F800000, v39;
	(xrf2) =	vadd.scan.msk.f32 $0xffff, v26  }
0x189: {  	(xrf0) =	vmin.scan.msk.f32 $0xffff, v27;
	v27 =	vsub.f32 v7, v29;
	_ =	sdelay $0x1  }
0x18a: {  	(xrf0) =	vmin.scan.msk.f32 $0xffff, v32;
	_ =	sdelay $0x1  }
0x18b: {  	v59 =	vsub.f32 v12, v29;
	v46 =	vsub.f32 v20, v31;
	v39, v26, _ =	vpop (xrf1)  }
0x18c: {  	v60 =	vsub.f32 v11, v31;
	v44 =	vmul.f32 $1.442695020e+00, v27;
	(xrf0) =	vmax.scan.msk.f32 $0xffff, v39;
	v45, v27, _ =	vpop (xrf1)  }
0x18d: {  	v61 =	vsub.f32 v21, v31;
	v46 =	vmul.f32 $1.442695020e+00, v46;
	v32 =	vmul.f32 $1.442695020e+00, v59;
	(xrf0) =	vmax.scan.msk.f32 $0xffff, v45  }
0x18e: {  	v31 =	vsub.f32 v17, v31;
	v42 =	vmul.f32 $1.442695020e+00, v60;
	(erf) = vpow2.f32 v44;
	v47, _, _ =	vpop (xrf0)  }
0x18f: {  	v63 =	vmul.f32 $1.442695020e+00, v61;
	(erf) = vpow2.f32 v32;
	v48, _, _ =	vpop (xrf0)  }
0x190: {  	v31 =	vmul.f32 $1.442695020e+00, v31;
	v54 =	vsub.f32 v14, v29;
	(erf) = vpow2.f32 v42;
	v62, _, _ =	vpop (xrf2)  }
0x191: {  	(erf) = vpow2.f32 v46;
	v32 =	vbroadcast v62, $0xF;
	v52, _, _ =	vpop (xrf2)  }
0x192: {  	v46 =	vmul.f32 $1.442695020e+00, v54;
	v53, _, _ =	vpop (xrf0);
	v44 =	vbroadcast v52, $0xF  }
0x193: {  	(erf) = vrcp.f32 v32;
	v32 =	vbroadcast v53, $0xF;
	v49, _, _ =	vpop (xrf0)  }
0x194: {  	v29 =	vsub.f32 v5, v29;
	(erf) = vpow2.f32 v63;
	v42 =	vbroadcast v49, $0xF  }
0x195: {  	(erf) = vpow2.f32 v31;
	v31 =	vsub.f32 v39, v32  }
0x196: {  	v29 =	vmul.f32 $1.442695020e+00, v29;
	(erf) = vrcp.f32 v44;
	v55 =	vsub.f32 v45, v42  }
0x197: {  	(erf) = vpow2.f32 v46;
	v31 =	vmul.f32 $1.442695020e+00, v31  }
0x198: {  	v46 =	vpop (erf);
	(erf) = vpow2.f32 v29;
	v29 =	vmul.f32 $1.442695020e+00, v55;
	_ =	sdelay $0x1  }
0x199: {  	v44 =	vpop (erf);
	(erf) = vpow2.f32 v31  }
0x19a: {  	v31 =	vpop (erf);
	(erf) = vpow2.f32 v29  }
0x19b: {  	v29 =	vpop (erf)  }
0x19c: {  	v49 =	vpop (erf)  }
0x19d: {  	v50 =	vpop (erf)  }
0x19e: {  	v51 =	vpop (erf)  }
0x19f: {  	v52 =	vpop (erf)  }
0x1a0: {  	v53 =	vpop (erf)  }
0x1a1: {  	v33 =	vmul.f32 v43, v33;
	v41 =	vmul.f32 v43, v41;
	v54 =	vpop (erf)  }
0x1a2: {  	vm9 =	vge.f32 v13, v36;
	v35 =	vmul.f32 v43, v58;
	v55 =	vpop (erf)  }
0x1a3: {  	v33 =	vnsel vm1, $0x0, v33;
	v58 =	vnsel vm4, $0x0, v41;
	v30 =	vmul.f32 v43, v30;
	v56 =	vpop (erf)  }
0x1a4: {  	v28 =	vmul.f32 v37, v28;
	v38 =	vmul.f32 v37, v38;
	v56 =	vnsel vm0, $0x0, v56  }
0x1a5: {  	v30 =	vnsel vm3, $0x0, v30;
	v13 =	vmul.f32 v37, v40;
	v57 =	vbroadcast v47, $0xF;
	(xrf2) =	vadd.scan.msk.f32 $0xffff, v56  }
0x1a6: {  	v34 =	vmul.f32 v37, v34;
	v28 =	vnsel vm6, $0x0, v28;
	[tilespmem:s16+$0x0] =	vst v30;
	v30 =	vor.u32 s17, v0  }
0x1a7: {  	v60 =	vnsel vm7, $0x0, v38;
	v13 =	vnsel vm5, $0x0, v13;
	vm8 =	vge.f32 v20, v57  }
0x1a8: {  	vm1 =	vge.f32 v21, v57;
	v21 =	vsub.f32 v6, v32;
	v59 =	vnsel vm0, $0x0, v55  }
0x1a9: {  	v20 =	vnsel vm2, $0x0, v35;
	vm2 =	vge.f32 v17, v57;
	v17 =	vsub.f32 v16, v32;
	(xrf2) =	vadd.scan.msk.f32 $0xffff, v59  }
0x1aa: {  	v38 =	vnsel vm0, $0x7F800000, v45;
	v41 =	vbroadcast v48, $0xF;
	v21 =	vmul.f32 $1.442695020e+00, v21  }
0x1ab: {  	vm6 =	vge.f32 v11, v57;
	v61 =	vsub.f32 v18, v42;
	v17 =	vmul.f32 $1.442695020e+00, v17  }
0x1ac: {  	[tilespmem:s16+$0xFFFFFFF0] =	vst v20;
	vm4 =	vge.f32 v12, v41;
	v20 =	vsub.f32 v8, v42;
	(erf) = vpow2.f32 v21  }
0x1ad: {  	[tilespmem:s16+$0xFFFFFFD0] =	vst v58;
	v62 =	vmul.f32 $1.442695020e+00, v61;
	(erf) = vpow2.f32 v17;
	v17 =	vsub.f32 v15, v42  }
0x1ae: {  	[tilespmem:s16+$0xFFFFFFE0] =	vst v33;
	vm5 =	vge.f32 v14, v41;
	v11 =	vmul.f32 $1.442695020e+00, v20;
	v12 =	vmul.f32 v49, v29  }
0x1af: {  	[tilespmem:s16+$0xFFFFFF70] =	vst v13;
	vm3 =	vge.f32 v7, v41;
	v13 =	vmul.f32 v49, v31;
	v17 =	vmul.f32 $1.442695020e+00, v17;
	v40, _, _ =	vpop (xrf2)  }
0x1b0: {  	(xrf0) =	vmin.scan.msk.f32 $0xffff, v38;
	v42 =	vsub.f32 v10, v42;
	(erf) = vpow2.f32 v62;
	v35 =	vbroadcast v40, $0xF  }
0x1b1: {  	[tilespmem:s16+$0xFFFFFF60] =	vst v28;
	v7 =	vmul.f32 v49, v51;
	v21 =	vadd.s32 s31, v0;
	(erf) = vpow2.f32 v17  }
0x1b2: {  	s0 =	sadd.s32 $0x100, s0;
	[tilespmem:s16+$0xFFFFFF50] =	vst v60;
	v13 =	vnsel vm6, $0x0, v13;
	v20 =	vmul.f32 $1.442695020e+00, v42;
	(erf) = vrcp.f32 v35  }
0x1b3: {  	v12 =	vnsel vm8, $0x0, v12;
	[tilespmem:s0+$0xFFFFFFD0] =	vst v13;
	v14, _, _ =	vpop (xrf2);
	(erf) = vpow2.f32 v11;
	v11 =	vsub.f32 v19, v32  }
0x1b4: {  	[tilespmem:s0+$0xFFFFFFE0] =	vst v12;
	v7 =	vnsel vm2, $0x0, v7;
	v14 =	vbroadcast v14, $0xF;
	(erf) = vpow2.f32 v20  }
0x1b5: {  	s1 =	sadd.s32 $0x10, s1;
	v63 =	vnsel vm9, $0x0, v34;
	[tilespmem:s0+$0x0] =	vst v7;
	v7 =	vmul.f32 $1.442695020e+00, v11  }
0x1b6: {  	v13 =	vsub.f32 v9, v32;
	v12 =	vmul.f32 v52, v44;
	[tilespmem:v21+s20+$0x0] =	vst.idx.msk $0xff, v22;
	v21, _, _ =	vpop (xrf0);
	v20 =	vadd.s32 s1, v0  }
0x1b7: {  	[tilespmem:s16+$0xFFFFFF80] =	vst v63;
	v17 =	vnsel vm0, $0x7F800000, v39;
	v22 =	vmul.f32 v49, v50;
	v11 =	vpop (erf);
	(erf) = vrcp.f32 v14  }
0x1b8: {  	[tilespmem:v30+s20+$0x0] =	vst.idx.msk $0xff, v23;
	v13 =	vmul.f32 $1.442695020e+00, v13;
	v12 =	vnsel vm4, $0x0, v12;
	v14 =	vpop (erf);
	(erf) = vpow2.f32 v7  }
0x1b9: {  	s21 =	sadd.s32 $0xFFFFFFF8, s1;
	v23 =	vmul.f32 v52, v53;
	[tilespmem:s0+$0xFFFFFF60] =	vst v12;
	(xrf0) =	vmin.scan.msk.f32 $0xffff, v17;
	v22 =	vnsel vm1, $0x0, v22;
	v7 =	vpop (erf)  }
0x1ba: {  	v28 =	vmul.f32 v52, v46;
	v12 =	vbroadcast v21, $0xF;
	[tilespmem:s0+$0xFFFFFFF0] =	vst v22;
	v22 =	vor.u32 s21, v0;
	v17 =	vpop (erf)  }
0x1bb: {  	v23 =	vnsel vm5, $0x0, v23;
	[tilespmem:v20+s20+$0x0] =	vst.idx.msk $0xff, v25;
	v25 =	vmul.f32 v52, v54;
	(erf) = vpow2.f32 v13;
	v20 =	vpop (erf)  }
0x1bc: {  	[tilespmem:s0+$0xFFFFFF50] =	vst v23;
	vm1 =	vge.f32 v5, v41;
	v5 =	vnsel vm3, $0x0, v28;
	v13 =	vpop (erf)  }
0x1bd: {  	[tilespmem:s0+$0xFFFFFF80] =	vst v5;
	vm2 =	vge.f32 v18, v12;
	s1 =	sadd.s32 $0x10, s1;
	v23 =	vnsel vm1, $0x0, v25;
	v7 =	vmul.f32 v20, v7;
	v21 =	vpop (erf)  }
0x1be: {  	v18 =	vadd.s32 s1, v0;
	vm1 =	vge.f32 v10, v12;
	[tilespmem:s0+$0xFFFFFF70] =	vst v23;
	v5 =	vmul.f32 v20, v21  }
0x1bf: {  	v10, _, _ =	vpop (xrf0);
	s0 =	sadd.s32 $0x100, s0;
	v17 =	vmul.f32 v20, v17;
	[tilespmem:v22+s20+$0x0] =	vst.idx.msk $0xff, v24;
	v13 =	vmul.f32 v20, v13;
	v7 =	vnsel vm2, $0x0, v7  }
0x1c0: {  	vm2 =	vge.f32 v8, v12;
	[tilespmem:s0+$0xFFFFFFD0] =	vst v7;
	v5 =	vnsel vm1, $0x0, v5;
	vm1 =	vge.f32 v15, v12;
	v15 =	vpop (erf)  }
0x1c1: {  	v7 =	vnsel vm2, $0x0, v13;
	[tilespmem:s0+$0x0] =	vst v5;
	v5 =	vbroadcast v10, $0xF;
	v10 =	vpop (erf)  }
0x1c2: {  	s1 =	sadd.s32 $0xFFFFFFF8, s1;
	[tilespmem:s0+$0xFFFFFFF0] =	vst v7;
	v8 =	vnsel vm1, $0x0, v17;
	v10 =	vmul.f32 v15, v10  }
0x1c3: {  	v7 =	vor.u32 s1, v0;
	[tilespmem:s0+$0xFFFFFFE0] =	vst v8;
	v8 =	vmul.f32 v15, v14;
	vm2 =	vge.f32 v19, v5  }
0x1c4: {  	v11 =	vmul.f32 v15, v11;
	vm1 =	vge.f32 v16, v5;
	v12 =	vpop (erf);
	[tilespmem:v18+s20+$0x0] =	vst.idx.msk $0xff, v27;
	v10 =	vnsel vm2, $0x0, v10  }
0x1c5: {  	vm2 =	vge.f32 v6, v5;
	v6 =	vmul.f32 v15, v12;
	v8 =	vnsel vm1, $0x0, v8;
	[tilespmem:s0+$0xFFFFFF50] =	vst v10  }
0x1c6: {  	vm1 =	vge.f32 v9, v5;
	v5 =	vnsel vm2, $0x0, v11;
	[tilespmem:s0+$0xFFFFFF60] =	vst v8  }
0x1c7: {  	v6 =	vnsel vm1, $0x0, v6;
	[tilespmem:s0+$0xFFFFFF80] =	vst v5  }
0x1c8: {  	[tilespmem:s0+$0xFFFFFF70] =	vst v6  }
0x1c9: {  	s22 =	simm.s32 $0x0;
	s23 =	simm.s32 $0xA000;
	[tilespmem:v7+s20+$0x0] =	vst.idx.msk $0xff, v26  }
0x1ca: {  	[hbm4b:s9+s22] =	stream.linear.scatter [tilespmem:s23], [sflag:$0x2], $0x2000, $0x38;
	[tilespmem:$0x10800] =	vst v63  }
0x1cb: {  	s24 =	simm.s32 $0x10200  }
0x1cc: {  	[hbm4b:s10+s22] =	stream.linear.scatter [tilespmem:s24], [sflag:$0x2], $0x200, $0x38;
	[tilespmem:$0x10800] =	vst v63  }
0x1cd: {  	_ =	swait.ge [sflag:s19], $0x2000  }
0x1ce: {  	[sflag:s19] =	ssyncset.done $0x0  }
0x1cf: {  	s0 =	simm.s32 $0x0;
	[sflag:s19] =	ssyncadd.s32 $0xFFFFE000  }
0x1d0: {  	v29 =	vld [tilespmem:s0+$0x4030]  }
0x1d1: {  	v24 =	vld [tilespmem:s0+$0x40B0]  }
0x1d2: {  	v30 =	vld [tilespmem:s0+$0x4020]  }
0x1d3: {  	v31 =	vld [tilespmem:s0+$0x4010];
	_ =	sdelay $0x1  }
0x1d4: {  	(xrf1) =	vsort.dscd.msk.f32 $0xffff, v29, v3  }
0x1d5: {  	(xrf1) =	vsort.dscd.msk.f32 $0xffff, v24, v3  }
0x1d6: {  	v25 =	vld [tilespmem:s0+$0x4000];
	(xrf1) =	vsort.dscd.msk.f32 $0xffff, v30, v2  }
0x1d7: {  	(xrf1) =	vsort.dscd.msk.f32 $0xffff, v31, v1  }
0x1d8: {  	v33 =	vld [tilespmem:s0+$0x4090];
	_ =	sdelay $0x2  }
0x1d9: {  	v27 =	vld [tilespmem:s0+$0x40A0];
	(xrf1) =	vsort.dscd.msk.f32 $0xffff, v25, v0;
	_ =	sdelay $0x1  }
0x1da: {  	v34 =	vld [tilespmem:s0+$0x4080];
	(xrf1) =	vsort.dscd.msk.f32 $0xffff, v33, v1;
	_ =	sdelay $0x2  }
0x1db: {  	(xrf1) =	vsort.dscd.msk.f32 $0xffff, v27, v2;
	_ =	sdelay $0x1  }
0x1dc: {  	(xrf1) =	vsort.dscd.msk.f32 $0xffff, v34, v0;
	v5, v6, _ =	vpop (xrf1)  }
0x1dd: {  	v6 =	vperm.xlane v6, v4;
	v7, v8, _ =	vpop (xrf1)  }
0x1de: {  	v5 =	vperm.xlane v5, v4;
	v9, v10, _ =	vpop (xrf1)  }
0x1df: {  	v6 =	vsel vm0, v10, v6;
	v10, v11, _ =	vpop (xrf1)  }
0x1e0: {  	v5 =	vsel vm0, v9, v5;
	v9 =	vperm.xlane v10, v4;
	v10 =	vperm.xlane v11, v4;
	_ =	sdelay $0x2  }
0x1e1: {  	v11, v12, _ =	vpop (xrf1);
	(xrf1) =	vsort.dscd.msk.f32 $0xffff, v5, v6  }
0x1e2: {  	v5 =	vsel vm0, v11, v9;
	v6 =	vsel vm0, v12, v10  }
0x1e3: {  	v9, v10, _ =	vpop (xrf1);
	(xrf1) =	vsort.dscd.msk.f32 $0xffff, v5, v6  }
0x1e4: {  	v8 =	vperm.xlane v8, v4  }
0x1e5: {  	v7 =	vperm.xlane v7, v4  }
0x1e6: {  	v5 =	vperm.xlane v10, v4;
	v6, v10, _ =	vpop (xrf1)  }
0x1e7: {  	v9 =	vperm.xlane v9, v4;
	v6 =	vsel vm0, v6, v7;
	v7 =	vsel vm0, v10, v8  }
0x1e8: {  	v8, v10, _ =	vpop (xrf1);
	(xrf1) =	vsort.dscd.msk.f32 $0xffff, v6, v7  }
0x1e9: {  	s31 =	simm.s32 $0x100;
	v6 =	vsel vm0, v8, v9;
	v5 =	vsel vm0, v10, v5  }
0x1ea: {  	(xrf1) =	vsort.dscd.msk.f32 $0xffff, v6, v5;
	v6 =	vld [tilespmem:s31+$0x4030]  }
0x1eb: {  	v13 =	vld [tilespmem:s31+$0x40B0]  }
0x1ec: {  	v8 =	vld [tilespmem:s31+$0x4020]  }
0x1ed: {  	v9 =	vld [tilespmem:s31+$0x4010];
	_ =	sdelay $0x1  }
0x1ee: {  	v10 =	vld [tilespmem:s31+$0x4000];
	v5, v7, _ =	vpop (xrf1);
	(xrf1) =	vsort.dscd.msk.f32 $0xffff, v6, v3  }
0x1ef: {  	v12 =	vperm.xlane v5, v4;
	v7 =	vperm.xlane v7, v4;
	(xrf1) =	vsort.dscd.msk.f32 $0xffff, v13, v3  }
0x1f0: {  	(xrf1) =	vsort.dscd.msk.f32 $0xffff, v8, v2;
	v14, v15, _ =	vpop (xrf1)  }
0x1f1: {  	(xrf1) =	vsort.dscd.msk.f32 $0xffff, v9, v1;
	v12 =	vsel vm0, v14, v12;
	v7 =	vsel vm0, v15, v7  }
0x1f2: {  	v11 =	vld [tilespmem:s31+$0x4090];
	(xrf1) =	vsort.dscd.msk.f32 $0xffff, v12, v7  }
0x1f3: {  	v5 =	vld [tilespmem:s31+$0x40A0];
	(xrf1) =	vsort.dscd.msk.f32 $0xffff, v10, v0  }
0x1f4: {  	v18 =	vld [tilespmem:s31+$0x4080]  }
0x1f5: {  	v7, v12, _ =	vpop (xrf1)  }
0x1f6: {  	v12 =	vperm.xlane v12, v4  }
0x1f7: {  	(xrf1) =	vsort.dscd.msk.f32 $0xffff, v11, v1;
	v7 =	vperm.xlane v7, v4;
	v14, v15, _ =	vpop (xrf1)  }
0x1f8: {  	(xrf1) =	vsort.dscd.msk.f32 $0xffff, v5, v2;
	v12 =	vsel vm0, v15, v12  }
0x1f9: {  	(xrf1) =	vsort.dscd.msk.f32 $0xffff, v18, v0;
	v7 =	vsel vm0, v14, v7  }
0x1fa: {  	(xrf1) =	vsort.dscd.msk.f32 $0xffff, v7, v12;
	_ =	sdelay $0x1  }
0x1fb: {  	v7, v12, _ =	vpop (xrf1)  }
0x1fc: {  	v12 =	vperm.xlane v12, v4;
	v14, v15, _ =	vpop (xrf1)  }
0x1fd: {  	v7 =	vperm.xlane v7, v4;
	v16, v17, _ =	vpop (xrf1)  }
0x1fe: {  	v12 =	vsel vm0, v17, v12;
	v17, v19, _ =	vpop (xrf1)  }
0x1ff: {  	v7 =	vsel vm0, v16, v7;
	v26, v21, _ =	vpop (xrf1);
	v16 =	vperm.xlane v17, v4;
	v17 =	vperm.xlane v19, v4  }
0x200: {  	v19, v20, _ =	vpop (xrf1)  }
0x201: {  	(xrf1) =	vsort.dscd.msk.f32 $0xffff, v7, v12;
	v12 =	vsel vm0, v20, v17  }
0x202: {  	(xrf0) =	vmax.scan.msk.f32 $0xffff, v26;
	v7 =	vsel vm0, v19, v16;
	_ =	sdelay $0x1  }
0x203: {  	v14 =	vperm.xlane v14, v4;
	v16, v17, _ =	vpop (xrf1)  }
0x204: {  	(xrf1) =	vsort.dscd.msk.f32 $0xffff, v7, v12;
	v7, v12, _ =	vpop (xrf1)  }
0x205: {  	v15 =	vperm.xlane v15, v4;
	v19, v20, _ =	vpop (xrf1)  }
0x206: {  	v22 =	vperm.xlane v17, v4;
	v23, v17, _ =	vpop (xrf1)  }
0x207: {  	v16 =	vperm.xlane v16, v4;
	v7 =	vsel vm0, v7, v14;
	v12 =	vsel vm0, v12, v15;
	v14, _, _ =	vpop (xrf0);
	(xrf0) =	vmax.scan.msk.f32 $0xffff, v23  }
0x208: {  	(xrf1) =	vsort.dscd.msk.f32 $0xffff, v7, v12;
	v28 =	vbroadcast v14, $0xF  }
0x209: {  	v7 =	vsel vm0, v19, v16;
	v12 =	vsel vm0, v20, v22  }
0x20a: {  	s1 =	simm.s32 $0x200;
	(xrf1) =	vsort.dscd.msk.f32 $0xffff, v7, v12;
	v14 =	vsub.f32 v26, v28  }
0x20b: {  	v7 =	vld [tilespmem:s1+$0x4030]  }
0x20c: {  	v19 =	vld [tilespmem:s1+$0x40B0];
	v14 =	vmul.f32 $1.442695020e+00, v14  }
0x20d: {  	v12 =	vld [tilespmem:s1+$0x4020];
	v15, _, _ =	vpop (xrf0)  }
0x20e: {  	v45 =	vbroadcast v15, $0xF  }
0x20f: {  	v16 =	vsub.f32 v29, v28;
	v15 =	vld [tilespmem:s1+$0x4010]  }
0x210: {  	(erf) = vpow2.f32 v14;
	(xrf1) =	vsort.dscd.msk.f32 $0xffff, v7, v3;
	v14, v20, _ =	vpop (xrf1);
	v56 =	vsub.f32 v23, v45  }
0x211: {  	v22 =	vmul.f32 $1.442695020e+00, v16;
	v16 =	vld [tilespmem:s1+$0x4000];
	(xrf1) =	vsort.dscd.msk.f32 $0xffff, v19, v3;
	v57 =	vperm.xlane v14, v4  }
0x212: {  	(xrf1) =	vsort.dscd.msk.f32 $0xffff, v12, v2;
	v58 =	vperm.xlane v20, v4;
	v20 =	vld [tilespmem:s1+$0x4090];
	v23 =	vnsel vm0, $0x7F800000, v23;
	v35 =	vmul.f32 $1.442695020e+00, v56  }
0x213: {  	(erf) = vpow2.f32 v22;
	v14 =	vld [tilespmem:s1+$0x40A0];
	v59, v60, _ =	vpop (xrf1);
	(xrf0) =	vmin.scan.msk.f32 $0xffff, v23  }
0x214: {  	v22 =	vld [tilespmem:s1+$0x4080];
	v36 =	vsel vm0, v59, v57;
	v37 =	vsel vm0, v60, v58;
	(xrf1) =	vsort.dscd.msk.f32 $0xffff, v15, v1;
	(erf) = vpow2.f32 v35  }
0x215: {  	(xrf1) =	vsort.dscd.msk.f32 $0xffff, v36, v37  }
0x216: {  	v23, v61, _ =	vpop (xrf1);
	(xrf1) =	vsort.dscd.msk.f32 $0xffff, v16, v0  }
0x217: {  	v23 =	vperm.xlane v23, v4;
	v35 =	vperm.xlane v61, v4;
	(xrf1) =	vsort.dscd.msk.f32 $0xffff, v20, v1  }
0x218: {  	v62 =	vsub.f32 v25, v28;
	v46 =	vsub.f32 v31, v28;
	v36, v37, _ =	vpop (xrf1);
	(xrf1) =	vsort.dscd.msk.f32 $0xffff, v14, v2  }
0x219: {  	v23 =	vsel vm0, v36, v23;
	v35 =	vsel vm0, v37, v35;
	(xrf1) =	vsort.dscd.msk.f32 $0xffff, v22, v0  }
0x21a: {  	v47 =	vnsel vm0, $0x7F800000, v26;
	v28 =	vsub.f32 v30, v28;
	v48 =	vsub.f32 v34, v45;
	v63 =	vpop (erf);
	(xrf1) =	vsort.dscd.msk.f32 $0xffff, v23, v35  }
0x21b: {  	v50 =	vsub.f32 v24, v45;
	v52 =	vsub.f32 v33, v45;
	v49, _, _ =	vpop (xrf0);
	(xrf0) =	vmin.scan.msk.f32 $0xffff, v47  }
0x21c: {  	v26 =	vmul.f32 $1.442695020e+00, v28;
	v28 =	vmul.f32 $1.442695020e+00, v48;
	v56 =	vsub.f32 v27, v45;
	v23 =	vpop (erf)  }
0x21d: {  	v32 =	vmul.f32 $1.442695020e+00, v50;
	v38 =	vmul.f32 $1.442695020e+00, v52;
	v51 =	vpop (erf)  }
0x21e: {  	v44 =	vmul.f32 $1.442695020e+00, v56;
	v36 =	vmul.f32 $1.442695020e+00, v62;
	v55, v54, _ =	vpop (xrf1);
	v53 =	vnsel vm0, $0x0, v51  }
0x21f: {  	v41 =	vbroadcast v49, $0xF;
	v58, v57, _ =	vpop (xrf1);
	v59 =	vperm.xlane v54, v4;
	(xrf2) =	vadd.scan.msk.f32 $0xffff, v53  }
0x220: {  	v35 =	vmul.f32 $1.442695020e+00, v46;
	v62 =	vperm.xlane v55, v4;
	v61, v60, _ =	vpop (xrf1)  }
0x221: {  	v37 =	vnsel vm0, $0x0, v63;
	(erf) = vpow2.f32 v36;
	v39 =	vsel vm0, v60, v59;
	v52, _, _ =	vpop (xrf0)  }
0x222: {  	vm2 =	vge.f32 v34, v41;
	(erf) = vpow2.f32 v35;
	v34 =	vsel vm0, v61, v62;
	(xrf2) =	vadd.scan.msk.f32 $0xffff, v37;
	v48, v63, _ =	vpop (xrf1)  }
0x223: {  	vm3 =	vge.f32 v24, v41;
	v49 =	vperm.xlane v58, v4;
	v47 =	vbroadcast v52, $0xF;
	v40, v24, _ =	vpop (xrf1)  }
0x224: {  	vm4 =	vge.f32 v33, v41;
	v50 =	vperm.xlane v48, v4;
	v51 =	vperm.xlane v63, v4;
	v55, v54, _ =	vpop (xrf1);
	(xrf0) =	vmax.scan.msk.f32 $0xffff, v40  }
0x225: {  	vm1 =	vge.f32 v27, v41;
	(erf) = vpow2.f32 v44;
	v53 =	vperm.xlane v57, v4;
	(xrf1) =	vsort.dscd.msk.f32 $0xffff, v34, v39;
	v34, v39, _ =	vpop (xrf1)  }
0x226: {  	vm5 =	vge.f32 v25, v47;
	v33 =	vsel vm0, v55, v50;
	v56 =	vsel vm0, v54, v51;
	v27, v58, _ =	vpop (xrf1)  }
0x227: {  	v57 =	vperm.xlane v39, v4;
	(xrf1) =	vsort.dscd.msk.f32 $0xffff, v33, v56;
	v34 =	vperm.xlane v34, v4;
	v61, v60, _ =	vpop (xrf1)  }
0x228: {  	vm6 =	vge.f32 v31, v47;
	v59 =	vsel vm0, v27, v49;
	v33 =	vsel vm0, v58, v53;
	v41, v25, _ =	vpop (xrf1)  }
0x229: {  	(erf) = vpow2.f32 v38;
	(xrf1) =	vsort.dscd.msk.f32 $0xffff, v59, v33;
	v31 =	vsel vm0, v61, v34;
	v62 =	vsel vm0, v60, v57;
	v63, _, _ =	vpop (xrf2)  }
0x22a: {  	s18 =	simm.s32 $0x400;
	s17 =	simm.s32 $0x408;
	vm8 =	vge.f32 v30, v47;
	vm7 =	vge.f32 v29, v47;
	v27 =	vnsel vm0, $0x7F800000, v40;
	(xrf1) =	vsort.dscd.msk.f32 $0xffff, v31, v62;
	v30, _, _ =	vpop (xrf0)  }
0x22b: {  	s16 =	simm.s32 $0x408;
	s21 =	simm.s32 $0x84;
	s22 =	simm.s32 $0x800;
	v36 =	vnsel vm0, $0x7F800000, v41;
	(xrf0) =	vmax.scan.msk.f32 $0xffff, v41;
	v42 =	vbroadcast v63, $0xF;
	v34 =	vbroadcast v30, $0xF  }
.LBB2_6:
0x22c: {  	v31, _, _ =	vpop (xrf2);
	(erf) = vpow2.f32 v32;
	v29 =	vmov v12;
	v30 =	vmov v9  }
0x22d: {  	s21 =	sadd.s32 $0x2, s21;
	s16 =	sadd.s32 $0x10, s16;
	v9 =	vmovc v15;
	v33 =	vmovc v5;
	v5 =	vmov v14;
	v39 =	vmov v18;
	v18 =	vmov v22  }
0x22e: {  	p0 =	slt.u32 s21, $0xBE;
	v12 =	vsub.f32 v40, v34;
	v14 =	vsub.f32 v10, v34;
	s24 =	sadd.s32 $0xFFFFFFF8, s16;
	v15 =	vbroadcast v31, $0xF;
	v43 =	vpop (erf)  }
0x22f: {  	s22 =	sadd.s32 $0x400, s22;
	v22 =	vsub.f32 v30, v34;
	v32 =	vsub.f32 v8, v34;
	v44 =	vpop (erf);
	(erf) = vpow2.f32 v28  }
0x230: {  	s23 =	sshra.s32 s22, $0x2;
	v28 =	vmul.f32 $1.442695020e+00, v12;
	v38 =	vmul.f32 $1.442695020e+00, v14;
	v14 =	vsub.f32 v6, v34;
	v45 =	vpop (erf)  }
0x231: {  	v35 =	vmovc v10;
	v10 =	vmovc v16;
	v40 =	vmov v11;
	v37 =	vmul.f32 $1.442695020e+00, v22;
	v31 =	vld [tilespmem:s23+$0x4030];
	(erf) = vrcp.f32 v15  }
0x232: {  	v11 =	vmov v20;
	v16 =	vmul.f32 $1.442695020e+00, v32;
	v34 =	vld [tilespmem:s23+$0x40B0];
	v15, _, _ =	vpop (xrf0);
	(erf) = vrcp.f32 v42  }
0x233: {  	v46 =	vmov v21;
	v12 =	vld [tilespmem:s23+$0x4020];
	v32 =	vbroadcast v15, $0xF;
	(erf) = vpow2.f32 v28;
	v42 =	vpop (erf)  }
0x234: {  	v53 =	vmul.f32 $1.442695020e+00, v14;
	v15 =	vld [tilespmem:s23+$0x4010];
	v20, v21, _ =	vpop (xrf1);
	(erf) = vpow2.f32 v26;
	v26 =	vmov v16  }
0x235: {  	v14 =	vld [tilespmem:s23+$0x40A0];
	v20 =	vperm.xlane v20, v4;
	v52 =	vperm.xlane v21, v4;
	v47, v48, _ =	vpop (xrf1);
	v41 =	vsub.f32 v41, v32  }
0x236: {  	v49 =	vsub.f32 v39, v32;
	v50 =	vsub.f32 v13, v32;
	v22 =	vld [tilespmem:s23+$0x4080];
	(xrf1) =	vsort.dscd.msk.f32 $0xffff, v31, v3;
	(erf) = vpow2.f32 v53;
	v51 =	vpop (erf)  }
0x237: {  	v16 =	vld [tilespmem:s23+$0x4000];
	(xrf1) =	vsort.dscd.msk.f32 $0xffff, v34, v3;
	v47 =	vsel vm0, v47, v20;
	v48 =	vsel vm0, v48, v52;
	v21, v28, _ =	vpop (xrf1);
	v41 =	vmul.f32 $1.442695020e+00, v41  }
0x238: {  	v20 =	vld [tilespmem:s23+$0x4090];
	(xrf1) =	vsort.dscd.msk.f32 $0xffff, v12, v2;
	v52 =	vperm.xlane v21, v4;
	v53 =	vperm.xlane v28, v4;
	v54 =	vpop (erf);
	v21 =	vmov v24  }
0x239: {  	v28 =	vmul.f32 $1.442695020e+00, v49;
	v49 =	vsub.f32 v40, v32;
	(xrf1) =	vsort.dscd.msk.f32 $0xffff, v15, v1;
	v24, v55, _ =	vpop (xrf1);
	(erf) = vpow2.f32 v41  }
0x23a: {  	v41 =	vsub.f32 v33, v32;
	v32 =	vmul.f32 $1.442695020e+00, v50;
	v24 =	vsel vm0, v24, v52;
	(xrf1) =	vsort.dscd.msk.f32 $0xffff, v47, v48;
	v47 =	vpop (erf)  }
0x23b: {  	v48 =	vsel vm0, v55, v53;
	(xrf0) =	vmin.scan.msk.f32 $0xffff, v36;
	v36 =	vmul.f32 v47, v43;
	v43 =	vmul.f32 v47, v44;
	v44 =	vpop (erf)  }
0x23c: {  	v52 =	vor.u32 s18, v0;
	s18 =	smov.u32 s24;
	(xrf1) =	vsort.dscd.msk.f32 $0xffff, v16, v0;
	v50 =	vpop (erf);
	v53 =	vmul.f32 v44, v54;
	v51 =	vmul.f32 v44, v51  }
0x23d: {  	v42 =	vmul.f32 v44, v42;
	v44 =	vmul.f32 v44, v45;
	v45 =	vpop (erf)  }
0x23e: {  	(xrf1) =	vsort.dscd.msk.f32 $0xffff, v20, v1;
	v50 =	vnsel vm0, $0x0, v50;
	v45 =	vmul.f32 v47, v45  }
0x23f: {  	v54 =	vmovc v17;
	(xrf1) =	vsort.dscd.msk.f32 $0xffff, v14, v2;
	v53 =	vnsel vm2, $0x0, v53;
	v51 =	vnsel vm3, $0x0, v51;
	v47 =	vmul.f32 v47, v23  }
0x240: {  	v42 =	vnsel vm4, $0x0, v42;
	(xrf1) =	vsort.dscd.msk.f32 $0xffff, v22, v0;
	v23 =	vpop (erf);
	[tilespmem:s0+$0xC080] =	vst v53  }
0x241: {  	v17 =	vmovc v25;
	(xrf1) =	vsort.dscd.msk.f32 $0xffff, v24, v48;
	v24 =	vnsel vm5, $0x0, v36;
	v36 =	vnsel vm8, $0x0, v45;
	[tilespmem:s0+$0xC0B0] =	vst v51  }
0x242: {  	v44 =	vnsel vm1, $0x0, v44;
	v25, _, _ =	vpop (xrf0);
	[tilespmem:s0+$0xC000] =	vst v24;
	v24 =	vnsel vm6, $0x0, v43;
	v43 =	vnsel vm7, $0x0, v47  }
0x243: {  	v41 =	vmul.f32 $1.442695020e+00, v41;
	v45 =	vmul.f32 $1.442695020e+00, v49;
	v48 =	vadd.s32 s17, v0;
	s17 =	smov.u32 s16;
	v47 =	vpop (erf);
	[tilespmem:s0+$0xC010] =	vst v24  }
0x244: {  	v25 =	vbroadcast v25, $0xF;
	v24 =	vnsel vm0, $0x0, v47;
	(xrf0) =	vmin.scan.msk.f32 $0xffff, v27;
	[tilespmem:s0+$0xC090] =	vst v42  }
0x245: {  	v27, v42, _ =	vpop (xrf1);
	[tilespmem:s0+$0xC020] =	vst v36  }
0x246: {  	vm2 =	vge.f32 v39, v25;
	v36 =	vperm.xlane v42, v4;
	v42, v47, _ =	vpop (xrf1);
	(xrf2) =	vadd.scan.msk.f32 $0xffff, v24;
	[tilespmem:s0+$0xC030] =	vst v43  }
0x247: {  	vm3 =	vge.f32 v13, v25;
	v13 =	vmov v19;
	v49 =	vperm.xlane v27, v4;
	v27, v39, _ =	vpop (xrf1);
	[tilespmem:v52+s20+$0x0] =	vst.idx.msk $0xff, v46  }
0x248: {  	vm4 =	vge.f32 v40, v25;
	v19 =	vsel vm0, v39, v36;
	v36 =	vperm.xlane v42, v4;
	v39, v42, _ =	vpop (xrf1);
	[tilespmem:s0+$0xC0A0] =	vst v44;
	s0 =	smov.u32 s31;
	s31 =	smov.u32 s1;
	s1 =	smov.u32 s23  }
0x249: {  	v43 =	vsel vm0, v27, v49;
	v44 =	vperm.xlane v47, v4;
	v40, v24, _ =	vpop (xrf1);
	(xrf2) =	vadd.scan.msk.f32 $0xffff, v50;
	[tilespmem:v48+s20+$0x0] =	vst.idx.msk $0xff, v54  }
0x24a: {  	vm1 =	vge.f32 v33, v25;
	v39 =	vperm.xlane v39, v4;
	v42 =	vperm.xlane v42, v4;
	v25, _, _ =	vpop (xrf0)  }
0x24b: {  	v33, v46, _ =	vpop (xrf1)  }
0x24c: {  	v47 =	vbroadcast v25, $0xF;
	v25 =	vsel vm0, v33, v39  }
0x24d: {  	v27 =	vnsel vm0, $0x7F800000, v40;
	(xrf0) =	vmax.scan.msk.f32 $0xffff, v40;
	(erf) = vpow2.f32 v38  }
0x24e: {  	v39 =	vsel vm0, v46, v42;
	(xrf1) =	vsort.dscd.msk.f32 $0xffff, v43, v19;
	v19, v38, _ =	vpop (xrf1);
	(erf) = vpow2.f32 v37  }
0x24f: {  	v37 =	vperm.xlane v38, v4;
	(xrf1) =	vsort.dscd.msk.f32 $0xffff, v25, v39;
	vm5 =	vge.f32 v35, v47;
	(erf) = vpow2.f32 v41;
	v25, v33, _ =	vpop (xrf1)  }
.Ltmp2:
0x250: {  	v35 =	vperm.xlane v19, v4;
	v39 =	vsel vm0, v25, v36;
	v38 =	vsel vm0, v33, v44;
	v33, v36, _ =	vpop (xrf1);
	(pc) =	sbr.rel @p0 .LBB2_6-.Ltmp2, $4  }
0x251: {  	vm6 =	vge.f32 v30, v47;
	vm8 =	vge.f32 v8, v47;
	v19 =	vmov v34;
	(xrf1) =	vsort.dscd.msk.f32 $0xffff, v39, v38;
	v41, v25, _ =	vpop (xrf1)  }
0x252: {  	v34 =	vsel vm0, v33, v35;
	v30 =	vsel vm0, v36, v37;
	v33, _, _ =	vpop (xrf2);
	(erf) = vpow2.f32 v45  }
0x253: {  	vm7 =	vge.f32 v6, v47;
	v36 =	vnsel vm0, $0x7F800000, v41;
	(xrf1) =	vsort.dscd.msk.f32 $0xffff, v34, v30;
	v8, _, _ =	vpop (xrf0);
	v42 =	vbroadcast v33, $0xF  }
0x254: {  	v6 =	vmovc v7;
	v7 =	vmov v31;
	v34 =	vbroadcast v8, $0xF;
	(xrf0) =	vmax.scan.msk.f32 $0xffff, v41;
	v8 =	vmov v29  }
0x255: {  	_ = 	snop  }
0x256: {  	v29, _, _ =	vpop (xrf2);
	v30 =	vsub.f32 v40, v34  }
0x257: {  	(erf) = vpow2.f32 v32;
	v29 =	vbroadcast v29, $0xF  }
0x258: {  	(erf) = vpow2.f32 v28;
	v28 =	vmul.f32 $1.442695020e+00, v30  }
0x259: {  	(erf) = vrcp.f32 v29;
	v29 =	vsub.f32 v6, v34  }
0x25a: {  	v31 =	vpop (erf);
	(erf) = vrcp.f32 v42  }
0x25b: {  	v30, _, _ =	vpop (xrf0);
	(erf) = vpow2.f32 v28;
	v29 =	vmul.f32 $1.442695020e+00, v29  }
0x25c: {  	v30 =	vbroadcast v30, $0xF;
	(erf) = vpow2.f32 v26;
	v28, v54, _ =	vpop (xrf1)  }
0x25d: {  	v26 =	vperm.xlane v28, v4;
	v28 =	vperm.xlane v54, v4  }
0x25e: {  	v55 =	vsub.f32 v41, v30;
	v35, v37, _ =	vpop (xrf1)  }
0x25f: {  	v33 =	vpop (erf);
	v28 =	vsel vm0, v37, v28  }
0x260: {  	(erf) = vpow2.f32 v29;
	v26 =	vsel vm0, v35, v26;
	v29, v56, _ =	vpop (xrf1);
	v32 =	vmul.f32 $1.442695020e+00, v55  }
0x261: {  	v35 =	vperm.xlane v56, v4;
	(xrf1) =	vsort.dscd.msk.f32 $0xffff, v26, v28  }
0x262: {  	v37 =	vpop (erf);
	v29 =	vperm.xlane v29, v4  }
0x263: {  	(erf) = vpow2.f32 v32;
	v26, v28, _ =	vpop (xrf1)  }
0x264: {  	v32 =	vpop (erf);
	v26 =	vsel vm0, v26, v29;
	v28 =	vsel vm0, v28, v35  }
0x265: {  	v35 =	vpop (erf);
	(xrf1) =	vsort.dscd.msk.f32 $0xffff, v26, v28  }
0x266: {  	v38 =	vpop (erf)  }
0x267: {  	v39 =	vpop (erf)  }
0x268: {  	v40 =	vpop (erf)  }
0x269: {  	v26 =	vpop (erf)  }
0x26a: {  	v41 =	vpop (erf)  }
0x26b: {  	v26 =	vnsel vm0, $0x0, v26;
	v28 =	vpop (erf)  }
0x26c: {  	(xrf0) =	vmin.scan.msk.f32 $0xffff, v36;
	v29 =	vpop (erf)  }
0x26d: {  	(xrf0) =	vmin.scan.msk.f32 $0xffff, v27;
	v29 =	vnsel vm0, $0x0, v29  }
0x26e: {  	(xrf2) =	vadd.scan.msk.f32 $0xffff, v29  }
0x26f: {  	(xrf2) =	vadd.scan.msk.f32 $0xffff, v26;
	v36, v26, _ =	vpop (xrf1)  }
0x270: {  	v57 =	vsub.f32 v9, v34;
	v29 =	vsub.f32 v10, v34;
	(xrf0) =	vmax.scan.msk.f32 $0xffff, v36  }
0x271: {  	v43 =	vsub.f32 v18, v30;
	v44 =	vsub.f32 v13, v30  }
0x272: {  	v46 =	vsub.f32 v5, v30;
	v30 =	vsub.f32 v11, v30;
	v29 =	vmul.f32 $1.442695020e+00, v29  }
0x273: {  	v42 =	vmul.f32 $1.442695020e+00, v57;
	v43 =	vmul.f32 $1.442695020e+00, v43;
	v45, v27, _ =	vpop (xrf1)  }
0x274: {  	v46 =	vmul.f32 $1.442695020e+00, v46;
	v47, _, _ =	vpop (xrf0);
	(erf) = vpow2.f32 v29;
	(xrf0) =	vmax.scan.msk.f32 $0xffff, v45  }
0x275: {  	v48, _, _ =	vpop (xrf0);
	v29 =	vmul.f32 $1.442695020e+00, v30;
	(erf) = vpow2.f32 v42  }
0x276: {  	v44 =	vmul.f32 $1.442695020e+00, v44;
	(erf) = vpow2.f32 v46;
	v30, _, _ =	vpop (xrf0)  }
0x277: {  	(erf) = vpow2.f32 v29;
	v30 =	vbroadcast v30, $0xF  }
0x278: {  	(erf) = vpow2.f32 v44;
	v58, _, _ =	vpop (xrf2)  }
0x279: {  	(erf) = vpow2.f32 v43;
	v59, _, _ =	vpop (xrf2);
	v60 =	vsub.f32 v36, v30  }
0x27a: {  	v62 =	vsub.f32 v8, v34;
	v29 =	vbroadcast v58, $0xF;
	v42 =	vbroadcast v59, $0xF;
	v61, _, _ =	vpop (xrf0)  }
0x27b: {  	v44 =	vmul.f32 $1.442695020e+00, v60;
	v63 =	vbroadcast v61, $0xF  }
0x27c: {  	v34 =	vmul.f32 $1.442695020e+00, v62;
	v54 =	vsub.f32 v7, v30;
	(erf) = vrcp.f32 v42  }
0x27d: {  	(erf) = vrcp.f32 v29;
	v29 =	vsub.f32 v45, v63  }
0x27e: {  	v55 =	vmul.f32 $1.442695020e+00, v54;
	(erf) = vpow2.f32 v44  }
0x27f: {  	v44 =	vpop (erf);
	(erf) = vpow2.f32 v34;
	v29 =	vmul.f32 $1.442695020e+00, v29  }
0x280: {  	v34 =	vpop (erf);
	(erf) = vpow2.f32 v55  }
0x281: {  	v42 =	vpop (erf);
	(erf) = vpow2.f32 v29  }
0x282: {  	v46 =	vpop (erf)  }
0x283: {  	v49 =	vpop (erf)  }
0x284: {  	v50 =	vpop (erf)  }
0x285: {  	v51 =	vpop (erf)  }
0x286: {  	v31 =	vmul.f32 v39, v31;
	v52 =	vpop (erf)  }
0x287: {  	v33 =	vmul.f32 v39, v33;
	v23 =	vmul.f32 v39, v23;
	v53 =	vpop (erf)  }
0x288: {  	v38 =	vmul.f32 v40, v38;
	v35 =	vmul.f32 v40, v35;
	v54 =	vpop (erf)  }
0x289: {  	v32 =	vmul.f32 v40, v32;
	v37 =	vmul.f32 v40, v37;
	v29 =	vpop (erf)  }
0x28a: {  	v31 =	vnsel vm5, $0x0, v31;
	v33 =	vnsel vm6, $0x0, v33;
	v58 =	vbroadcast v47, $0xF;
	v55 =	vpop (erf)  }
0x28b: {  	v38 =	vnsel vm2, $0x0, v38;
	v59 =	vsub.f32 v16, v30;
	v55 =	vnsel vm0, $0x0, v55  }
0x28c: {  	vm2 =	vge.f32 v18, v58;
	v18 =	vsub.f32 v15, v30;
	v56 =	vnsel vm0, $0x0, v53;
	(xrf2) =	vadd.scan.msk.f32 $0xffff, v55  }
0x28d: {  	v35 =	vnsel vm3, $0x0, v35;
	v57 =	vmul.f32 v39, v41;
	v39 =	vmul.f32 $1.442695020e+00, v59;
	(xrf2) =	vadd.scan.msk.f32 $0xffff, v56  }
0x28e: {  	vm3 =	vge.f32 v13, v58;
	v13 =	vmul.f32 $1.442695020e+00, v18;
	v18 =	vsub.f32 v14, v63  }
0x28f: {  	v23 =	vnsel vm7, $0x0, v23;
	[tilespmem:s0+$0xC000] =	vst v31;
	v61 =	vsub.f32 v20, v63;
	(erf) = vpow2.f32 v39  }
0x290: {  	[tilespmem:s0+$0xC010] =	vst v33;
	v18 =	vmul.f32 $1.442695020e+00, v18;
	(erf) = vpow2.f32 v13;
	v13 =	vsub.f32 v19, v63  }
0x291: {  	[tilespmem:s0+$0xC030] =	vst v23;
	v23 =	vbroadcast v48, $0xF;
	v60 =	vor.u32 s18, v0;
	v62 =	vmul.f32 $1.442695020e+00, v61  }
0x292: {  	v32 =	vnsel vm4, $0x0, v32;
	[tilespmem:s0+$0xC080] =	vst v38;
	v13 =	vmul.f32 $1.442695020e+00, v13;
	(erf) = vpow2.f32 v18  }
0x293: {  	[tilespmem:s0+$0xC0B0] =	vst v35;
	v31 =	vsub.f32 v22, v63;
	v63 =	vnsel vm0, $0x7F800000, v45;
	(erf) = vpow2.f32 v62  }
0x294: {  	v40 =	vnsel vm8, $0x0, v57;
	(xrf0) =	vmin.scan.msk.f32 $0xffff, v63;
	(erf) = vpow2.f32 v13;
	v13 =	vadd.s32 s17, v0  }
0x295: {  	v37 =	vnsel vm1, $0x0, v37;
	vm4 =	vge.f32 v10, v23;
	vm5 =	vge.f32 v9, v23;
	[tilespmem:s0+$0xC020] =	vst v40  }
0x296: {  	v31 =	vmul.f32 $1.442695020e+00, v31;
	[tilespmem:v60+s20+$0x0] =	vst.idx.msk $0xff, v21;
	v21 =	vsub.f32 v12, v30;
	v9 =	vmul.f32 v52, v49;
	v18, _, _ =	vpop (xrf2)  }
0x297: {  	[tilespmem:s0+$0xC090] =	vst v32;
	vm1 =	vge.f32 v11, v58;
	v30 =	vmul.f32 v52, v50;
	v39, _, _ =	vpop (xrf2);
	v11 =	vbroadcast v18, $0xF  }
0x298: {  	[tilespmem:s0+$0xC0A0] =	vst v37;
	v10 =	vmul.f32 $1.442695020e+00, v21;
	v9 =	vnsel vm3, $0x0, v9;
	v43 =	vbroadcast v39, $0xF  }
0x299: {  	(erf) = vpow2.f32 v31;
	[tilespmem:v13+s20+$0x0] =	vst.idx.msk $0xff, v17;
	v13 =	vmul.f32 v51, v44;
	v17 =	vnsel vm2, $0x0, v30  }
0x29a: {  	v21, _, _ =	vpop (xrf0);
	v30 =	vmul.f32 v51, v34;
	v18 =	vnsel vm0, $0x7F800000, v36;
	(erf) = vrcp.f32 v43  }
0x29b: {  	[tilespmem:s31+$0xC0B0] =	vst v9;
	(xrf0) =	vmin.scan.msk.f32 $0xffff, v18;
	(erf) = vrcp.f32 v11;
	v11 =	vpop (erf)  }
0x29c: {  	v21 =	vbroadcast v21, $0xF;
	v44 =	vmul.f32 v52, v46;
	[tilespmem:s31+$0xC080] =	vst v17;
	v13 =	vnsel vm4, $0x0, v13;
	v17 =	vpop (erf)  }
0x29d: {  	vm2 =	vge.f32 v8, v23;
	v8 =	vmul.f32 v51, v28;
	[tilespmem:s31+$0xC000] =	vst v13;
	v13 =	vnsel vm5, $0x0, v30;
	v9 =	vpop (erf)  }
0x29e: {  	v18 =	vmul.f32 v51, v54;
	v30 =	vpop (erf);
	(erf) = vpow2.f32 v10  }
0x29f: {  	s16 =	sadd.s32 $0x10, s16;
	v10 =	vnsel vm1, $0x0, v44;
	vm1 =	vge.f32 v6, v23;
	v23 =	vmul.f32 v52, v42  }
0x2a0: {  	s21 =	sadd.s32 $0xFFFFFFF8, s16;
	[tilespmem:s31+$0xC010] =	vst v13;
	v6 =	vnsel vm2, $0x0, v18;
	v13 =	vpop (erf);
	v8 =	vnsel vm1, $0x0, v8;
	vm1 =	vge.f32 v5, v58  }
0x2a1: {  	v31 =	vor.u32 s21, v0;
	[tilespmem:s31+$0xC030] =	vst v8;
	v8 =	vnsel vm1, $0x0, v23;
	vm1 =	vge.f32 v22, v21;
	v22, _, _ =	vpop (xrf0)  }
0x2a2: {  	v18 =	vadd.s32 s16, v0;
	[tilespmem:s31+$0xC090] =	vst v10;
	v10 =	vpop (erf)  }
0x2a3: {  	[tilespmem:s31+$0xC020] =	vst v6;
	v6 =	vpop (erf)  }
0x2a4: {  	v5 =	vpop (erf)  }
0x2a5: {  	vm3 =	vge.f32 v20, v21;
	[tilespmem:s31+$0xC0A0] =	vst v8;
	v8 =	vbroadcast v22, $0xF;
	v10 =	vmul.f32 v5, v10  }
0x2a6: {  	vm2 =	vge.f32 v19, v21;
	[tilespmem:v31+s20+$0x0] =	vst.idx.msk $0xff, v24;
	v13 =	vmul.f32 v5, v13  }
0x2a7: {  	s22 =	sadd.s32 $0x10, s16;
	[tilespmem:v18+s20+$0x0] =	vst.idx.msk $0xff, v25;
	v11 =	vmul.f32 v6, v11;
	v10 =	vnsel vm1, $0x0, v10;
	vm1 =	vge.f32 v16, v8  }
0x2a8: {  	s16 =	sadd.s32 $0xFFFFFFF8, s22;
	v16 =	vmul.f32 v6, v17;
	v13 =	vnsel vm2, $0x0, v13;
	vm2 =	vge.f32 v15, v8;
	[tilespmem:s1+$0xC080] =	vst v10  }
0x2a9: {  	v15 =	vpop (erf);
	v10 =	vmul.f32 v5, v30;
	v11 =	vnsel vm1, $0x0, v11;
	[tilespmem:s1+$0xC0B0] =	vst v13;
	v13 =	vor.u32 s16, v0  }
0x2aa: {  	v15 =	vmul.f32 v6, v15;
	vm1 =	vge.f32 v12, v8;
	[tilespmem:s1+$0xC000] =	vst v11;
	v11 =	vnsel vm2, $0x0, v16  }
0x2ab: {  	v6 =	vmul.f32 v6, v29;
	v5 =	vmul.f32 v5, v9;
	v10 =	vnsel vm3, $0x0, v10;
	[tilespmem:s1+$0xC010] =	vst v11  }
0x2ac: {  	vm2 =	vge.f32 v7, v8;
	v8 =	vadd.s32 s22, v0;
	v7 =	vnsel vm1, $0x0, v15;
	[tilespmem:s1+$0xC090] =	vst v10  }
0x2ad: {  	v6 =	vnsel vm2, $0x0, v6;
	vm1 =	vge.f32 v14, v21;
	[tilespmem:s1+$0xC020] =	vst v7  }
0x2ae: {  	[tilespmem:s1+$0xC030] =	vst v6;
	v5 =	vnsel vm1, $0x0, v5  }
0x2af: {  	[tilespmem:s1+$0xC0A0] =	vst v5  }
0x2b0: {  	[tilespmem:v13+s20+$0x0] =	vst.idx.msk $0xff, v26  }
0x2b1: {  	s23 =	simm.s32 $0x0;
	s24 =	simm.s32 $0xC000;
	[tilespmem:v8+s20+$0x0] =	vst.idx.msk $0xff, v27  }
0x2b2: {  	[hbm4b:s11+s23] =	stream.linear.scatter [tilespmem:s24], [sflag:$0x2], $0x2000, $0x38;
	[tilespmem:$0x10800] =	vst v63  }
0x2b3: {  	_ = 	snop  }
0x2b4: {  	[hbm4b:s12+s23] =	stream.linear.scatter [tilespmem:s25], [sflag:$0x2], $0x200, $0x38;
	[tilespmem:$0x10800] =	vst v63  }
0x2b5: {  	_ =	swait.ge [sflag:s19], $0x2000  }
0x2b6: {  	[sflag:s19] =	ssyncset.done $0x0  }
0x2b7: {  	s0 =	simm.s32 $0x0;
	[sflag:s19] =	ssyncadd.s32 $0xFFFFE000  }
0x2b8: {  	v29 =	vld [tilespmem:s0+$0x6030]  }
0x2b9: {  	v24 =	vld [tilespmem:s0+$0x60B0]  }
0x2ba: {  	v30 =	vld [tilespmem:s0+$0x6020]  }
0x2bb: {  	v31 =	vld [tilespmem:s0+$0x6010];
	_ =	sdelay $0x1  }
0x2bc: {  	(xrf1) =	vsort.dscd.msk.f32 $0xffff, v29, v3  }
0x2bd: {  	(xrf1) =	vsort.dscd.msk.f32 $0xffff, v24, v3  }
0x2be: {  	v25 =	vld [tilespmem:s0+$0x6000];
	(xrf1) =	vsort.dscd.msk.f32 $0xffff, v30, v2  }
0x2bf: {  	(xrf1) =	vsort.dscd.msk.f32 $0xffff, v31, v1  }
0x2c0: {  	v33 =	vld [tilespmem:s0+$0x6090];
	_ =	sdelay $0x2  }
0x2c1: {  	v27 =	vld [tilespmem:s0+$0x60A0];
	(xrf1) =	vsort.dscd.msk.f32 $0xffff, v25, v0;
	_ =	sdelay $0x1  }
0x2c2: {  	v34 =	vld [tilespmem:s0+$0x6080];
	(xrf1) =	vsort.dscd.msk.f32 $0xffff, v33, v1;
	_ =	sdelay $0x2  }
0x2c3: {  	(xrf1) =	vsort.dscd.msk.f32 $0xffff, v27, v2;
	_ =	sdelay $0x1  }
0x2c4: {  	(xrf1) =	vsort.dscd.msk.f32 $0xffff, v34, v0;
	v5, v6, _ =	vpop (xrf1)  }
0x2c5: {  	v6 =	vperm.xlane v6, v4;
	v7, v8, _ =	vpop (xrf1)  }
0x2c6: {  	v5 =	vperm.xlane v5, v4;
	v9, v10, _ =	vpop (xrf1)  }
0x2c7: {  	v6 =	vsel vm0, v10, v6;
	v10, v11, _ =	vpop (xrf1)  }
0x2c8: {  	v5 =	vsel vm0, v9, v5;
	v9 =	vperm.xlane v10, v4;
	v10 =	vperm.xlane v11, v4;
	_ =	sdelay $0x2  }
0x2c9: {  	v11, v12, _ =	vpop (xrf1);
	(xrf1) =	vsort.dscd.msk.f32 $0xffff, v5, v6  }
0x2ca: {  	v5 =	vsel vm0, v11, v9;
	v6 =	vsel vm0, v12, v10  }
0x2cb: {  	v9, v10, _ =	vpop (xrf1);
	(xrf1) =	vsort.dscd.msk.f32 $0xffff, v5, v6  }
0x2cc: {  	v8 =	vperm.xlane v8, v4  }
0x2cd: {  	v7 =	vperm.xlane v7, v4  }
0x2ce: {  	v5 =	vperm.xlane v10, v4;
	v6, v10, _ =	vpop (xrf1)  }
0x2cf: {  	v9 =	vperm.xlane v9, v4;
	v6 =	vsel vm0, v6, v7;
	v7 =	vsel vm0, v10, v8  }
0x2d0: {  	v8, v10, _ =	vpop (xrf1);
	(xrf1) =	vsort.dscd.msk.f32 $0xffff, v6, v7  }
0x2d1: {  	s31 =	simm.s32 $0x100;
	v6 =	vsel vm0, v8, v9;
	v5 =	vsel vm0, v10, v5  }
0x2d2: {  	(xrf1) =	vsort.dscd.msk.f32 $0xffff, v6, v5;
	v6 =	vld [tilespmem:s31+$0x6030]  }
0x2d3: {  	v13 =	vld [tilespmem:s31+$0x60B0]  }
0x2d4: {  	v8 =	vld [tilespmem:s31+$0x6020]  }
0x2d5: {  	v9 =	vld [tilespmem:s31+$0x6010];
	_ =	sdelay $0x1  }
0x2d6: {  	v10 =	vld [tilespmem:s31+$0x6000];
	v5, v7, _ =	vpop (xrf1);
	(xrf1) =	vsort.dscd.msk.f32 $0xffff, v6, v3  }
0x2d7: {  	v12 =	vperm.xlane v5, v4;
	v7 =	vperm.xlane v7, v4;
	(xrf1) =	vsort.dscd.msk.f32 $0xffff, v13, v3  }
0x2d8: {  	(xrf1) =	vsort.dscd.msk.f32 $0xffff, v8, v2;
	v14, v15, _ =	vpop (xrf1)  }
0x2d9: {  	(xrf1) =	vsort.dscd.msk.f32 $0xffff, v9, v1;
	v12 =	vsel vm0, v14, v12;
	v7 =	vsel vm0, v15, v7  }
0x2da: {  	v11 =	vld [tilespmem:s31+$0x6090];
	(xrf1) =	vsort.dscd.msk.f32 $0xffff, v12, v7  }
0x2db: {  	v5 =	vld [tilespmem:s31+$0x60A0];
	(xrf1) =	vsort.dscd.msk.f32 $0xffff, v10, v0;
	_ =	sdelay $0x1  }
0x2dc: {  	v18 =	vld [tilespmem:s31+$0x6080];
	v7, v12, _ =	vpop (xrf1)  }
0x2dd: {  	v12 =	vperm.xlane v12, v4  }
0x2de: {  	(xrf1) =	vsort.dscd.msk.f32 $0xffff, v11, v1;
	v7 =	vperm.xlane v7, v4;
	v14, v15, _ =	vpop (xrf1)  }
0x2df: {  	(xrf1) =	vsort.dscd.msk.f32 $0xffff, v5, v2;
	v12 =	vsel vm0, v15, v12  }
0x2e0: {  	v7 =	vsel vm0, v14, v7  }
0x2e1: {  	(xrf1) =	vsort.dscd.msk.f32 $0xffff, v18, v0  }
0x2e2: {  	(xrf1) =	vsort.dscd.msk.f32 $0xffff, v7, v12  }
0x2e3: {  	v7, v12, _ =	vpop (xrf1)  }
0x2e4: {  	v12 =	vperm.xlane v12, v4;
	v14, v15, _ =	vpop (xrf1)  }
0x2e5: {  	v7 =	vperm.xlane v7, v4;
	v16, v17, _ =	vpop (xrf1)  }
0x2e6: {  	v12 =	vsel vm0, v17, v12;
	v17, v19, _ =	vpop (xrf1)  }
0x2e7: {  	v7 =	vsel vm0, v16, v7;
	v26, v21, _ =	vpop (xrf1);
	v16 =	vperm.xlane v17, v4;
	v17 =	vperm.xlane v19, v4  }
0x2e8: {  	v19, v20, _ =	vpop (xrf1)  }
0x2e9: {  	(xrf1) =	vsort.dscd.msk.f32 $0xffff, v7, v12;
	v12 =	vsel vm0, v20, v17  }
0x2ea: {  	v7 =	vsel vm0, v19, v16  }
0x2eb: {  	(xrf0) =	vmax.scan.msk.f32 $0xffff, v26  }
0x2ec: {  	v14 =	vperm.xlane v14, v4;
	v16, v17, _ =	vpop (xrf1)  }
0x2ed: {  	v15 =	vperm.xlane v15, v4;
	(xrf1) =	vsort.dscd.msk.f32 $0xffff, v7, v12;
	v7, v12, _ =	vpop (xrf1)  }
0x2ee: {  	v7 =	vsel vm0, v7, v14  }
0x2ef: {  	v19, v20, _ =	vpop (xrf1);
	v12 =	vsel vm0, v12, v15  }
0x2f0: {  	v22 =	vperm.xlane v17, v4;
	v23, v17, _ =	vpop (xrf1);
	(xrf1) =	vsort.dscd.msk.f32 $0xffff, v7, v12  }
0x2f1: {  	v16 =	vperm.xlane v16, v4;
	(xrf0) =	vmax.scan.msk.f32 $0xffff, v23;
	v7, _, _ =	vpop (xrf0)  }
0x2f2: {  	v28 =	vbroadcast v7, $0xF  }
0x2f3: {  	v12 =	vsel vm0, v19, v16;
	v14 =	vsel vm0, v20, v22  }
0x2f4: {  	s1 =	simm.s32 $0x200;
	(xrf1) =	vsort.dscd.msk.f32 $0xffff, v12, v14;
	v14 =	vsub.f32 v26, v28  }
0x2f5: {  	v7 =	vld [tilespmem:s1+$0x6030]  }
0x2f6: {  	v19 =	vld [tilespmem:s1+$0x60B0];
	v14 =	vmul.f32 $1.442695020e+00, v14  }
0x2f7: {  	v12 =	vld [tilespmem:s1+$0x6020];
	v15, _, _ =	vpop (xrf0)  }
0x2f8: {  	v45 =	vbroadcast v15, $0xF  }
0x2f9: {  	v16 =	vsub.f32 v29, v28;
	v15 =	vld [tilespmem:s1+$0x6010]  }
0x2fa: {  	(xrf1) =	vsort.dscd.msk.f32 $0xffff, v7, v3;
	(erf) = vpow2.f32 v14;
	v56 =	vsub.f32 v23, v45;
	v14, v20, _ =	vpop (xrf1)  }
0x2fb: {  	v22 =	vmul.f32 $1.442695020e+00, v16;
	v16 =	vld [tilespmem:s1+$0x6000];
	(xrf1) =	vsort.dscd.msk.f32 $0xffff, v19, v3;
	v57 =	vperm.xlane v14, v4  }
0x2fc: {  	(xrf1) =	vsort.dscd.msk.f32 $0xffff, v12, v2;
	v23 =	vnsel vm0, $0x7F800000, v23;
	v58 =	vperm.xlane v20, v4;
	v35 =	vmul.f32 $1.442695020e+00, v56;
	v20 =	vld [tilespmem:s1+$0x6090]  }
0x2fd: {  	(erf) = vpow2.f32 v22;
	(xrf0) =	vmin.scan.msk.f32 $0xffff, v23;
	v60, v59, _ =	vpop (xrf1);
	v14 =	vld [tilespmem:s1+$0x60A0]  }
0x2fe: {  	v22 =	vld [tilespmem:s1+$0x6080];
	(xrf1) =	vsort.dscd.msk.f32 $0xffff, v15, v1;
	v36 =	vsel vm0, v60, v57;
	v37 =	vsel vm0, v59, v58;
	(erf) = vpow2.f32 v35  }
0x2ff: {  	(xrf1) =	vsort.dscd.msk.f32 $0xffff, v36, v37  }
0x300: {  	v23, v61, _ =	vpop (xrf1);
	(xrf1) =	vsort.dscd.msk.f32 $0xffff, v16, v0  }
0x301: {  	v23 =	vperm.xlane v23, v4;
	v35 =	vperm.xlane v61, v4;
	(xrf1) =	vsort.dscd.msk.f32 $0xffff, v20, v1  }
0x302: {  	v62 =	vsub.f32 v25, v28;
	v46 =	vsub.f32 v31, v28;
	v36, v37, _ =	vpop (xrf1);
	(xrf1) =	vsort.dscd.msk.f32 $0xffff, v14, v2  }
0x303: {  	v23 =	vsel vm0, v36, v23;
	v35 =	vsel vm0, v37, v35;
	(xrf1) =	vsort.dscd.msk.f32 $0xffff, v22, v0  }
0x304: {  	v47 =	vnsel vm0, $0x7F800000, v26;
	v28 =	vsub.f32 v30, v28;
	v48 =	vsub.f32 v34, v45;
	v49, _, _ =	vpop (xrf0);
	(xrf1) =	vsort.dscd.msk.f32 $0xffff, v23, v35  }
0x305: {  	v50 =	vsub.f32 v24, v45;
	v52 =	vsub.f32 v33, v45;
	(xrf0) =	vmin.scan.msk.f32 $0xffff, v47;
	v63 =	vpop (erf)  }
0x306: {  	v26 =	vmul.f32 $1.442695020e+00, v28;
	v28 =	vmul.f32 $1.442695020e+00, v48;
	v56 =	vsub.f32 v27, v45;
	v23 =	vpop (erf)  }
0x307: {  	v32 =	vmul.f32 $1.442695020e+00, v50;
	v38 =	vmul.f32 $1.442695020e+00, v52;
	v51 =	vpop (erf)  }
0x308: {  	v44 =	vmul.f32 $1.442695020e+00, v56;
	v41 =	vbroadcast v49, $0xF;
	v55, v54, _ =	vpop (xrf1);
	v53 =	vnsel vm0, $0x0, v51  }
0x309: {  	v36 =	vmul.f32 $1.442695020e+00, v62;
	v58, v57, _ =	vpop (xrf1);
	v59 =	vperm.xlane v54, v4;
	(xrf2) =	vadd.scan.msk.f32 $0xffff, v53  }
0x30a: {  	v37 =	vnsel vm0, $0x0, v63;
	v35 =	vmul.f32 $1.442695020e+00, v46;
	v62 =	vperm.xlane v55, v4;
	v61, v60, _ =	vpop (xrf1)  }
0x30b: {  	vm2 =	vge.f32 v34, v41;
	(erf) = vpow2.f32 v36;
	v52, _, _ =	vpop (xrf0);
	v39 =	vsel vm0, v60, v59  }
0x30c: {  	vm3 =	vge.f32 v24, v41;
	(erf) = vpow2.f32 v35;
	v34 =	vsel vm0, v61, v62;
	(xrf2) =	vadd.scan.msk.f32 $0xffff, v37;
	v48, v63, _ =	vpop (xrf1)  }
0x30d: {  	vm4 =	vge.f32 v33, v41;
	(erf) = vpow2.f32 v44;
	v47 =	vbroadcast v52, $0xF;
	v40, v24, _ =	vpop (xrf1)  }
0x30e: {  	vm1 =	vge.f32 v27, v41;
	v50 =	vperm.xlane v48, v4;
	v51 =	vperm.xlane v63, v4;
	v55, v54, _ =	vpop (xrf1);
	(xrf0) =	vmax.scan.msk.f32 $0xffff, v40  }
0x30f: {  	v49 =	vperm.xlane v58, v4;
	v53 =	vperm.xlane v57, v4;
	(xrf1) =	vsort.dscd.msk.f32 $0xffff, v34, v39;
	v34, v39, _ =	vpop (xrf1)  }
0x310: {  	vm5 =	vge.f32 v25, v47;
	v33 =	vsel vm0, v55, v50;
	v56 =	vsel vm0, v54, v51;
	v27, v58, _ =	vpop (xrf1)  }
0x311: {  	v57 =	vperm.xlane v39, v4;
	(xrf1) =	vsort.dscd.msk.f32 $0xffff, v33, v56;
	v34 =	vperm.xlane v34, v4;
	v61, v60, _ =	vpop (xrf1)  }
0x312: {  	vm6 =	vge.f32 v31, v47;
	v59 =	vsel vm0, v27, v49;
	v33 =	vsel vm0, v58, v53;
	v41, v25, _ =	vpop (xrf1)  }
0x313: {  	(erf) = vpow2.f32 v38;
	(xrf1) =	vsort.dscd.msk.f32 $0xffff, v59, v33;
	v31 =	vsel vm0, v61, v34;
	v62 =	vsel vm0, v60, v57;
	v63, _, _ =	vpop (xrf2)  }
0x314: {  	s18 =	simm.s32 $0x600;
	s17 =	simm.s32 $0x608;
	vm8 =	vge.f32 v30, v47;
	vm7 =	vge.f32 v29, v47;
	v27 =	vnsel vm0, $0x7F800000, v40;
	(xrf1) =	vsort.dscd.msk.f32 $0xffff, v31, v62;
	v30, _, _ =	vpop (xrf0)  }
0x315: {  	s21 =	simm.s32 $0xC4;
	s16 =	simm.s32 $0x608;
	s22 =	simm.s32 $0x800;
	v36 =	vnsel vm0, $0x7F800000, v41;
	v42 =	vbroadcast v63, $0xF;
	(xrf0) =	vmax.scan.msk.f32 $0xffff, v41;
	v34 =	vbroadcast v30, $0xF  }
.LBB2_8:
0x316: {  	v31, _, _ =	vpop (xrf2);
	(erf) = vpow2.f32 v32;
	v29 =	vmov v12;
	v30 =	vmov v9  }
0x317: {  	s21 =	sadd.s32 $0x2, s21;
	s16 =	sadd.s32 $0x10, s16;
	v9 =	vmovc v15;
	v33 =	vmovc v5;
	v5 =	vmov v14;
	v39 =	vmov v18;
	v18 =	vmov v22  }
0x318: {  	p0 =	slt.u32 s21, $0xFE;
	v12 =	vsub.f32 v40, v34;
	v14 =	vsub.f32 v10, v34;
	s24 =	sadd.s32 $0xFFFFFFF8, s16;
	v15 =	vbroadcast v31, $0xF;
	v43 =	vpop (erf)  }
0x319: {  	s22 =	sadd.s32 $0x400, s22;
	v22 =	vsub.f32 v30, v34;
	v32 =	vsub.f32 v8, v34;
	v44 =	vpop (erf);
	(erf) = vpow2.f32 v28  }
0x31a: {  	s23 =	sshra.s32 s22, $0x2;
	v28 =	vmul.f32 $1.442695020e+00, v12;
	v38 =	vmul.f32 $1.442695020e+00, v14;
	v14 =	vsub.f32 v6, v34;
	v45 =	vpop (erf)  }
0x31b: {  	v35 =	vmovc v10;
	v10 =	vmovc v16;
	v40 =	vmov v11;
	v37 =	vmul.f32 $1.442695020e+00, v22;
	v31 =	vld [tilespmem:s23+$0x6030];
	(erf) = vrcp.f32 v15  }
0x31c: {  	v11 =	vmov v20;
	v16 =	vmul.f32 $1.442695020e+00, v32;
	v34 =	vld [tilespmem:s23+$0x60B0];
	v15, _, _ =	vpop (xrf0);
	(erf) = vrcp.f32 v42  }
0x31d: {  	v46 =	vmov v21;
	v12 =	vld [tilespmem:s23+$0x6020];
	v32 =	vbroadcast v15, $0xF;
	(erf) = vpow2.f32 v28;
	v42 =	vpop (erf)  }
0x31e: {  	v53 =	vmul.f32 $1.442695020e+00, v14;
	v15 =	vld [tilespmem:s23+$0x6010];
	v20, v21, _ =	vpop (xrf1);
	(erf) = vpow2.f32 v26;
	v26 =	vmov v16  }
0x31f: {  	v14 =	vld [tilespmem:s23+$0x60A0];
	v20 =	vperm.xlane v20, v4;
	v52 =	vperm.xlane v21, v4;
	v47, v48, _ =	vpop (xrf1);
	v41 =	vsub.f32 v41, v32  }
0x320: {  	v49 =	vsub.f32 v39, v32;
	v50 =	vsub.f32 v13, v32;
	v22 =	vld [tilespmem:s23+$0x6080];
	(xrf1) =	vsort.dscd.msk.f32 $0xffff, v31, v3;
	(erf) = vpow2.f32 v53;
	v51 =	vpop (erf)  }
0x321: {  	v16 =	vld [tilespmem:s23+$0x6000];
	(xrf1) =	vsort.dscd.msk.f32 $0xffff, v34, v3;
	v47 =	vsel vm0, v47, v20;
	v48 =	vsel vm0, v48, v52;
	v21, v28, _ =	vpop (xrf1);
	v41 =	vmul.f32 $1.442695020e+00, v41  }
0x322: {  	v20 =	vld [tilespmem:s23+$0x6090];
	(xrf1) =	vsort.dscd.msk.f32 $0xffff, v12, v2;
	v52 =	vperm.xlane v21, v4;
	v53 =	vperm.xlane v28, v4;
	v54 =	vpop (erf);
	v21 =	vmov v24  }
0x323: {  	v28 =	vmul.f32 $1.442695020e+00, v49;
	v49 =	vsub.f32 v40, v32;
	(xrf1) =	vsort.dscd.msk.f32 $0xffff, v15, v1;
	v24, v55, _ =	vpop (xrf1);
	(erf) = vpow2.f32 v41  }
0x324: {  	v41 =	vsub.f32 v33, v32;
	v32 =	vmul.f32 $1.442695020e+00, v50;
	v24 =	vsel vm0, v24, v52;
	(xrf1) =	vsort.dscd.msk.f32 $0xffff, v47, v48;
	v47 =	vpop (erf)  }
0x325: {  	v48 =	vsel vm0, v55, v53;
	(xrf0) =	vmin.scan.msk.f32 $0xffff, v36;
	v36 =	vmul.f32 v47, v43;
	v43 =	vmul.f32 v47, v44;
	v44 =	vpop (erf)  }
0x326: {  	v52 =	vor.u32 s18, v0;
	s18 =	smov.u32 s24;
	(xrf1) =	vsort.dscd.msk.f32 $0xffff, v16, v0;
	v50 =	vpop (erf);
	v53 =	vmul.f32 v44, v54;
	v51 =	vmul.f32 v44, v51  }
0x327: {  	v42 =	vmul.f32 v44, v42;
	v44 =	vmul.f32 v44, v45;
	v45 =	vpop (erf)  }
0x328: {  	(xrf1) =	vsort.dscd.msk.f32 $0xffff, v20, v1;
	v50 =	vnsel vm0, $0x0, v50;
	v45 =	vmul.f32 v47, v45  }
0x329: {  	v54 =	vmovc v17;
	(xrf1) =	vsort.dscd.msk.f32 $0xffff, v14, v2;
	v53 =	vnsel vm2, $0x0, v53;
	v51 =	vnsel vm3, $0x0, v51;
	v47 =	vmul.f32 v47, v23  }
0x32a: {  	v42 =	vnsel vm4, $0x0, v42;
	(xrf1) =	vsort.dscd.msk.f32 $0xffff, v22, v0;
	v23 =	vpop (erf);
	[tilespmem:s0+$0xE080] =	vst v53  }
0x32b: {  	v17 =	vmovc v25;
	(xrf1) =	vsort.dscd.msk.f32 $0xffff, v24, v48;
	v24 =	vnsel vm5, $0x0, v36;
	v36 =	vnsel vm8, $0x0, v45;
	[tilespmem:s0+$0xE0B0] =	vst v51  }
0x32c: {  	v44 =	vnsel vm1, $0x0, v44;
	v25, _, _ =	vpop (xrf0);
	[tilespmem:s0+$0xE000] =	vst v24;
	v24 =	vnsel vm6, $0x0, v43;
	v43 =	vnsel vm7, $0x0, v47  }
0x32d: {  	v41 =	vmul.f32 $1.442695020e+00, v41;
	v45 =	vmul.f32 $1.442695020e+00, v49;
	v48 =	vadd.s32 s17, v0;
	s17 =	smov.u32 s16;
	v47 =	vpop (erf);
	[tilespmem:s0+$0xE010] =	vst v24  }
0x32e: {  	v25 =	vbroadcast v25, $0xF;
	v24 =	vnsel vm0, $0x0, v47;
	(xrf0) =	vmin.scan.msk.f32 $0xffff, v27;
	[tilespmem:s0+$0xE090] =	vst v42  }
0x32f: {  	v27, v42, _ =	vpop (xrf1);
	[tilespmem:s0+$0xE020] =	vst v36  }
0x330: {  	vm2 =	vge.f32 v39, v25;
	v36 =	vperm.xlane v42, v4;
	v42, v47, _ =	vpop (xrf1);
	(xrf2) =	vadd.scan.msk.f32 $0xffff, v24;
	[tilespmem:s0+$0xE030] =	vst v43  }
0x331: {  	vm3 =	vge.f32 v13, v25;
	v13 =	vmov v19;
	v49 =	vperm.xlane v27, v4;
	v27, v39, _ =	vpop (xrf1);
	[tilespmem:v52+s20+$0x0] =	vst.idx.msk $0xff, v46  }
0x332: {  	vm4 =	vge.f32 v40, v25;
	v19 =	vsel vm0, v39, v36;
	v36 =	vperm.xlane v42, v4;
	v39, v42, _ =	vpop (xrf1);
	[tilespmem:s0+$0xE0A0] =	vst v44;
	s0 =	smov.u32 s31;
	s31 =	smov.u32 s1;
	s1 =	smov.u32 s23  }
0x333: {  	v43 =	vsel vm0, v27, v49;
	v44 =	vperm.xlane v47, v4;
	v40, v24, _ =	vpop (xrf1);
	(xrf2) =	vadd.scan.msk.f32 $0xffff, v50;
	[tilespmem:v48+s20+$0x0] =	vst.idx.msk $0xff, v54  }
0x334: {  	vm1 =	vge.f32 v33, v25;
	v39 =	vperm.xlane v39, v4;
	v42 =	vperm.xlane v42, v4;
	v25, _, _ =	vpop (xrf0)  }
0x335: {  	v33, v46, _ =	vpop (xrf1)  }
0x336: {  	v47 =	vbroadcast v25, $0xF;
	v25 =	vsel vm0, v33, v39  }
0x337: {  	v27 =	vnsel vm0, $0x7F800000, v40;
	(xrf0) =	vmax.scan.msk.f32 $0xffff, v40;
	(erf) = vpow2.f32 v38  }
0x338: {  	v39 =	vsel vm0, v46, v42;
	(xrf1) =	vsort.dscd.msk.f32 $0xffff, v43, v19;
	v19, v38, _ =	vpop (xrf1);
	(erf) = vpow2.f32 v37  }
0x339: {  	v37 =	vperm.xlane v38, v4;
	(xrf1) =	vsort.dscd.msk.f32 $0xffff, v25, v39;
	vm5 =	vge.f32 v35, v47;
	(erf) = vpow2.f32 v41;
	v25, v33, _ =	vpop (xrf1)  }
.Ltmp3:
0x33a: {  	v35 =	vperm.xlane v19, v4;
	v39 =	vsel vm0, v25, v36;
	v38 =	vsel vm0, v33, v44;
	v33, v36, _ =	vpop (xrf1);
	(pc) =	sbr.rel @p0 .LBB2_8-.Ltmp3, $4  }
0x33b: {  	vm6 =	vge.f32 v30, v47;
	vm8 =	vge.f32 v8, v47;
	v19 =	vmov v34;
	(xrf1) =	vsort.dscd.msk.f32 $0xffff, v39, v38;
	v41, v25, _ =	vpop (xrf1)  }
0x33c: {  	v34 =	vsel vm0, v33, v35;
	v30 =	vsel vm0, v36, v37;
	v33, _, _ =	vpop (xrf2);
	(erf) = vpow2.f32 v45  }
0x33d: {  	vm7 =	vge.f32 v6, v47;
	v36 =	vnsel vm0, $0x7F800000, v41;
	(xrf1) =	vsort.dscd.msk.f32 $0xffff, v34, v30;
	v8, _, _ =	vpop (xrf0);
	v42 =	vbroadcast v33, $0xF  }
0x33e: {  	v6 =	vmovc v7;
	v7 =	vmov v31;
	v34 =	vbroadcast v8, $0xF;
	(xrf0) =	vmax.scan.msk.f32 $0xffff, v41;
	v8 =	vmov v29  }
0x33f: {  	_ =	sdelay $0x4  }
0x340: {  	v29, _, _ =	vpop (xrf2);
	(erf) = vpow2.f32 v32;
	v30 =	vsub.f32 v40, v34  }
0x341: {  	v29 =	vbroadcast v29, $0xF;
	(erf) = vpow2.f32 v28;
	v44, _, _ =	vpop (xrf0)  }
0x342: {  	v40 =	vmul.f32 $1.442695020e+00, v30;
	v30 =	vbroadcast v44, $0xF;
	v46, v45, _ =	vpop (xrf1)  }
0x343: {  	v43 =	vsub.f32 v6, v34;
	(erf) = vrcp.f32 v29;
	v48 =	vperm.xlane v45, v4  }
0x344: {  	(erf) = vrcp.f32 v42;
	v47 =	vperm.xlane v46, v4;
	v49 =	vsub.f32 v41, v30;
	v35, v37, _ =	vpop (xrf1)  }
0x345: {  	v31 =	vpop (erf);
	v29 =	vmul.f32 $1.442695020e+00, v43;
	(erf) = vpow2.f32 v40;
	v28 =	vsel vm0, v37, v48  }
0x346: {  	(erf) = vpow2.f32 v26;
	v26 =	vsel vm0, v35, v47;
	v50, v51, _ =	vpop (xrf1);
	v32 =	vmul.f32 $1.442695020e+00, v49  }
0x347: {  	v33 =	vpop (erf);
	v35 =	vperm.xlane v51, v4;
	(xrf1) =	vsort.dscd.msk.f32 $0xffff, v26, v28  }
0x348: {  	(erf) = vpow2.f32 v29;
	v37 =	vpop (erf);
	v29 =	vperm.xlane v50, v4  }
0x349: {  	(erf) = vpow2.f32 v32;
	v26, v28, _ =	vpop (xrf1)  }
0x34a: {  	v32 =	vpop (erf);
	v26 =	vsel vm0, v26, v29;
	v28 =	vsel vm0, v28, v35  }
0x34b: {  	v35 =	vpop (erf);
	(xrf1) =	vsort.dscd.msk.f32 $0xffff, v26, v28  }
0x34c: {  	v38 =	vpop (erf)  }
0x34d: {  	v39 =	vpop (erf)  }
0x34e: {  	v40 =	vpop (erf)  }
0x34f: {  	v52 =	vpop (erf)  }
0x350: {  	v41 =	vpop (erf)  }
0x351: {  	v26 =	vnsel vm0, $0x0, v52;
	v28 =	vpop (erf)  }
0x352: {  	(xrf0) =	vmin.scan.msk.f32 $0xffff, v36;
	v53 =	vpop (erf)  }
0x353: {  	(xrf0) =	vmin.scan.msk.f32 $0xffff, v27;
	v29 =	vnsel vm0, $0x0, v53  }
0x354: {  	(xrf2) =	vadd.scan.msk.f32 $0xffff, v29  }
0x355: {  	(xrf2) =	vadd.scan.msk.f32 $0xffff, v26;
	v36, v26, _ =	vpop (xrf1)  }
0x356: {  	v54 =	vsub.f32 v10, v34;
	v55 =	vsub.f32 v9, v34;
	(xrf0) =	vmax.scan.msk.f32 $0xffff, v36  }
0x357: {  	v43 =	vsub.f32 v18, v30  }
0x358: {  	v42 =	vmul.f32 $1.442695020e+00, v55;
	v46 =	vsub.f32 v5, v30;
	v29 =	vmul.f32 $1.442695020e+00, v54  }
0x359: {  	v44 =	vsub.f32 v13, v30;
	v30 =	vsub.f32 v11, v30;
	v43 =	vmul.f32 $1.442695020e+00, v43;
	v45, v27, _ =	vpop (xrf1)  }
0x35a: {  	v46 =	vmul.f32 $1.442695020e+00, v46;
	v47, _, _ =	vpop (xrf0);
	(erf) = vpow2.f32 v29;
	(xrf0) =	vmax.scan.msk.f32 $0xffff, v45  }
0x35b: {  	v30 =	vmul.f32 $1.442695020e+00, v30;
	v48, _, _ =	vpop (xrf0);
	(erf) = vpow2.f32 v42  }
0x35c: {  	v44 =	vmul.f32 $1.442695020e+00, v44;
	(erf) = vpow2.f32 v46;
	v56, _, _ =	vpop (xrf0)  }
0x35d: {  	(erf) = vpow2.f32 v30;
	v46 =	vbroadcast v56, $0xF  }
0x35e: {  	(erf) = vpow2.f32 v44;
	v57, _, _ =	vpop (xrf2)  }
0x35f: {  	(erf) = vpow2.f32 v43;
	v59, _, _ =	vpop (xrf2);
	v60 =	vsub.f32 v36, v46  }
0x360: {  	v58 =	vbroadcast v57, $0xF;
	v30 =	vbroadcast v59, $0xF;
	v61, _, _ =	vpop (xrf0)  }
0x361: {  	v62 =	vsub.f32 v8, v34;
	v42 =	vmul.f32 $1.442695020e+00, v60;
	v63 =	vbroadcast v61, $0xF  }
0x362: {  	v51 =	vsub.f32 v7, v46;
	(erf) = vrcp.f32 v30  }
0x363: {  	v52 =	vmul.f32 $1.442695020e+00, v62;
	(erf) = vrcp.f32 v58;
	v53 =	vsub.f32 v45, v63  }
0x364: {  	v54 =	vmul.f32 $1.442695020e+00, v51;
	(erf) = vpow2.f32 v42  }
0x365: {  	v42 =	vpop (erf);
	(erf) = vpow2.f32 v52;
	v29 =	vmul.f32 $1.442695020e+00, v53  }
0x366: {  	v30 =	vpop (erf);
	(erf) = vpow2.f32 v54  }
0x367: {  	v34 =	vpop (erf);
	(erf) = vpow2.f32 v29  }
0x368: {  	v44 =	vpop (erf)  }
0x369: {  	v49 =	vpop (erf)  }
0x36a: {  	v50 =	vpop (erf)  }
0x36b: {  	v51 =	vpop (erf)  }
0x36c: {  	v52 =	vpop (erf)  }
0x36d: {  	v53 =	vpop (erf)  }
0x36e: {  	v54 =	vpop (erf)  }
0x36f: {  	v29 =	vpop (erf)  }
0x370: {  	v31 =	vmul.f32 v39, v31;
	v33 =	vmul.f32 v39, v33;
	v55 =	vpop (erf)  }
0x371: {  	v23 =	vmul.f32 v39, v23;
	v38 =	vmul.f32 v40, v38;
	v55 =	vnsel vm0, $0x0, v55  }
0x372: {  	v35 =	vmul.f32 v40, v35;
	v32 =	vmul.f32 v40, v32;
	(xrf2) =	vadd.scan.msk.f32 $0xffff, v55;
	v55 =	vnsel vm0, $0x0, v53  }
0x373: {  	v37 =	vmul.f32 v40, v37;
	v31 =	vnsel vm5, $0x0, v31;
	v33 =	vnsel vm6, $0x0, v33;
	(xrf2) =	vadd.scan.msk.f32 $0xffff, v55  }
0x374: {  	v23 =	vnsel vm7, $0x0, v23;
	v38 =	vnsel vm2, $0x0, v38;
	v35 =	vnsel vm3, $0x0, v35  }
0x375: {  	v32 =	vnsel vm4, $0x0, v32;
	v56 =	vmul.f32 v39, v41;
	v41 =	vbroadcast v47, $0xF  }
0x376: {  	[tilespmem:s0+$0xE080] =	vst v38;
	v38 =	vor.u32 s18, v0;
	v57 =	vsub.f32 v16, v46;
	v58 =	vsub.f32 v15, v46  }
0x377: {  	vm2 =	vge.f32 v18, v41;
	v60 =	vsub.f32 v14, v63;
	v61 =	vsub.f32 v20, v63  }
0x378: {  	v39 =	vmul.f32 $1.442695020e+00, v57;
	v62 =	vsub.f32 v19, v63;
	v59 =	vmul.f32 $1.442695020e+00, v58  }
0x379: {  	v63 =	vsub.f32 v22, v63;
	v18 =	vmul.f32 $1.442695020e+00, v60;
	v43 =	vmul.f32 $1.442695020e+00, v61  }
0x37a: {  	[tilespmem:s0+$0xE000] =	vst v31;
	vm3 =	vge.f32 v13, v41;
	v13 =	vmul.f32 $1.442695020e+00, v62;
	(erf) = vpow2.f32 v39  }
0x37b: {  	[tilespmem:s0+$0xE010] =	vst v33;
	v45 =	vnsel vm0, $0x7F800000, v45;
	v31 =	vmul.f32 $1.442695020e+00, v63;
	(erf) = vpow2.f32 v59  }
0x37c: {  	s16 =	sadd.s32 $0x10, s16;
	v40 =	vnsel vm8, $0x0, v56;
	(xrf0) =	vmin.scan.msk.f32 $0xffff, v45;
	v60 =	vbroadcast v48, $0xF;
	(erf) = vpow2.f32 v18;
	v47, _, _ =	vpop (xrf2)  }
0x37d: {  	s24 =	sadd.s32 $0xFFFFFFF8, s16;
	[tilespmem:s0+$0xE030] =	vst v23;
	v56 =	vadd.s32 s17, v0;
	v30 =	vmul.f32 v51, v30;
	(erf) = vpow2.f32 v43;
	v55, _, _ =	vpop (xrf2)  }
0x37e: {  	[tilespmem:s0+$0xE020] =	vst v40;
	v40 =	vor.u32 s24, v0;
	(erf) = vpow2.f32 v13;
	v57 =	vbroadcast v55, $0xF  }
0x37f: {  	[tilespmem:s0+$0xE0B0] =	vst v35;
	v61 =	vsub.f32 v12, v46;
	(erf) = vpow2.f32 v31;
	v58 =	vbroadcast v47, $0xF  }
0x380: {  	[tilespmem:s0+$0xE090] =	vst v32;
	vm15 =	vge.f32 v9, v60;
	v62 =	vmul.f32 v52, v50;
	(erf) = vrcp.f32 v57  }
0x381: {  	[tilespmem:v38+s20+$0x0] =	vst.idx.msk $0xff, v21;
	v35 =	vmul.f32 v52, v49;
	v46 =	vnsel vm15, $0x0, v30;
	(erf) = vrcp.f32 v58  }
0x382: {  	v39, _, _ =	vpop (xrf0);
	v59 =	vnsel vm0, $0x7F800000, v36;
	v36 =	vmul.f32 $1.442695020e+00, v61;
	v38 =	vnsel vm2, $0x0, v62;
	[tilespmem:s31+$0xE010] =	vst v46  }
0x383: {  	v9 =	vnsel vm3, $0x0, v35;
	v45 =	vmul.f32 v51, v54;
	[tilespmem:s31+$0xE080] =	vst v38;
	v43 =	vmul.f32 v52, v44;
	v63 =	vpop (erf)  }
0x384: {  	[tilespmem:s31+$0xE0B0] =	vst v9;
	v53 =	vnsel vm1, $0x0, v37;
	vm1 =	vge.f32 v11, v41;
	v37 =	vmul.f32 v51, v42;
	v42 =	vpop (erf)  }
0x385: {  	vm2 =	vge.f32 v8, v60;
	(xrf0) =	vmin.scan.msk.f32 $0xffff, v59;
	[tilespmem:s0+$0xE0A0] =	vst v53;
	v49 =	vnsel vm1, $0x0, v43;
	v44 =	vpop (erf)  }
0x386: {  	vm1 =	vge.f32 v6, v60;
	v6 =	vnsel vm2, $0x0, v45;
	[tilespmem:v56+s20+$0x0] =	vst.idx.msk $0xff, v17;
	v47 =	vpop (erf);
	(erf) = vpow2.f32 v36  }
0x387: {  	vm14 =	vge.f32 v10, v60;
	v48 =	vmul.f32 v51, v28;
	[tilespmem:s31+$0xE090] =	vst v49;
	v50 =	vpop (erf)  }
0x388: {  	v51 =	vadd.s32 s16, v0;
	v13 =	vnsel vm14, $0x0, v37;
	[tilespmem:s31+$0xE020] =	vst v6;
	v53 =	vpop (erf)  }
0x389: {  	v54 =	vmul.f32 v52, v34;
	v21 =	vbroadcast v39, $0xF;
	v8 =	vnsel vm1, $0x0, v48;
	[tilespmem:s31+$0xE000] =	vst v13;
	v6 =	vpop (erf)  }
0x38a: {  	vm1 =	vge.f32 v5, v41;
	[tilespmem:s31+$0xE030] =	vst v8;
	v5 =	vpop (erf)  }
0x38b: {  	vm3 =	vge.f32 v20, v21;
	v56, _, _ =	vpop (xrf0);
	[tilespmem:v40+s20+$0x0] =	vst.idx.msk $0xff, v24;
	v55 =	vnsel vm1, $0x0, v54;
	v10 =	vmul.f32 v5, v53  }
0x38c: {  	vm1 =	vge.f32 v22, v21;
	[tilespmem:s31+$0xE0A0] =	vst v55;
	v57 =	vbroadcast v56, $0xF;
	v13 =	vmul.f32 v5, v50  }
0x38d: {  	vm2 =	vge.f32 v19, v21;
	[tilespmem:v51+s20+$0x0] =	vst.idx.msk $0xff, v25;
	v11 =	vmul.f32 v6, v63;
	v10 =	vnsel vm1, $0x0, v10  }
0x38e: {  	s31 =	sadd.s32 $0x10, s16;
	v58 =	vmul.f32 v6, v42;
	vm1 =	vge.f32 v16, v57;
	v13 =	vnsel vm2, $0x0, v13;
	[tilespmem:s1+$0xE080] =	vst v10  }
0x38f: {  	s16 =	sadd.s32 $0xFFFFFFF8, s31;
	v59 =	vmul.f32 v5, v47;
	v60 =	vpop (erf);
	vm2 =	vge.f32 v15, v57;
	v11 =	vnsel vm1, $0x0, v11;
	[tilespmem:s1+$0xE0B0] =	vst v13  }
0x390: {  	v61 =	vor.u32 s16, v0;
	v15 =	vmul.f32 v6, v60;
	v62 =	vnsel vm2, $0x0, v58;
	[tilespmem:s1+$0xE000] =	vst v11  }
0x391: {  	v6 =	vmul.f32 v6, v29;
	vm1 =	vge.f32 v12, v57;
	v10 =	vnsel vm3, $0x0, v59;
	[tilespmem:s1+$0xE010] =	vst v62  }
0x392: {  	v63 =	vadd.s32 s31, v0;
	vm2 =	vge.f32 v7, v57;
	v7 =	vnsel vm1, $0x0, v15;
	[tilespmem:s1+$0xE090] =	vst v10  }
0x393: {  	v5 =	vmul.f32 v5, v44;
	v6 =	vnsel vm2, $0x0, v6;
	[tilespmem:s1+$0xE020] =	vst v7  }
0x394: {  	vm1 =	vge.f32 v14, v21;
	[tilespmem:s1+$0xE030] =	vst v6  }
0x395: {  	v5 =	vnsel vm1, $0x0, v5;
	[tilespmem:v61+s20+$0x0] =	vst.idx.msk $0xff, v26  }
0x396: {  	[tilespmem:s1+$0xE0A0] =	vst v5  }
0x397: {  	[tilespmem:v63+s20+$0x0] =	vst.idx.msk $0xff, v27  }
0x398: {  	[hbm4b:s13+s2] =	stream.linear.scatter [tilespmem:s26], [sflag:$0x2], $0x2000, $0x38;
	[tilespmem:$0x10800] =	vst v63  }
0x399: {  	_ = 	snop  }
0x39a: {  	[hbm4b:s14+s2] =	stream.linear.scatter [tilespmem:s28], [sflag:$0x2], $0x200, $0x38;
	[tilespmem:$0x10800] =	vst v63  }
0x39b: {  	_ =	swait.ge [sflag:s29], $0x2000  }
0x39c: {  	[sflag:s29] =	ssyncset.done $0x0  }
0x39d: {  	[sflag:s29] =	ssyncadd.s32 $0xFFFFE000  }
0x39e: {  	_ =	swait.ge [sflag:s29], $0x200  }
0x39f: {  	[sflag:s29] =	ssyncset.done $0x0  }
0x3a0: {  	[sflag:s29] =	ssyncadd.s32 $0xFFFFFE00  }
0x3a1: {  	_ =	swait.ge [sflag:s29], $0x2000  }
0x3a2: {  	[sflag:s29] =	ssyncset.done $0x0  }
0x3a3: {  	[sflag:s29] =	ssyncadd.s32 $0xFFFFE000  }
0x3a4: {  	_ =	swait.ge [sflag:s29], $0x200  }
0x3a5: {  	[sflag:s29] =	ssyncset.done $0x0  }
0x3a6: {  	[sflag:s29] =	ssyncadd.s32 $0xFFFFFE00  }
0x3a7: {  	_ =	swait.ge [sflag:s29], $0x2000  }
0x3a8: {  	[sflag:s29] =	ssyncset.done $0x0  }
0x3a9: {  	[sflag:s29] =	ssyncadd.s32 $0xFFFFE000  }
0x3aa: {  	_ =	swait.ge [sflag:s29], $0x200  }
0x3ab: {  	[sflag:s29] =	ssyncset.done $0x0  }
0x3ac: {  	s30 =	sadd.s32 $0x1, s30;
	[sflag:s29] =	ssyncadd.s32 $0xFFFFFE00  }
0x3ad: {  	p0 =	sne.s32 s30, s15;
	_ =	swait.ge [sflag:s29], $0x2000  }
.Ltmp4:
0x3ae: {  	[sflag:s29] =	ssyncset.done $0x0;
	(pc) =	sbr.rel @p0 .LBB2_1-.Ltmp4, $4  }
0x3af: {  	[sflag:s29] =	ssyncadd.s32 $0xFFFFE000  }
0x3b0: {  	_ =	swait.ge [sflag:s29], $0x200  }
0x3b1: {  	[sflag:s29] =	ssyncset.done $0x0  }
0x3b2: {  	[sflag:s29] =	ssyncadd.s32 $0xFFFFFE00  }
0x3b3: {  	_ =	sfence.sel $0x180000  }
0x3b4: {  	[bflag:$0x0] =	sbarrier.arrive $0xFFFF  }
0x3b5: {  	_ =	strace $0x90000047  }
0x3b6: {  	s0 =	stileid.u32;
	[bflag:$0x2] =	sbarrier.arrive $0xFFFF  }
0x3b7: {  	p0 =	sne.s32 s0, $0x0;
	s0 =	rddreg [dreg:$0x2]  }
0x3b8: {  	s0 =	sadd.s32 @!p0 $0x100000, s0  }
0x3b9: {  	[sflag:s0] =	ssyncadd.tile.s32 @!p0 $0x1;
	_ =	shalt  }
.Lfunc_end2:
_tile_overlayer_lowered:
.L_overlay_start_2:
0x3ba: {  	(tag) =	ssettag $0x2  }
0x3bb: {  	s0 =	rddreg [dreg:$0x0];
	s2 =	stileid.u32  }
0x3bc: {  	s1 =	rddreg [dreg:$0x1];
	p0 =	sne.s32 s2, $0x0  }
0x3bd: {  	s3 =	rddreg [dreg:$0x2];
	[bflag:$0x3] =	sbarrier.arrive $0xFFFF;
	s2 =	simm.s32 @!p0 $0x1C03  }
0x3be: {  	[timem:s3], [sflag:s2] =	dma.local @!p0 [hbm:s0], s1  }
0x3bf: {  	s0 =	simm.s32 @!p0 $0x3  }
0x3c0: {  	_ =	swait.ge @!p0 [sflag:s0], s1  }
0x3c1: {  	s1 =	ssub.s32 @!p0 $0x0, s1;
	[sflag:s0] =	ssyncset.done @!p0 $0x0  }
0x3c2: {  	[sflag:s0] =	ssyncadd.s32 @!p0 s1  }
0x3c3: {  	[bflag:$0x3] =	sbarrier.arrive $0xFFFF  }
0x3c4: {  	_ =	shalt  }

</sc_bundles>
